<compile_context>
chip_gen: v7x
topology: tpu7x:2x2x1
jax: 0.10.2.dev20260603
libtpu: 0.0.44.dev20260713+nightly
codegen_flags: <defaults>
</compile_context>

<pallas_src>
import functools

import jax
import jax.numpy as jnp
from jax import lax
from jax.experimental import pallas as pl
from jax.experimental.pallas import tpu as pltpu
from jax.experimental.pallas import tpu_sc as plsc

NUM_EXPERTS = 8
TOP_K = 2
HIDDEN = 1024
FFN = 4096
FBLK = 1024
QUAR = FBLK // 4
TOKENS = 128
LANES = 16


def _logits_kernel(x_ref, gate_ref, out_ref):
    out_ref[...] = jnp.dot(gate_ref[...], x_ref[...].T,
                           preferred_element_type=jnp.float32)


def _route_sc_kernel(logits_hbm, out_hbm, logits_v, wmat_v):
    wid = lax.axis_index("s") * 2 + lax.axis_index("c")

    @pl.when(wid == 0)
    def _():
        pltpu.sync_copy(logits_hbm, logits_v)
        one = jnp.ones((LANES,), jnp.float32)
        zero = jnp.zeros((LANES,), jnp.float32)
        for c in range(TOKENS // LANES):
            sl = pl.ds(c * LANES, LANES)
            le = [logits_v[e, sl] for e in range(NUM_EXPERTS)]
            m = le[0]
            for e in range(1, NUM_EXPERTS):
                m = jnp.maximum(m, le[e])
            p = [jnp.exp(v - m) for v in le]
            m1 = p[0]
            for e in range(1, NUM_EXPERTS):
                m1 = jnp.maximum(m1, p[e])
            seen = zero
            hit1 = []
            for e in range(NUM_EXPERTS):
                eq = jnp.where(p[e] == m1, one, zero)
                h = eq * (one - seen)
                hit1.append(h)
                seen = seen + h
            p2 = [p[e] - 2.0 * hit1[e] for e in range(NUM_EXPERTS)]
            m2 = p2[0]
            for e in range(1, NUM_EXPERTS):
                m2 = jnp.maximum(m2, p2[e])
            seen2 = zero
            hit2 = []
            for e in range(NUM_EXPERTS):
                eq = jnp.where(p2[e] == m2, one, zero)
                h = eq * (one - seen2)
                hit2.append(h)
                seen2 = seen2 + h
            denom = m1 + m2
            r1 = m1 / denom
            r2 = m2 / denom
            for e in range(NUM_EXPERTS):
                wmat_v[e, sl] = hit1[e] * r1 + hit2[e] * r2
        pltpu.sync_copy(wmat_v, out_hbm)


def _route_sc(logits_t):
    mesh = plsc.VectorSubcoreMesh(core_axis_name="c", subcore_axis_name="s")
    kern = functools.partial(
        pl.kernel,
        mesh=mesh,
        out_type=jax.ShapeDtypeStruct((NUM_EXPERTS, TOKENS), jnp.float32),
        scratch_types=[
            pltpu.VMEM((NUM_EXPERTS, TOKENS), jnp.float32),
            pltpu.VMEM((NUM_EXPERTS, TOKENS), jnp.float32),
        ],
    )(_route_sc_kernel)
    return kern(logits_t)


def _moe_kernel(x_ref, wmt_ref, w1a_ref, w1b_ref, w1c_ref, w1d_ref,
                w3a_ref, w3b_ref, w3c_ref, w3d_ref,
                w2a_ref, w2b_ref, w2c_ref, w2d_ref, out_ref, wmat_ref):
    e = pl.program_id(0)
    f = pl.program_id(1)

    @pl.when((e == 0) & (f == 0))
    def _init():
        wmat_ref[...] = wmt_ref[...].T
        out_ref[...] = jnp.zeros_like(out_ref)

    xb = x_ref[...].astype(jnp.bfloat16)
    eoh = (jax.lax.broadcasted_iota(jnp.int32, (NUM_EXPERTS, 1), 0) == e)
    wcol = jnp.dot(wmat_ref[...], eoh.astype(jnp.float32),
                   preferred_element_type=jnp.float32)

    def quarter(w1_ref, w3_ref, w2_ref):
        w1b = w1_ref[0].astype(jnp.bfloat16)
        w3b = w3_ref[0].astype(jnp.bfloat16)
        h1 = jnp.dot(xb, w1b.T, preferred_element_type=jnp.float32)
        h3 = jnp.dot(xb, w3b.T, preferred_element_type=jnp.float32)
        h = (jax.nn.silu(h1) * h3 * wcol).astype(jnp.bfloat16)
        w2b = w2_ref[0].astype(jnp.bfloat16)
        return jnp.dot(h, w2b.T, preferred_element_type=jnp.float32)

    out_ref[...] += (quarter(w1a_ref, w3a_ref, w2a_ref)
                     + quarter(w1b_ref, w3b_ref, w2b_ref)
                     + quarter(w1c_ref, w3c_ref, w2c_ref)
                     + quarter(w1d_ref, w3d_ref, w2d_ref))


@functools.partial(jax.jit, static_argnames=())
def kernel(hidden_states, gate_w, w1, w2, w3):
    b, s, d = hidden_states.shape
    x = hidden_states.reshape(-1, d)
    t = x.shape[0]
    nf = FFN // FBLK

    logits_t = pl.pallas_call(
        _logits_kernel,
        in_specs=[
            pl.BlockSpec((t, HIDDEN), lambda: (0, 0)),
            pl.BlockSpec((NUM_EXPERTS, HIDDEN), lambda: (0, 0)),
        ],
        out_specs=pl.BlockSpec((NUM_EXPERTS, t), lambda: (0, 0)),
        out_shape=jax.ShapeDtypeStruct((NUM_EXPERTS, t), jnp.float32),
    )(x, gate_w)

    wmat_t = _route_sc(logits_t)

    ffn = [pl.BlockSpec((1, QUAR, HIDDEN),
                        (lambda k: (lambda e, f: (e, 4 * f + k, 0)))(k))
           for k in range(4)]
    col = [pl.BlockSpec((1, HIDDEN, QUAR),
                        (lambda k: (lambda e, f: (e, 0, 4 * f + k)))(k))
           for k in range(4)]

    out = pl.pallas_call(
        _moe_kernel,
        grid=(NUM_EXPERTS, nf),
        in_specs=[
            pl.BlockSpec((t, HIDDEN), lambda e, f: (0, 0)),
            pl.BlockSpec((NUM_EXPERTS, t), lambda e, f: (0, 0)),
            *ffn, *ffn, *col,
        ],
        out_specs=pl.BlockSpec((t, HIDDEN), lambda e, f: (0, 0)),
        out_shape=jax.ShapeDtypeStruct((t, HIDDEN), jnp.float32),
        scratch_shapes=[pltpu.VMEM((t, NUM_EXPERTS), jnp.float32)],
    )(x, wmat_t, w1, w1, w1, w1, w3, w3, w3, w3, w2, w2, w2, w2)
    return out.reshape(b, s, d)

# --- scband reference (transcript-rebuilt; emitter-appended) ---
"""Pipeline reference for scband-mixtral-mo-e-55070070669327 (READ-ONLY COPY).

The authoritative reference and input builder live on the scoring server;
editing this copy changes nothing except your own understanding.
"""

import jax, jax.numpy as jnp
import numpy as np

NUM_EXPERTS = 8
TOP_K = 2
HIDDEN = 1024
FFN = 4096
BATCH = 32
QLEN = 4


def setup_inputs(seed: int = 0) -> dict:
    key = jax.random.key(seed)
    ks = jax.random.split(key, 5)
    hidden_states = jax.random.normal(ks[0], (BATCH, QLEN, HIDDEN), dtype=jnp.float32)
    gate_w = jax.random.normal(ks[1], (NUM_EXPERTS, HIDDEN), dtype=jnp.float32) * (1.0 / np.sqrt(HIDDEN))
    w1 = jax.random.normal(ks[2], (NUM_EXPERTS, FFN, HIDDEN), dtype=jnp.float32) * (1.0 / np.sqrt(HIDDEN))
    w2 = jax.random.normal(ks[3], (NUM_EXPERTS, HIDDEN, FFN), dtype=jnp.float32) * (1.0 / np.sqrt(FFN))
    w3 = jax.random.normal(ks[4], (NUM_EXPERTS, FFN, HIDDEN), dtype=jnp.float32) * (1.0 / np.sqrt(HIDDEN))
    return {"hidden_states": hidden_states, "gate_w": gate_w, "w1": w1, "w2": w2, "w3": w3}


def reference(hidden_states, gate_w, w1, w2, w3):
    b, s, d = hidden_states.shape
    x = hidden_states.reshape(-1, d)
    # gate (ReplicatedLinear, no bias)
    router_logits = x @ gate_w.T
    routing_weights = jax.nn.softmax(router_logits.astype(jnp.float32), axis=1)
    # top-k routing weights, renormalized (as in Mixtral)
    topk_w, topk_idx = jax.lax.top_k(routing_weights, TOP_K)
    topk_w = topk_w / jnp.sum(topk_w, axis=1, keepdims=True)
    # masked sum over experts (matches the per-expert masked accumulation in the torch code)
    final = jnp.zeros_like(x)
    for e in range(NUM_EXPERTS):
        mask = (topk_idx == e).astype(x.dtype)
        w = jnp.sum(topk_w * mask, axis=1)  # [T] per-token weight for expert e (0 if not routed)
        h1 = x @ w1[e].T
        h3 = x @ w3[e].T
        h = jax.nn.silu(h1) * h3  # SiluAndMul / w1*w3 gating
        out = h @ w2[e].T
        final = final + w[:, None] * out
    return final.reshape(b, s, d)

if __name__ == "__main__":
    import jax
    _d = setup_inputs()
    print(jax.jit(kernel)(*tuple(_d.values())))

</pallas_src>

<mosaic_0001>
#map = affine_map<(d0, d1) -> (0, 0)>
module attributes {stable_mosaic.version = 14 : i64} {
  func.func @_route_sc_kernel(%arg0: i32, %arg1: i32, %arg2: memref<8x128xf32, #tpu.memory_space<hbm>>, %arg3: memref<8x128xf32, #tpu.memory_space<hbm>>, %arg4: memref<8x128xf32, #tpu.memory_space<vmem>>, %arg5: memref<8x128xf32, #tpu.memory_space<vmem>>) attributes {dimension_semantics = [#tpu.dimension_semantics<core_parallel>, #tpu.dimension_semantics<subcore_parallel>], iteration_bounds = array<i64: 2, 16>, scalar_prefetch = 0 : i64, scratch_operands = 2 : i64, tpu.core_type = #tpu.core_type<sc_vector_subcore>, window_params = [{transform_indices = #map}, {transform_indices = #map}]} {
    %mul3A = arith.constant 2 : i32
    %mul3A_0 = arith.muli %arg1, %mul3A : i32
    %add3A = arith.addi %mul3A_0, %arg0 : i32
    %eq3A = arith.constant 0 : i32
    %eq3A_1 = arith.cmpi eq, %add3A, %eq3A : i32
    %convert_element_type3A = arith.extui %eq3A_1 : i1 to i32
    %cond3A = arith.constant 0 : i32
    %cond3A_2 = arith.cmpi ne, %convert_element_type3A, %cond3A : i32
    scf.if %cond3A_2 {
      "tpu.region"() ({
        %run_scoped3A = tpu.sem_alloc : memref<!tpu.dma_semaphore, #tpu.memory_space<semaphore_mem>>
        tpu.enqueue_dma source(%arg2 : memref<8x128xf32, #tpu.memory_space<hbm>>) target(%arg4 : memref<8x128xf32, #tpu.memory_space<vmem>>) target_semaphore(%run_scoped3A : memref<!tpu.dma_semaphore, #tpu.memory_space<semaphore_mem>>)
        tpu.wait_dma2 semaphore(%run_scoped3A : memref<!tpu.dma_semaphore, #tpu.memory_space<semaphore_mem>>) src(%arg2 : memref<8x128xf32, #tpu.memory_space<hbm>>) dst(%arg4 : memref<8x128xf32, #tpu.memory_space<vmem>>)
        tpu.yield
      }) : () -> ()
      %broadcast_in_dim3A = arith.constant 1.000000e+00 : f32
      %broadcast_in_dim3A_3 = vector.broadcast %broadcast_in_dim3A : f32 to vector<16xf32>
      %broadcast_in_dim3A_4 = arith.constant 0.000000e+00 : f32
      %broadcast_in_dim3A_5 = vector.broadcast %broadcast_in_dim3A_4 : f32 to vector<16xf32>
      %get3A = arith.constant 0 : i32
      %get3A_6 = arith.index_cast %get3A : i32 to index
      %get3A_7 = arith.constant 0 : index
      %get3A_8 = tpu.vector_load %arg4[%get3A_6, %get3A_7] {strides = array<i32>} : memref<8x128xf32, #tpu.memory_space<vmem>>, vector<1x16xf32>,
      %get3A_9 = vector.shape_cast %get3A_8 : vector<1x16xf32> to vector<16xf32>
      %get3A_10 = arith.constant 1 : i32
      %get3A_11 = arith.index_cast %get3A_10 : i32 to index
      %get3A_12 = arith.constant 0 : index
      %get3A_13 = tpu.vector_load %arg4[%get3A_11, %get3A_12] {strides = array<i32>} : memref<8x128xf32, #tpu.memory_space<vmem>>, vector<1x16xf32>,
      %get3A_14 = vector.shape_cast %get3A_13 : vector<1x16xf32> to vector<16xf32>
      %get3A_15 = arith.constant 2 : i32
      %get3A_16 = arith.index_cast %get3A_15 : i32 to index
      %get3A_17 = arith.constant 0 : index
      %get3A_18 = tpu.vector_load %arg4[%get3A_16, %get3A_17] {strides = array<i32>} : memref<8x128xf32, #tpu.memory_space<vmem>>, vector<1x16xf32>,
      %get3A_19 = vector.shape_cast %get3A_18 : vector<1x16xf32> to vector<16xf32>
      %get3A_20 = arith.constant 3 : i32
      %get3A_21 = arith.index_cast %get3A_20 : i32 to index
      %get3A_22 = arith.constant 0 : index
      %get3A_23 = tpu.vector_load %arg4[%get3A_21, %get3A_22] {strides = array<i32>} : memref<8x128xf32, #tpu.memory_space<vmem>>, vector<1x16xf32>,
      %get3A_24 = vector.shape_cast %get3A_23 : vector<1x16xf32> to vector<16xf32>
      %get3A_25 = arith.constant 4 : i32
      %get3A_26 = arith.index_cast %get3A_25 : i32 to index
      %get3A_27 = arith.constant 0 : index
      %get3A_28 = tpu.vector_load %arg4[%get3A_26, %get3A_27] {strides = array<i32>} : memref<8x128xf32, #tpu.memory_space<vmem>>, vector<1x16xf32>,
      %get3A_29 = vector.shape_cast %get3A_28 : vector<1x16xf32> to vector<16xf32>
      %get3A_30 = arith.constant 5 : i32
      %get3A_31 = arith.index_cast %get3A_30 : i32 to index
      %get3A_32 = arith.constant 0 : index
      %get3A_33 = tpu.vector_load %arg4[%get3A_31, %get3A_32] {strides = array<i32>} : memref<8x128xf32, #tpu.memory_space<vmem>>, vector<1x16xf32>,
      %get3A_34 = vector.shape_cast %get3A_33 : vector<1x16xf32> to vector<16xf32>
      %get3A_35 = arith.constant 6 : i32
      %get3A_36 = arith.index_cast %get3A_35 : i32 to index
      %get3A_37 = arith.constant 0 : index
      %get3A_38 = tpu.vector_load %arg4[%get3A_36, %get3A_37] {strides = array<i32>} : memref<8x128xf32, #tpu.memory_space<vmem>>, vector<1x16xf32>,
      %get3A_39 = vector.shape_cast %get3A_38 : vector<1x16xf32> to vector<16xf32>
      %get3A_40 = arith.constant 7 : i32
      %get3A_41 = arith.index_cast %get3A_40 : i32 to index
      %get3A_42 = arith.constant 0 : index
      %get3A_43 = tpu.vector_load %arg4[%get3A_41, %get3A_42] {strides = array<i32>} : memref<8x128xf32, #tpu.memory_space<vmem>>, vector<1x16xf32>,
      %get3A_44 = vector.shape_cast %get3A_43 : vector<1x16xf32> to vector<16xf32>
      %max3A = arith.maximumf %get3A_9, %get3A_14 : vector<16xf32>
      %max3A_45 = arith.maximumf %max3A, %get3A_19 : vector<16xf32>
      %max3A_46 = arith.maximumf %max3A_45, %get3A_24 : vector<16xf32>
      %max3A_47 = arith.maximumf %max3A_46, %get3A_29 : vector<16xf32>
      %max3A_48 = arith.maximumf %max3A_47, %get3A_34 : vector<16xf32>
      %max3A_49 = arith.maximumf %max3A_48, %get3A_39 : vector<16xf32>
      %max3A_50 = arith.maximumf %max3A_49, %get3A_44 : vector<16xf32>
      %sub3A = arith.subf %get3A_9, %max3A_50 : vector<16xf32>
      %exp3A = math.exp %sub3A : vector<16xf32>
      %sub3A_51 = arith.subf %get3A_14, %max3A_50 : vector<16xf32>
      %exp3A_52 = math.exp %sub3A_51 : vector<16xf32>
      %sub3A_53 = arith.subf %get3A_19, %max3A_50 : vector<16xf32>
      %exp3A_54 = math.exp %sub3A_53 : vector<16xf32>
      %sub3A_55 = arith.subf %get3A_24, %max3A_50 : vector<16xf32>
      %exp3A_56 = math.exp %sub3A_55 : vector<16xf32>
      %sub3A_57 = arith.subf %get3A_29, %max3A_50 : vector<16xf32>
      %exp3A_58 = math.exp %sub3A_57 : vector<16xf32>
      %sub3A_59 = arith.subf %get3A_34, %max3A_50 : vector<16xf32>
      %exp3A_60 = math.exp %sub3A_59 : vector<16xf32>
      %sub3A_61 = arith.subf %get3A_39, %max3A_50 : vector<16xf32>
      %exp3A_62 = math.exp %sub3A_61 : vector<16xf32>
      %sub3A_63 = arith.subf %get3A_44, %max3A_50 : vector<16xf32>
      %exp3A_64 = math.exp %sub3A_63 : vector<16xf32>
      %max3A_65 = arith.maximumf %exp3A, %exp3A_52 : vector<16xf32>
      %max3A_66 = arith.maximumf %max3A_65, %exp3A_54 : vector<16xf32>
      %max3A_67 = arith.maximumf %max3A_66, %exp3A_56 : vector<16xf32>
      %max3A_68 = arith.maximumf %max3A_67, %exp3A_58 : vector<16xf32>
      %max3A_69 = arith.maximumf %max3A_68, %exp3A_60 : vector<16xf32>
      %max3A_70 = arith.maximumf %max3A_69, %exp3A_62 : vector<16xf32>
      %max3A_71 = arith.maximumf %max3A_70, %exp3A_64 : vector<16xf32>
      %eq3A_72 = arith.cmpf oeq, %exp3A, %max3A_71 : vector<16xf32>
      %select_n3A = arith.select %eq3A_72, %broadcast_in_dim3A_3, %broadcast_in_dim3A_5 : vector<16xi1>, vector<16xf32>
      %sub3A_73 = arith.subf %broadcast_in_dim3A_3, %broadcast_in_dim3A_5 : vector<16xf32>
      %mul3A_74 = arith.mulf %select_n3A, %sub3A_73 : vector<16xf32>
      %add3A_75 = arith.addf %broadcast_in_dim3A_5, %mul3A_74 : vector<16xf32>
      %eq3A_76 = arith.cmpf oeq, %exp3A_52, %max3A_71 : vector<16xf32>
      %select_n3A_77 = arith.select %eq3A_76, %broadcast_in_dim3A_3, %broadcast_in_dim3A_5 : vector<16xi1>, vector<16xf32>
      %sub3A_78 = arith.subf %broadcast_in_dim3A_3, %add3A_75 : vector<16xf32>
      %mul3A_79 = arith.mulf %select_n3A_77, %sub3A_78 : vector<16xf32>
      %add3A_80 = arith.addf %add3A_75, %mul3A_79 : vector<16xf32>
      %eq3A_81 = arith.cmpf oeq, %exp3A_54, %max3A_71 : vector<16xf32>
      %select_n3A_82 = arith.select %eq3A_81, %broadcast_in_dim3A_3, %broadcast_in_dim3A_5 : vector<16xi1>, vector<16xf32>
      %sub3A_83 = arith.subf %broadcast_in_dim3A_3, %add3A_80 : vector<16xf32>
      %mul3A_84 = arith.mulf %select_n3A_82, %sub3A_83 : vector<16xf32>
      %add3A_85 = arith.addf %add3A_80, %mul3A_84 : vector<16xf32>
      %eq3A_86 = arith.cmpf oeq, %exp3A_56, %max3A_71 : vector<16xf32>
      %select_n3A_87 = arith.select %eq3A_86, %broadcast_in_dim3A_3, %broadcast_in_dim3A_5 : vector<16xi1>, vector<16xf32>
      %sub3A_88 = arith.subf %broadcast_in_dim3A_3, %add3A_85 : vector<16xf32>
      %mul3A_89 = arith.mulf %select_n3A_87, %sub3A_88 : vector<16xf32>
      %add3A_90 = arith.addf %add3A_85, %mul3A_89 : vector<16xf32>
      %eq3A_91 = arith.cmpf oeq, %exp3A_58, %max3A_71 : vector<16xf32>
      %select_n3A_92 = arith.select %eq3A_91, %broadcast_in_dim3A_3, %broadcast_in_dim3A_5 : vector<16xi1>, vector<16xf32>
      %sub3A_93 = arith.subf %broadcast_in_dim3A_3, %add3A_90 : vector<16xf32>
      %mul3A_94 = arith.mulf %select_n3A_92, %sub3A_93 : vector<16xf32>
      %add3A_95 = arith.addf %add3A_90, %mul3A_94 : vector<16xf32>
      %eq3A_96 = arith.cmpf oeq, %exp3A_60, %max3A_71 : vector<16xf32>
      %select_n3A_97 = arith.select %eq3A_96, %broadcast_in_dim3A_3, %broadcast_in_dim3A_5 : vector<16xi1>, vector<16xf32>
      %sub3A_98 = arith.subf %broadcast_in_dim3A_3, %add3A_95 : vector<16xf32>
      %mul3A_99 = arith.mulf %select_n3A_97, %sub3A_98 : vector<16xf32>
      %add3A_100 = arith.addf %add3A_95, %mul3A_99 : vector<16xf32>
      %eq3A_101 = arith.cmpf oeq, %exp3A_62, %max3A_71 : vector<16xf32>
      %select_n3A_102 = arith.select %eq3A_101, %broadcast_in_dim3A_3, %broadcast_in_dim3A_5 : vector<16xi1>, vector<16xf32>
      %sub3A_103 = arith.subf %broadcast_in_dim3A_3, %add3A_100 : vector<16xf32>
      %mul3A_104 = arith.mulf %select_n3A_102, %sub3A_103 : vector<16xf32>
      %add3A_105 = arith.addf %add3A_100, %mul3A_104 : vector<16xf32>
      %eq3A_106 = arith.cmpf oeq, %exp3A_64, %max3A_71 : vector<16xf32>
      %select_n3A_107 = arith.select %eq3A_106, %broadcast_in_dim3A_3, %broadcast_in_dim3A_5 : vector<16xi1>, vector<16xf32>
      %sub3A_108 = arith.subf %broadcast_in_dim3A_3, %add3A_105 : vector<16xf32>
      %mul3A_109 = arith.mulf %select_n3A_107, %sub3A_108 : vector<16xf32>
      %add3A_110 = arith.addf %add3A_105, %mul3A_109 : vector<16xf32>
      %mul3A_111 = arith.constant 2.000000e+00 : f32
      %mul3A_112 = vector.broadcast %mul3A_111 : f32 to vector<16xf32>
      %mul3A_113 = arith.mulf %mul3A_112, %mul3A_74 : vector<16xf32>
      %sub3A_114 = arith.subf %exp3A, %mul3A_113 : vector<16xf32>
      %mul3A_115 = arith.constant 2.000000e+00 : f32
      %mul3A_116 = vector.broadcast %mul3A_115 : f32 to vector<16xf32>
      %mul3A_117 = arith.mulf %mul3A_116, %mul3A_79 : vector<16xf32>
      %sub3A_118 = arith.subf %exp3A_52, %mul3A_117 : vector<16xf32>
      %mul3A_119 = arith.constant 2.000000e+00 : f32
      %mul3A_120 = vector.broadcast %mul3A_119 : f32 to vector<16xf32>
      %mul3A_121 = arith.mulf %mul3A_120, %mul3A_84 : vector<16xf32>
      %sub3A_122 = arith.subf %exp3A_54, %mul3A_121 : vector<16xf32>
      %mul3A_123 = arith.constant 2.000000e+00 : f32
      %mul3A_124 = vector.broadcast %mul3A_123 : f32 to vector<16xf32>
      %mul3A_125 = arith.mulf %mul3A_124, %mul3A_89 : vector<16xf32>
      %sub3A_126 = arith.subf %exp3A_56, %mul3A_125 : vector<16xf32>
      %mul3A_127 = arith.constant 2.000000e+00 : f32
      %mul3A_128 = vector.broadcast %mul3A_127 : f32 to vector<16xf32>
      %mul3A_129 = arith.mulf %mul3A_128, %mul3A_94 : vector<16xf32>
      %sub3A_130 = arith.subf %exp3A_58, %mul3A_129 : vector<16xf32>
      %mul3A_131 = arith.constant 2.000000e+00 : f32
      %mul3A_132 = vector.broadcast %mul3A_131 : f32 to vector<16xf32>
      %mul3A_133 = arith.mulf %mul3A_132, %mul3A_99 : vector<16xf32>
      %sub3A_134 = arith.subf %exp3A_60, %mul3A_133 : vector<16xf32>
      %mul3A_135 = arith.constant 2.000000e+00 : f32
      %mul3A_136 = vector.broadcast %mul3A_135 : f32 to vector<16xf32>
      %mul3A_137 = arith.mulf %mul3A_136, %mul3A_104 : vector<16xf32>
      %sub3A_138 = arith.subf %exp3A_62, %mul3A_137 : vector<16xf32>
      %mul3A_139 = arith.constant 2.000000e+00 : f32
      %mul3A_140 = vector.broadcast %mul3A_139 : f32 to vector<16xf32>
      %mul3A_141 = arith.mulf %mul3A_140, %mul3A_109 : vector<16xf32>
      %sub3A_142 = arith.subf %exp3A_64, %mul3A_141 : vector<16xf32>
      %max3A_143 = arith.maximumf %sub3A_114, %sub3A_118 : vector<16xf32>
      %max3A_144 = arith.maximumf %max3A_143, %sub3A_122 : vector<16xf32>
      %max3A_145 = arith.maximumf %max3A_144, %sub3A_126 : vector<16xf32>
      %max3A_146 = arith.maximumf %max3A_145, %sub3A_130 : vector<16xf32>
      %max3A_147 = arith.maximumf %max3A_146, %sub3A_134 : vector<16xf32>
      %max3A_148 = arith.maximumf %max3A_147, %sub3A_138 : vector<16xf32>
      %max3A_149 = arith.maximumf %max3A_148, %sub3A_142 : vector<16xf32>
      %eq3A_150 = arith.cmpf oeq, %sub3A_114, %max3A_149 : vector<16xf32>
      %select_n3A_151 = arith.select %eq3A_150, %broadcast_in_dim3A_3, %broadcast_in_dim3A_5 : vector<16xi1>, vector<16xf32>
      %sub3A_152 = arith.subf %broadcast_in_dim3A_3, %broadcast_in_dim3A_5 : vector<16xf32>
      %mul3A_153 = arith.mulf %select_n3A_151, %sub3A_152 : vector<16xf32>
      %add3A_154 = arith.addf %broadcast_in_dim3A_5, %mul3A_153 : vector<16xf32>
      %eq3A_155 = arith.cmpf oeq, %sub3A_118, %max3A_149 : vector<16xf32>
      %select_n3A_156 = arith.select %eq3A_155, %broadcast_in_dim3A_3, %broadcast_in_dim3A_5 : vector<16xi1>, vector<16xf32>
      %sub3A_157 = arith.subf %broadcast_in_dim3A_3, %add3A_154 : vector<16xf32>
      %mul3A_158 = arith.mulf %select_n3A_156, %sub3A_157 : vector<16xf32>
      %add3A_159 = arith.addf %add3A_154, %mul3A_158 : vector<16xf32>
      %eq3A_160 = arith.cmpf oeq, %sub3A_122, %max3A_149 : vector<16xf32>
      %select_n3A_161 = arith.select %eq3A_160, %broadcast_in_dim3A_3, %broadcast_in_dim3A_5 : vector<16xi1>, vector<16xf32>
      %sub3A_162 = arith.subf %broadcast_in_dim3A_3, %add3A_159 : vector<16xf32>
      %mul3A_163 = arith.mulf %select_n3A_161, %sub3A_162 : vector<16xf32>
      %add3A_164 = arith.addf %add3A_159, %mul3A_163 : vector<16xf32>
      %eq3A_165 = arith.cmpf oeq, %sub3A_126, %max3A_149 : vector<16xf32>
      %select_n3A_166 = arith.select %eq3A_165, %broadcast_in_dim3A_3, %broadcast_in_dim3A_5 : vector<16xi1>, vector<16xf32>
      %sub3A_167 = arith.subf %broadcast_in_dim3A_3, %add3A_164 : vector<16xf32>
      %mul3A_168 = arith.mulf %select_n3A_166, %sub3A_167 : vector<16xf32>
      %add3A_169 = arith.addf %add3A_164, %mul3A_168 : vector<16xf32>
      %eq3A_170 = arith.cmpf oeq, %sub3A_130, %max3A_149 : vector<16xf32>
      %select_n3A_171 = arith.select %eq3A_170, %broadcast_in_dim3A_3, %broadcast_in_dim3A_5 : vector<16xi1>, vector<16xf32>
      %sub3A_172 = arith.subf %broadcast_in_dim3A_3, %add3A_169 : vector<16xf32>
      %mul3A_173 = arith.mulf %select_n3A_171, %sub3A_172 : vector<16xf32>
      %add3A_174 = arith.addf %add3A_169, %mul3A_173 : vector<16xf32>
      %eq3A_175 = arith.cmpf oeq, %sub3A_134, %max3A_149 : vector<16xf32>
      %select_n3A_176 = arith.select %eq3A_175, %broadcast_in_dim3A_3, %broadcast_in_dim3A_5 : vector<16xi1>, vector<16xf32>
      %sub3A_177 = arith.subf %broadcast_in_dim3A_3, %add3A_174 : vector<16xf32>
      %mul3A_178 = arith.mulf %select_n3A_176, %sub3A_177 : vector<16xf32>
      %add3A_179 = arith.addf %add3A_174, %mul3A_178 : vector<16xf32>
      %eq3A_180 = arith.cmpf oeq, %sub3A_138, %max3A_149 : vector<16xf32>
      %select_n3A_181 = arith.select %eq3A_180, %broadcast_in_dim3A_3, %broadcast_in_dim3A_5 : vector<16xi1>, vector<16xf32>
      %sub3A_182 = arith.subf %broadcast_in_dim3A_3, %add3A_179 : vector<16xf32>
      %mul3A_183 = arith.mulf %select_n3A_181, %sub3A_182 : vector<16xf32>
      %add3A_184 = arith.addf %add3A_179, %mul3A_183 : vector<16xf32>
      %eq3A_185 = arith.cmpf oeq, %sub3A_142, %max3A_149 : vector<16xf32>
      %select_n3A_186 = arith.select %eq3A_185, %broadcast_in_dim3A_3, %broadcast_in_dim3A_5 : vector<16xi1>, vector<16xf32>
      %sub3A_187 = arith.subf %broadcast_in_dim3A_3, %add3A_184 : vector<16xf32>
      %mul3A_188 = arith.mulf %select_n3A_186, %sub3A_187 : vector<16xf32>
      %add3A_189 = arith.addf %add3A_184, %mul3A_188 : vector<16xf32>
      %add3A_190 = arith.addf %max3A_71, %max3A_149 : vector<16xf32>
      %div3A = arith.divf %max3A_71, %add3A_190 : vector<16xf32>
      %div3A_191 = arith.divf %max3A_149, %add3A_190 : vector<16xf32>
      %mul3A_192 = arith.mulf %mul3A_74, %div3A : vector<16xf32>
      %mul3A_193 = arith.mulf %mul3A_153, %div3A_191 : vector<16xf32>
      %add3A_194 = arith.addf %mul3A_192, %mul3A_193 : vector<16xf32>
      %swap3A = arith.constant 0 : i32
      %swap3A_195 = arith.index_cast %swap3A : i32 to index
      %swap3A_196 = arith.constant 0 : index
      %swap3A_197 = tpu.vector_load %arg5[%swap3A_195, %swap3A_196] {strides = array<i32>} : memref<8x128xf32, #tpu.memory_space<vmem>>, vector<1x16xf32>,
      %swap3A_198 = vector.shape_cast %swap3A_197 : vector<1x16xf32> to vector<16xf32>
      %swap3A_199 = vector.shape_cast %add3A_194 : vector<16xf32> to vector<1x16xf32>
      tpu.vector_store %arg5[%swap3A_195, %swap3A_196], %swap3A_199 {strides = array<i32>} : memref<8x128xf32, #tpu.memory_space<vmem>>, vector<1x16xf32>,
      %mul3A_200 = arith.mulf %mul3A_79, %div3A : vector<16xf32>
      %mul3A_201 = arith.mulf %mul3A_158, %div3A_191 : vector<16xf32>
      %add3A_202 = arith.addf %mul3A_200, %mul3A_201 : vector<16xf32>
      %swap3A_203 = arith.constant 1 : i32
      %swap3A_204 = arith.index_cast %swap3A_203 : i32 to index
      %swap3A_205 = arith.constant 0 : index
      %swap3A_206 = tpu.vector_load %arg5[%swap3A_204, %swap3A_205] {strides = array<i32>} : memref<8x128xf32, #tpu.memory_space<vmem>>, vector<1x16xf32>,
      %swap3A_207 = vector.shape_cast %swap3A_206 : vector<1x16xf32> to vector<16xf32>
      %swap3A_208 = vector.shape_cast %add3A_202 : vector<16xf32> to vector<1x16xf32>
      tpu.vector_store %arg5[%swap3A_204, %swap3A_205], %swap3A_208 {strides = array<i32>} : memref<8x128xf32, #tpu.memory_space<vmem>>, vector<1x16xf32>,
      %mul3A_209 = arith.mulf %mul3A_84, %div3A : vector<16xf32>
      %mul3A_210 = arith.mulf %mul3A_163, %div3A_191 : vector<16xf32>
      %add3A_211 = arith.addf %mul3A_209, %mul3A_210 : vector<16xf32>
      %swap3A_212 = arith.constant 2 : i32
      %swap3A_213 = arith.index_cast %swap3A_212 : i32 to index
      %swap3A_214 = arith.constant 0 : index
      %swap3A_215 = tpu.vector_load %arg5[%swap3A_213, %swap3A_214] {strides = array<i32>} : memref<8x128xf32, #tpu.memory_space<vmem>>, vector<1x16xf32>,
      %swap3A_216 = vector.shape_cast %swap3A_215 : vector<1x16xf32> to vector<16xf32>
      %swap3A_217 = vector.shape_cast %add3A_211 : vector<16xf32> to vector<1x16xf32>
      tpu.vector_store %arg5[%swap3A_213, %swap3A_214], %swap3A_217 {strides = array<i32>} : memref<8x128xf32, #tpu.memory_space<vmem>>, vector<1x16xf32>,
      %mul3A_218 = arith.mulf %mul3A_89, %div3A : vector<16xf32>
      %mul3A_219 = arith.mulf %mul3A_168, %div3A_191 : vector<16xf32>
      %add3A_220 = arith.addf %mul3A_218, %mul3A_219 : vector<16xf32>
      %swap3A_221 = arith.constant 3 : i32
      %swap3A_222 = arith.index_cast %swap3A_221 : i32 to index
      %swap3A_223 = arith.constant 0 : index
      %swap3A_224 = tpu.vector_load %arg5[%swap3A_222, %swap3A_223] {strides = array<i32>} : memref<8x128xf32, #tpu.memory_space<vmem>>, vector<1x16xf32>,
      %swap3A_225 = vector.shape_cast %swap3A_224 : vector<1x16xf32> to vector<16xf32>
      %swap3A_226 = vector.shape_cast %add3A_220 : vector<16xf32> to vector<1x16xf32>
      tpu.vector_store %arg5[%swap3A_222, %swap3A_223], %swap3A_226 {strides = array<i32>} : memref<8x128xf32, #tpu.memory_space<vmem>>, vector<1x16xf32>,
      %mul3A_227 = arith.mulf %mul3A_94, %div3A : vector<16xf32>
      %mul3A_228 = arith.mulf %mul3A_173, %div3A_191 : vector<16xf32>
      %add3A_229 = arith.addf %mul3A_227, %mul3A_228 : vector<16xf32>
      %swap3A_230 = arith.constant 4 : i32
      %swap3A_231 = arith.index_cast %swap3A_230 : i32 to index
      %swap3A_232 = arith.constant 0 : index
      %swap3A_233 = tpu.vector_load %arg5[%swap3A_231, %swap3A_232] {strides = array<i32>} : memref<8x128xf32, #tpu.memory_space<vmem>>, vector<1x16xf32>,
      %swap3A_234 = vector.shape_cast %swap3A_233 : vector<1x16xf32> to vector<16xf32>
      %swap3A_235 = vector.shape_cast %add3A_229 : vector<16xf32> to vector<1x16xf32>
      tpu.vector_store %arg5[%swap3A_231, %swap3A_232], %swap3A_235 {strides = array<i32>} : memref<8x128xf32, #tpu.memory_space<vmem>>, vector<1x16xf32>,
      %mul3A_236 = arith.mulf %mul3A_99, %div3A : vector<16xf32>
      %mul3A_237 = arith.mulf %mul3A_178, %div3A_191 : vector<16xf32>
      %add3A_238 = arith.addf %mul3A_236, %mul3A_237 : vector<16xf32>
      %swap3A_239 = arith.constant 5 : i32
      %swap3A_240 = arith.index_cast %swap3A_239 : i32 to index
      %swap3A_241 = arith.constant 0 : index
      %swap3A_242 = tpu.vector_load %arg5[%swap3A_240, %swap3A_241] {strides = array<i32>} : memref<8x128xf32, #tpu.memory_space<vmem>>, vector<1x16xf32>,
      %swap3A_243 = vector.shape_cast %swap3A_242 : vector<1x16xf32> to vector<16xf32>
      %swap3A_244 = vector.shape_cast %add3A_238 : vector<16xf32> to vector<1x16xf32>
      tpu.vector_store %arg5[%swap3A_240, %swap3A_241], %swap3A_244 {strides = array<i32>} : memref<8x128xf32, #tpu.memory_space<vmem>>, vector<1x16xf32>,
      %mul3A_245 = arith.mulf %mul3A_104, %div3A : vector<16xf32>
      %mul3A_246 = arith.mulf %mul3A_183, %div3A_191 : vector<16xf32>
      %add3A_247 = arith.addf %mul3A_245, %mul3A_246 : vector<16xf32>
      %swap3A_248 = arith.constant 6 : i32
      %swap3A_249 = arith.index_cast %swap3A_248 : i32 to index
      %swap3A_250 = arith.constant 0 : index
      %swap3A_251 = tpu.vector_load %arg5[%swap3A_249, %swap3A_250] {strides = array<i32>} : memref<8x128xf32, #tpu.memory_space<vmem>>, vector<1x16xf32>,
      %swap3A_252 = vector.shape_cast %swap3A_251 : vector<1x16xf32> to vector<16xf32>
      %swap3A_253 = vector.shape_cast %add3A_247 : vector<16xf32> to vector<1x16xf32>
      tpu.vector_store %arg5[%swap3A_249, %swap3A_250], %swap3A_253 {strides = array<i32>} : memref<8x128xf32, #tpu.memory_space<vmem>>, vector<1x16xf32>,
      %mul3A_254 = arith.mulf %mul3A_109, %div3A : vector<16xf32>
      %mul3A_255 = arith.mulf %mul3A_188, %div3A_191 : vector<16xf32>
      %add3A_256 = arith.addf %mul3A_254, %mul3A_255 : vector<16xf32>
      %swap3A_257 = arith.constant 7 : i32
      %swap3A_258 = arith.index_cast %swap3A_257 : i32 to index
      %swap3A_259 = arith.constant 0 : index
      %swap3A_260 = tpu.vector_load %arg5[%swap3A_258, %swap3A_259] {strides = array<i32>} : memref<8x128xf32, #tpu.memory_space<vmem>>, vector<1x16xf32>,
      %swap3A_261 = vector.shape_cast %swap3A_260 : vector<1x16xf32> to vector<16xf32>
      %swap3A_262 = vector.shape_cast %add3A_256 : vector<16xf32> to vector<1x16xf32>
      tpu.vector_store %arg5[%swap3A_258, %swap3A_259], %swap3A_262 {strides = array<i32>} : memref<8x128xf32, #tpu.memory_space<vmem>>, vector<1x16xf32>,
      %get3A_263 = arith.constant 0 : i32
      %get3A_264 = arith.index_cast %get3A_263 : i32 to index
      %get3A_265 = arith.constant 16 : index
      %get3A_266 = tpu.vector_load %arg4[%get3A_264, %get3A_265] {strides = array<i32>} : memref<8x128xf32, #tpu.memory_space<vmem>>, vector<1x16xf32>,
      %get3A_267 = vector.shape_cast %get3A_266 : vector<1x16xf32> to vector<16xf32>
      %get3A_268 = arith.constant 1 : i32
      %get3A_269 = arith.index_cast %get3A_268 : i32 to index
      %get3A_270 = arith.constant 16 : index
      %get3A_271 = tpu.vector_load %arg4[%get3A_269, %get3A_270] {strides = array<i32>} : memref<8x128xf32, #tpu.memory_space<vmem>>, vector<1x16xf32>,
      %get3A_272 = vector.shape_cast %get3A_271 : vector<1x16xf32> to vector<16xf32>
      %get3A_273 = arith.constant 2 : i32
      %get3A_274 = arith.index_cast %get3A_273 : i32 to index
      %get3A_275 = arith.constant 16 : index
      %get3A_276 = tpu.vector_load %arg4[%get3A_274, %get3A_275] {strides = array<i32>} : memref<8x128xf32, #tpu.memory_space<vmem>>, vector<1x16xf32>,
      %get3A_277 = vector.shape_cast %get3A_276 : vector<1x16xf32> to vector<16xf32>
      %get3A_278 = arith.constant 3 : i32
      %get3A_279 = arith.index_cast %get3A_278 : i32 to index
      %get3A_280 = arith.constant 16 : index
      %get3A_281 = tpu.vector_load %arg4[%get3A_279, %get3A_280] {strides = array<i32>} : memref<8x128xf32, #tpu.memory_space<vmem>>, vector<1x16xf32>,
      %get3A_282 = vector.shape_cast %get3A_281 : vector<1x16xf32> to vector<16xf32>
      %get3A_283 = arith.constant 4 : i32
      %get3A_284 = arith.index_cast %get3A_283 : i32 to index
      %get3A_285 = arith.constant 16 : index
      %get3A_286 = tpu.vector_load %arg4[%get3A_284, %get3A_285] {strides = array<i32>} : memref<8x128xf32, #tpu.memory_space<vmem>>, vector<1x16xf32>,
      %get3A_287 = vector.shape_cast %get3A_286 : vector<1x16xf32> to vector<16xf32>
      %get3A_288 = arith.constant 5 : i32
      %get3A_289 = arith.index_cast %get3A_288 : i32 to index
      %get3A_290 = arith.constant 16 : index
      %get3A_291 = tpu.vector_load %arg4[%get3A_289, %get3A_290] {strides = array<i32>} : memref<8x128xf32, #tpu.memory_space<vmem>>, vector<1x16xf32>,
      %get3A_292 = vector.shape_cast %get3A_291 : vector<1x16xf32> to vector<16xf32>
      %get3A_293 = arith.constant 6 : i32
      %get3A_294 = arith.index_cast %get3A_293 : i32 to index
      %get3A_295 = arith.constant 16 : index
      %get3A_296 = tpu.vector_load %arg4[%get3A_294, %get3A_295] {strides = array<i32>} : memref<8x128xf32, #tpu.memory_space<vmem>>, vector<1x16xf32>,
      %get3A_297 = vector.shape_cast %get3A_296 : vector<1x16xf32> to vector<16xf32>
      %get3A_298 = arith.constant 7 : i32
      %get3A_299 = arith.index_cast %get3A_298 : i32 to index
      %get3A_300 = arith.constant 16 : index
      %get3A_301 = tpu.vector_load %arg4[%get3A_299, %get3A_300] {strides = array<i32>} : memref<8x128xf32, #tpu.memory_space<vmem>>, vector<1x16xf32>,
      %get3A_302 = vector.shape_cast %get3A_301 : vector<1x16xf32> to vector<16xf32>
      %max3A_303 = arith.maximumf %get3A_267, %get3A_272 : vector<16xf32>
      %max3A_304 = arith.maximumf %max3A_303, %get3A_277 : vector<16xf32>
      %max3A_305 = arith.maximumf %max3A_304, %get3A_282 : vector<16xf32>
      %max3A_306 = arith.maximumf %max3A_305, %get3A_287 : vector<16xf32>
      %max3A_307 = arith.maximumf %max3A_306, %get3A_292 : vector<16xf32>
      %max3A_308 = arith.maximumf %max3A_307, %get3A_297 : vector<16xf32>
      %max3A_309 = arith.maximumf %max3A_308, %get3A_302 : vector<16xf32>
      %sub3A_310 = arith.subf %get3A_267, %max3A_309 : vector<16xf32>
      %exp3A_311 = math.exp %sub3A_310 : vector<16xf32>
      %sub3A_312 = arith.subf %get3A_272, %max3A_309 : vector<16xf32>
      %exp3A_313 = math.exp %sub3A_312 : vector<16xf32>
      %sub3A_314 = arith.subf %get3A_277, %max3A_309 : vector<16xf32>
      %exp3A_315 = math.exp %sub3A_314 : vector<16xf32>
      %sub3A_316 = arith.subf %get3A_282, %max3A_309 : vector<16xf32>
      %exp3A_317 = math.exp %sub3A_316 : vector<16xf32>
      %sub3A_318 = arith.subf %get3A_287, %max3A_309 : vector<16xf32>
      %exp3A_319 = math.exp %sub3A_318 : vector<16xf32>
      %sub3A_320 = arith.subf %get3A_292, %max3A_309 : vector<16xf32>
      %exp3A_321 = math.exp %sub3A_320 : vector<16xf32>
      %sub3A_322 = arith.subf %get3A_297, %max3A_309 : vector<16xf32>
      %exp3A_323 = math.exp %sub3A_322 : vector<16xf32>
      %sub3A_324 = arith.subf %get3A_302, %max3A_309 : vector<16xf32>
      %exp3A_325 = math.exp %sub3A_324 : vector<16xf32>
      %max3A_326 = arith.maximumf %exp3A_311, %exp3A_313 : vector<16xf32>
      %max3A_327 = arith.maximumf %max3A_326, %exp3A_315 : vector<16xf32>
      %max3A_328 = arith.maximumf %max3A_327, %exp3A_317 : vector<16xf32>
      %max3A_329 = arith.maximumf %max3A_328, %exp3A_319 : vector<16xf32>
      %max3A_330 = arith.maximumf %max3A_329, %exp3A_321 : vector<16xf32>
      %max3A_331 = arith.maximumf %max3A_330, %exp3A_323 : vector<16xf32>
      %max3A_332 = arith.maximumf %max3A_331, %exp3A_325 : vector<16xf32>
      %eq3A_333 = arith.cmpf oeq, %exp3A_311, %max3A_332 : vector<16xf32>
      %select_n3A_334 = arith.select %eq3A_333, %broadcast_in_dim3A_3, %broadcast_in_dim3A_5 : vector<16xi1>, vector<16xf32>
      %sub3A_335 = arith.subf %broadcast_in_dim3A_3, %broadcast_in_dim3A_5 : vector<16xf32>
      %mul3A_336 = arith.mulf %select_n3A_334, %sub3A_335 : vector<16xf32>
      %add3A_337 = arith.addf %broadcast_in_dim3A_5, %mul3A_336 : vector<16xf32>
      %eq3A_338 = arith.cmpf oeq, %exp3A_313, %max3A_332 : vector<16xf32>
      %select_n3A_339 = arith.select %eq3A_338, %broadcast_in_dim3A_3, %broadcast_in_dim3A_5 : vector<16xi1>, vector<16xf32>
      %sub3A_340 = arith.subf %broadcast_in_dim3A_3, %add3A_337 : vector<16xf32>
      %mul3A_341 = arith.mulf %select_n3A_339, %sub3A_340 : vector<16xf32>
      %add3A_342 = arith.addf %add3A_337, %mul3A_341 : vector<16xf32>
      %eq3A_343 = arith.cmpf oeq, %exp3A_315, %max3A_332 : vector<16xf32>
      %select_n3A_344 = arith.select %eq3A_343, %broadcast_in_dim3A_3, %broadcast_in_dim3A_5 : vector<16xi1>, vector<16xf32>
      %sub3A_345 = arith.subf %broadcast_in_dim3A_3, %add3A_342 : vector<16xf32>
      %mul3A_346 = arith.mulf %select_n3A_344, %sub3A_345 : vector<16xf32>
      %add3A_347 = arith.addf %add3A_342, %mul3A_346 : vector<16xf32>
      %eq3A_348 = arith.cmpf oeq, %exp3A_317, %max3A_332 : vector<16xf32>
      %select_n3A_349 = arith.select %eq3A_348, %broadcast_in_dim3A_3, %broadcast_in_dim3A_5 : vector<16xi1>, vector<16xf32>
      %sub3A_350 = arith.subf %broadcast_in_dim3A_3, %add3A_347 : vector<16xf32>
      %mul3A_351 = arith.mulf %select_n3A_349, %sub3A_350 : vector<16xf32>
      %add3A_352 = arith.addf %add3A_347, %mul3A_351 : vector<16xf32>
      %eq3A_353 = arith.cmpf oeq, %exp3A_319, %max3A_332 : vector<16xf32>
      %select_n3A_354 = arith.select %eq3A_353, %broadcast_in_dim3A_3, %broadcast_in_dim3A_5 : vector<16xi1>, vector<16xf32>
      %sub3A_355 = arith.subf %broadcast_in_dim3A_3, %add3A_352 : vector<16xf32>
      %mul3A_356 = arith.mulf %select_n3A_354, %sub3A_355 : vector<16xf32>
      %add3A_357 = arith.addf %add3A_352, %mul3A_356 : vector<16xf32>
      %eq3A_358 = arith.cmpf oeq, %exp3A_321, %max3A_332 : vector<16xf32>
      %select_n3A_359 = arith.select %eq3A_358, %broadcast_in_dim3A_3, %broadcast_in_dim3A_5 : vector<16xi1>, vector<16xf32>
      %sub3A_360 = arith.subf %broadcast_in_dim3A_3, %add3A_357 : vector<16xf32>
      %mul3A_361 = arith.mulf %select_n3A_359, %sub3A_360 : vector<16xf32>
      %add3A_362 = arith.addf %add3A_357, %mul3A_361 : vector<16xf32>
      %eq3A_363 = arith.cmpf oeq, %exp3A_323, %max3A_332 : vector<16xf32>
      %select_n3A_364 = arith.select %eq3A_363, %broadcast_in_dim3A_3, %broadcast_in_dim3A_5 : vector<16xi1>, vector<16xf32>
      %sub3A_365 = arith.subf %broadcast_in_dim3A_3, %add3A_362 : vector<16xf32>
      %mul3A_366 = arith.mulf %select_n3A_364, %sub3A_365 : vector<16xf32>
      %add3A_367 = arith.addf %add3A_362, %mul3A_366 : vector<16xf32>
      %eq3A_368 = arith.cmpf oeq, %exp3A_325, %max3A_332 : vector<16xf32>
      %select_n3A_369 = arith.select %eq3A_368, %broadcast_in_dim3A_3, %broadcast_in_dim3A_5 : vector<16xi1>, vector<16xf32>
      %sub3A_370 = arith.subf %broadcast_in_dim3A_3, %add3A_367 : vector<16xf32>
      %mul3A_371 = arith.mulf %select_n3A_369, %sub3A_370 : vector<16xf32>
      %add3A_372 = arith.addf %add3A_367, %mul3A_371 : vector<16xf32>
      %mul3A_373 = arith.constant 2.000000e+00 : f32
      %mul3A_374 = vector.broadcast %mul3A_373 : f32 to vector<16xf32>
      %mul3A_375 = arith.mulf %mul3A_374, %mul3A_336 : vector<16xf32>
      %sub3A_376 = arith.subf %exp3A_311, %mul3A_375 : vector<16xf32>
      %mul3A_377 = arith.constant 2.000000e+00 : f32
      %mul3A_378 = vector.broadcast %mul3A_377 : f32 to vector<16xf32>
      %mul3A_379 = arith.mulf %mul3A_378, %mul3A_341 : vector<16xf32>
      %sub3A_380 = arith.subf %exp3A_313, %mul3A_379 : vector<16xf32>
      %mul3A_381 = arith.constant 2.000000e+00 : f32
      %mul3A_382 = vector.broadcast %mul3A_381 : f32 to vector<16xf32>
      %mul3A_383 = arith.mulf %mul3A_382, %mul3A_346 : vector<16xf32>
      %sub3A_384 = arith.subf %exp3A_315, %mul3A_383 : vector<16xf32>
      %mul3A_385 = arith.constant 2.000000e+00 : f32
      %mul3A_386 = vector.broadcast %mul3A_385 : f32 to vector<16xf32>
      %mul3A_387 = arith.mulf %mul3A_386, %mul3A_351 : vector<16xf32>
      %sub3A_388 = arith.subf %exp3A_317, %mul3A_387 : vector<16xf32>
      %mul3A_389 = arith.constant 2.000000e+00 : f32
      %mul3A_390 = vector.broadcast %mul3A_389 : f32 to vector<16xf32>
      %mul3A_391 = arith.mulf %mul3A_390, %mul3A_356 : vector<16xf32>
      %sub3A_392 = arith.subf %exp3A_319, %mul3A_391 : vector<16xf32>
      %mul3A_393 = arith.constant 2.000000e+00 : f32
      %mul3A_394 = vector.broadcast %mul3A_393 : f32 to vector<16xf32>
      %mul3A_395 = arith.mulf %mul3A_394, %mul3A_361 : vector<16xf32>
      %sub3A_396 = arith.subf %exp3A_321, %mul3A_395 : vector<16xf32>
      %mul3A_397 = arith.constant 2.000000e+00 : f32
      %mul3A_398 = vector.broadcast %mul3A_397 : f32 to vector<16xf32>
      %mul3A_399 = arith.mulf %mul3A_398, %mul3A_366 : vector<16xf32>
      %sub3A_400 = arith.subf %exp3A_323, %mul3A_399 : vector<16xf32>
      %mul3A_401 = arith.constant 2.000000e+00 : f32
      %mul3A_402 = vector.broadcast %mul3A_401 : f32 to vector<16xf32>
      %mul3A_403 = arith.mulf %mul3A_402, %mul3A_371 : vector<16xf32>
      %sub3A_404 = arith.subf %exp3A_325, %mul3A_403 : vector<16xf32>
      %max3A_405 = arith.maximumf %sub3A_376, %sub3A_380 : vector<16xf32>
      %max3A_406 = arith.maximumf %max3A_405, %sub3A_384 : vector<16xf32>
      %max3A_407 = arith.maximumf %max3A_406, %sub3A_388 : vector<16xf32>
      %max3A_408 = arith.maximumf %max3A_407, %sub3A_392 : vector<16xf32>
      %max3A_409 = arith.maximumf %max3A_408, %sub3A_396 : vector<16xf32>
      %max3A_410 = arith.maximumf %max3A_409, %sub3A_400 : vector<16xf32>
      %max3A_411 = arith.maximumf %max3A_410, %sub3A_404 : vector<16xf32>
      %eq3A_412 = arith.cmpf oeq, %sub3A_376, %max3A_411 : vector<16xf32>
      %select_n3A_413 = arith.select %eq3A_412, %broadcast_in_dim3A_3, %broadcast_in_dim3A_5 : vector<16xi1>, vector<16xf32>
      %sub3A_414 = arith.subf %broadcast_in_dim3A_3, %broadcast_in_dim3A_5 : vector<16xf32>
      %mul3A_415 = arith.mulf %select_n3A_413, %sub3A_414 : vector<16xf32>
      %add3A_416 = arith.addf %broadcast_in_dim3A_5, %mul3A_415 : vector<16xf32>
      %eq3A_417 = arith.cmpf oeq, %sub3A_380, %max3A_411 : vector<16xf32>
      %select_n3A_418 = arith.select %eq3A_417, %broadcast_in_dim3A_3, %broadcast_in_dim3A_5 : vector<16xi1>, vector<16xf32>
      %sub3A_419 = arith.subf %broadcast_in_dim3A_3, %add3A_416 : vector<16xf32>
      %mul3A_420 = arith.mulf %select_n3A_418, %sub3A_419 : vector<16xf32>
      %add3A_421 = arith.addf %add3A_416, %mul3A_420 : vector<16xf32>
      %eq3A_422 = arith.cmpf oeq, %sub3A_384, %max3A_411 : vector<16xf32>
      %select_n3A_423 = arith.select %eq3A_422, %broadcast_in_dim3A_3, %broadcast_in_dim3A_5 : vector<16xi1>, vector<16xf32>
      %sub3A_424 = arith.subf %broadcast_in_dim3A_3, %add3A_421 : vector<16xf32>
      %mul3A_425 = arith.mulf %select_n3A_423, %sub3A_424 : vector<16xf32>
      %add3A_426 = arith.addf %add3A_421, %mul3A_425 : vector<16xf32>
      %eq3A_427 = arith.cmpf oeq, %sub3A_388, %max3A_411 : vector<16xf32>
      %select_n3A_428 = arith.select %eq3A_427, %broadcast_in_dim3A_3, %broadcast_in_dim3A_5 : vector<16xi1>, vector<16xf32>
      %sub3A_429 = arith.subf %broadcast_in_dim3A_3, %add3A_426 : vector<16xf32>
      %mul3A_430 = arith.mulf %select_n3A_428, %sub3A_429 : vector<16xf32>
      %add3A_431 = arith.addf %add3A_426, %mul3A_430 : vector<16xf32>
      %eq3A_432 = arith.cmpf oeq, %sub3A_392, %max3A_411 : vector<16xf32>
      %select_n3A_433 = arith.select %eq3A_432, %broadcast_in_dim3A_3, %broadcast_in_dim3A_5 : vector<16xi1>, vector<16xf32>
      %sub3A_434 = arith.subf %broadcast_in_dim3A_3, %add3A_431 : vector<16xf32>
      %mul3A_435 = arith.mulf %select_n3A_433, %sub3A_434 : vector<16xf32>
      %add3A_436 = arith.addf %add3A_431, %mul3A_435 : vector<16xf32>
      %eq3A_437 = arith.cmpf oeq, %sub3A_396, %max3A_411 : vector<16xf32>
      %select_n3A_438 = arith.select %eq3A_437, %broadcast_in_dim3A_3, %broadcast_in_dim3A_5 : vector<16xi1>, vector<16xf32>
      %sub3A_439 = arith.subf %broadcast_in_dim3A_3, %add3A_436 : vector<16xf32>
      %mul3A_440 = arith.mulf %select_n3A_438, %sub3A_439 : vector<16xf32>
      %add3A_441 = arith.addf %add3A_436, %mul3A_440 : vector<16xf32>
      %eq3A_442 = arith.cmpf oeq, %sub3A_400, %max3A_411 : vector<16xf32>
      %select_n3A_443 = arith.select %eq3A_442, %broadcast_in_dim3A_3, %broadcast_in_dim3A_5 : vector<16xi1>, vector<16xf32>
      %sub3A_444 = arith.subf %broadcast_in_dim3A_3, %add3A_441 : vector<16xf32>
      %mul3A_445 = arith.mulf %select_n3A_443, %sub3A_444 : vector<16xf32>
      %add3A_446 = arith.addf %add3A_441, %mul3A_445 : vector<16xf32>
      %eq3A_447 = arith.cmpf oeq, %sub3A_404, %max3A_411 : vector<16xf32>
      %select_n3A_448 = arith.select %eq3A_447, %broadcast_in_dim3A_3, %broadcast_in_dim3A_5 : vector<16xi1>, vector<16xf32>
      %sub3A_449 = arith.subf %broadcast_in_dim3A_3, %add3A_446 : vector<16xf32>
      %mul3A_450 = arith.mulf %select_n3A_448, %sub3A_449 : vector<16xf32>
      %add3A_451 = arith.addf %add3A_446, %mul3A_450 : vector<16xf32>
      %add3A_452 = arith.addf %max3A_332, %max3A_411 : vector<16xf32>
      %div3A_453 = arith.divf %max3A_332, %add3A_452 : vector<16xf32>
      %div3A_454 = arith.divf %max3A_411, %add3A_452 : vector<16xf32>
      %mul3A_455 = arith.mulf %mul3A_336, %div3A_453 : vector<16xf32>
      %mul3A_456 = arith.mulf %mul3A_415, %div3A_454 : vector<16xf32>
      %add3A_457 = arith.addf %mul3A_455, %mul3A_456 : vector<16xf32>
      %swap3A_458 = arith.constant 0 : i32
      %swap3A_459 = arith.index_cast %swap3A_458 : i32 to index
      %swap3A_460 = arith.constant 16 : index
      %swap3A_461 = tpu.vector_load %arg5[%swap3A_459, %swap3A_460] {strides = array<i32>} : memref<8x128xf32, #tpu.memory_space<vmem>>, vector<1x16xf32>,
      %swap3A_462 = vector.shape_cast %swap3A_461 : vector<1x16xf32> to vector<16xf32>
      %swap3A_463 = vector.shape_cast %add3A_457 : vector<16xf32> to vector<1x16xf32>
      tpu.vector_store %arg5[%swap3A_459, %swap3A_460], %swap3A_463 {strides = array<i32>} : memref<8x128xf32, #tpu.memory_space<vmem>>, vector<1x16xf32>,
      %mul3A_464 = arith.mulf %mul3A_341, %div3A_453 : vector<16xf32>
      %mul3A_465 = arith.mulf %mul3A_420, %div3A_454 : vector<16xf32>
      %add3A_466 = arith.addf %mul3A_464, %mul3A_465 : vector<16xf32>
      %swap3A_467 = arith.constant 1 : i32
      %swap3A_468 = arith.index_cast %swap3A_467 : i32 to index
      %swap3A_469 = arith.constant 16 : index
      %swap3A_470 = tpu.vector_load %arg5[%swap3A_468, %swap3A_469] {strides = array<i32>} : memref<8x128xf32, #tpu.memory_space<vmem>>, vector<1x16xf32>,
      %swap3A_471 = vector.shape_cast %swap3A_470 : vector<1x16xf32> to vector<16xf32>
      %swap3A_472 = vector.shape_cast %add3A_466 : vector<16xf32> to vector<1x16xf32>
      tpu.vector_store %arg5[%swap3A_468, %swap3A_469], %swap3A_472 {strides = array<i32>} : memref<8x128xf32, #tpu.memory_space<vmem>>, vector<1x16xf32>,
      %mul3A_473 = arith.mulf %mul3A_346, %div3A_453 : vector<16xf32>
      %mul3A_474 = arith.mulf %mul3A_425, %div3A_454 : vector<16xf32>
      %add3A_475 = arith.addf %mul3A_473, %mul3A_474 : vector<16xf32>
      %swap3A_476 = arith.constant 2 : i32
      %swap3A_477 = arith.index_cast %swap3A_476 : i32 to index
      %swap3A_478 = arith.constant 16 : index
      %swap3A_479 = tpu.vector_load %arg5[%swap3A_477, %swap3A_478] {strides = array<i32>} : memref<8x128xf32, #tpu.memory_space<vmem>>, vector<1x16xf32>,
      %swap3A_480 = vector.shape_cast %swap3A_479 : vector<1x16xf32> to vector<16xf32>
      %swap3A_481 = vector.shape_cast %add3A_475 : vector<16xf32> to vector<1x16xf32>
      tpu.vector_store %arg5[%swap3A_477, %swap3A_478], %swap3A_481 {strides = array<i32>} : memref<8x128xf32, #tpu.memory_space<vmem>>, vector<1x16xf32>,
      %mul3A_482 = arith.mulf %mul3A_351, %div3A_453 : vector<16xf32>
      %mul3A_483 = arith.mulf %mul3A_430, %div3A_454 : vector<16xf32>
      %add3A_484 = arith.addf %mul3A_482, %mul3A_483 : vector<16xf32>
      %swap3A_485 = arith.constant 3 : i32
      %swap3A_486 = arith.index_cast %swap3A_485 : i32 to index
      %swap3A_487 = arith.constant 16 : index
      %swap3A_488 = tpu.vector_load %arg5[%swap3A_486, %swap3A_487] {strides = array<i32>} : memref<8x128xf32, #tpu.memory_space<vmem>>, vector<1x16xf32>,
      %swap3A_489 = vector.shape_cast %swap3A_488 : vector<1x16xf32> to vector<16xf32>
      %swap3A_490 = vector.shape_cast %add3A_484 : vector<16xf32> to vector<1x16xf32>
      tpu.vector_store %arg5[%swap3A_486, %swap3A_487], %swap3A_490 {strides = array<i32>} : memref<8x128xf32, #tpu.memory_space<vmem>>, vector<1x16xf32>,
      %mul3A_491 = arith.mulf %mul3A_356, %div3A_453 : vector<16xf32>
      %mul3A_492 = arith.mulf %mul3A_435, %div3A_454 : vector<16xf32>
      %add3A_493 = arith.addf %mul3A_491, %mul3A_492 : vector<16xf32>
      %swap3A_494 = arith.constant 4 : i32
      %swap3A_495 = arith.index_cast %swap3A_494 : i32 to index
      %swap3A_496 = arith.constant 16 : index
      %swap3A_497 = tpu.vector_load %arg5[%swap3A_495, %swap3A_496] {strides = array<i32>} : memref<8x128xf32, #tpu.memory_space<vmem>>, vector<1x16xf32>,
      %swap3A_498 = vector.shape_cast %swap3A_497 : vector<1x16xf32> to vector<16xf32>
      %swap3A_499 = vector.shape_cast %add3A_493 : vector<16xf32> to vector<1x16xf32>
      tpu.vector_store %arg5[%swap3A_495, %swap3A_496], %swap3A_499 {strides = array<i32>} : memref<8x128xf32, #tpu.memory_space<vmem>>, vector<1x16xf32>,
      %mul3A_500 = arith.mulf %mul3A_361, %div3A_453 : vector<16xf32>
      %mul3A_501 = arith.mulf %mul3A_440, %div3A_454 : vector<16xf32>
      %add3A_502 = arith.addf %mul3A_500, %mul3A_501 : vector<16xf32>
      %swap3A_503 = arith.constant 5 : i32
      %swap3A_504 = arith.index_cast %swap3A_503 : i32 to index
      %swap3A_505 = arith.constant 16 : index
      %swap3A_506 = tpu.vector_load %arg5[%swap3A_504, %swap3A_505] {strides = array<i32>} : memref<8x128xf32, #tpu.memory_space<vmem>>, vector<1x16xf32>,
      %swap3A_507 = vector.shape_cast %swap3A_506 : vector<1x16xf32> to vector<16xf32>
      %swap3A_508 = vector.shape_cast %add3A_502 : vector<16xf32> to vector<1x16xf32>
      tpu.vector_store %arg5[%swap3A_504, %swap3A_505], %swap3A_508 {strides = array<i32>} : memref<8x128xf32, #tpu.memory_space<vmem>>, vector<1x16xf32>,
      %mul3A_509 = arith.mulf %mul3A_366, %div3A_453 : vector<16xf32>
      %mul3A_510 = arith.mulf %mul3A_445, %div3A_454 : vector<16xf32>
      %add3A_511 = arith.addf %mul3A_509, %mul3A_510 : vector<16xf32>
      %swap3A_512 = arith.constant 6 : i32
      %swap3A_513 = arith.index_cast %swap3A_512 : i32 to index
      %swap3A_514 = arith.constant 16 : index
      %swap3A_515 = tpu.vector_load %arg5[%swap3A_513, %swap3A_514] {strides = array<i32>} : memref<8x128xf32, #tpu.memory_space<vmem>>, vector<1x16xf32>,
      %swap3A_516 = vector.shape_cast %swap3A_515 : vector<1x16xf32> to vector<16xf32>
      %swap3A_517 = vector.shape_cast %add3A_511 : vector<16xf32> to vector<1x16xf32>
      tpu.vector_store %arg5[%swap3A_513, %swap3A_514], %swap3A_517 {strides = array<i32>} : memref<8x128xf32, #tpu.memory_space<vmem>>, vector<1x16xf32>,
      %mul3A_518 = arith.mulf %mul3A_371, %div3A_453 : vector<16xf32>
      %mul3A_519 = arith.mulf %mul3A_450, %div3A_454 : vector<16xf32>
      %add3A_520 = arith.addf %mul3A_518, %mul3A_519 : vector<16xf32>
      %swap3A_521 = arith.constant 7 : i32
      %swap3A_522 = arith.index_cast %swap3A_521 : i32 to index
      %swap3A_523 = arith.constant 16 : index
      %swap3A_524 = tpu.vector_load %arg5[%swap3A_522, %swap3A_523] {strides = array<i32>} : memref<8x128xf32, #tpu.memory_space<vmem>>, vector<1x16xf32>,
      %swap3A_525 = vector.shape_cast %swap3A_524 : vector<1x16xf32> to vector<16xf32>
      %swap3A_526 = vector.shape_cast %add3A_520 : vector<16xf32> to vector<1x16xf32>
      tpu.vector_store %arg5[%swap3A_522, %swap3A_523], %swap3A_526 {strides = array<i32>} : memref<8x128xf32, #tpu.memory_space<vmem>>, vector<1x16xf32>,
      %get3A_527 = arith.constant 0 : i32
      %get3A_528 = arith.index_cast %get3A_527 : i32 to index
      %get3A_529 = arith.constant 32 : index
      %get3A_530 = tpu.vector_load %arg4[%get3A_528, %get3A_529] {strides = array<i32>} : memref<8x128xf32, #tpu.memory_space<vmem>>, vector<1x16xf32>,
      %get3A_531 = vector.shape_cast %get3A_530 : vector<1x16xf32> to vector<16xf32>
      %get3A_532 = arith.constant 1 : i32
      %get3A_533 = arith.index_cast %get3A_532 : i32 to index
      %get3A_534 = arith.constant 32 : index
      %get3A_535 = tpu.vector_load %arg4[%get3A_533, %get3A_534] {strides = array<i32>} : memref<8x128xf32, #tpu.memory_space<vmem>>, vector<1x16xf32>,
      %get3A_536 = vector.shape_cast %get3A_535 : vector<1x16xf32> to vector<16xf32>
      %get3A_537 = arith.constant 2 : i32
      %get3A_538 = arith.index_cast %get3A_537 : i32 to index
      %get3A_539 = arith.constant 32 : index
      %get3A_540 = tpu.vector_load %arg4[%get3A_538, %get3A_539] {strides = array<i32>} : memref<8x128xf32, #tpu.memory_space<vmem>>, vector<1x16xf32>,
      %get3A_541 = vector.shape_cast %get3A_540 : vector<1x16xf32> to vector<16xf32>
      %get3A_542 = arith.constant 3 : i32
      %get3A_543 = arith.index_cast %get3A_542 : i32 to index
      %get3A_544 = arith.constant 32 : index
      %get3A_545 = tpu.vector_load %arg4[%get3A_543, %get3A_544] {strides = array<i32>} : memref<8x128xf32, #tpu.memory_space<vmem>>, vector<1x16xf32>,
      %get3A_546 = vector.shape_cast %get3A_545 : vector<1x16xf32> to vector<16xf32>
      %get3A_547 = arith.constant 4 : i32
      %get3A_548 = arith.index_cast %get3A_547 : i32 to index
      %get3A_549 = arith.constant 32 : index
      %get3A_550 = tpu.vector_load %arg4[%get3A_548, %get3A_549] {strides = array<i32>} : memref<8x128xf32, #tpu.memory_space<vmem>>, vector<1x16xf32>,
      %get3A_551 = vector.shape_cast %get3A_550 : vector<1x16xf32> to vector<16xf32>
      %get3A_552 = arith.constant 5 : i32
      %get3A_553 = arith.index_cast %get3A_552 : i32 to index
      %get3A_554 = arith.constant 32 : index
      %get3A_555 = tpu.vector_load %arg4[%get3A_553, %get3A_554] {strides = array<i32>} : memref<8x128xf32, #tpu.memory_space<vmem>>, vector<1x16xf32>,
      %get3A_556 = vector.shape_cast %get3A_555 : vector<1x16xf32> to vector<16xf32>
      %get3A_557 = arith.constant 6 : i32
      %get3A_558 = arith.index_cast %get3A_557 : i32 to index
      %get3A_559 = arith.constant 32 : index
      %get3A_560 = tpu.vector_load %arg4[%get3A_558, %get3A_559] {strides = array<i32>} : memref<8x128xf32, #tpu.memory_space<vmem>>, vector<1x16xf32>,
      %get3A_561 = vector.shape_cast %get3A_560 : vector<1x16xf32> to vector<16xf32>
      %get3A_562 = arith.constant 7 : i32
      %get3A_563 = arith.index_cast %get3A_562 : i32 to index
      %get3A_564 = arith.constant 32 : index
      %get3A_565 = tpu.vector_load %arg4[%get3A_563, %get3A_564] {strides = array<i32>} : memref<8x128xf32, #tpu.memory_space<vmem>>, vector<1x16xf32>,
      %get3A_566 = vector.shape_cast %get3A_565 : vector<1x16xf32> to vector<16xf32>
      %max3A_567 = arith.maximumf %get3A_531, %get3A_536 : vector<16xf32>
      %max3A_568 = arith.maximumf %max3A_567, %get3A_541 : vector<16xf32>
      %max3A_569 = arith.maximumf %max3A_568, %get3A_546 : vector<16xf32>
      %max3A_570 = arith.maximumf %max3A_569, %get3A_551 : vector<16xf32>
      %max3A_571 = arith.maximumf %max3A_570, %get3A_556 : vector<16xf32>
      %max3A_572 = arith.maximumf %max3A_571, %get3A_561 : vector<16xf32>
      %max3A_573 = arith.maximumf %max3A_572, %get3A_566 : vector<16xf32>
      %sub3A_574 = arith.subf %get3A_531, %max3A_573 : vector<16xf32>
      %exp3A_575 = math.exp %sub3A_574 : vector<16xf32>
      %sub3A_576 = arith.subf %get3A_536, %max3A_573 : vector<16xf32>
      %exp3A_577 = math.exp %sub3A_576 : vector<16xf32>
      %sub3A_578 = arith.subf %get3A_541, %max3A_573 : vector<16xf32>
      %exp3A_579 = math.exp %sub3A_578 : vector<16xf32>
      %sub3A_580 = arith.subf %get3A_546, %max3A_573 : vector<16xf32>
      %exp3A_581 = math.exp %sub3A_580 : vector<16xf32>
      %sub3A_582 = arith.subf %get3A_551, %max3A_573 : vector<16xf32>
      %exp3A_583 = math.exp %sub3A_582 : vector<16xf32>
      %sub3A_584 = arith.subf %get3A_556, %max3A_573 : vector<16xf32>
      %exp3A_585 = math.exp %sub3A_584 : vector<16xf32>
      %sub3A_586 = arith.subf %get3A_561, %max3A_573 : vector<16xf32>
      %exp3A_587 = math.exp %sub3A_586 : vector<16xf32>
      %sub3A_588 = arith.subf %get3A_566, %max3A_573 : vector<16xf32>
      %exp3A_589 = math.exp %sub3A_588 : vector<16xf32>
      %max3A_590 = arith.maximumf %exp3A_575, %exp3A_577 : vector<16xf32>
      %max3A_591 = arith.maximumf %max3A_590, %exp3A_579 : vector<16xf32>
      %max3A_592 = arith.maximumf %max3A_591, %exp3A_581 : vector<16xf32>
      %max3A_593 = arith.maximumf %max3A_592, %exp3A_583 : vector<16xf32>
      %max3A_594 = arith.maximumf %max3A_593, %exp3A_585 : vector<16xf32>
      %max3A_595 = arith.maximumf %max3A_594, %exp3A_587 : vector<16xf32>
      %max3A_596 = arith.maximumf %max3A_595, %exp3A_589 : vector<16xf32>
      %eq3A_597 = arith.cmpf oeq, %exp3A_575, %max3A_596 : vector<16xf32>
      %select_n3A_598 = arith.select %eq3A_597, %broadcast_in_dim3A_3, %broadcast_in_dim3A_5 : vector<16xi1>, vector<16xf32>
      %sub3A_599 = arith.subf %broadcast_in_dim3A_3, %broadcast_in_dim3A_5 : vector<16xf32>
      %mul3A_600 = arith.mulf %select_n3A_598, %sub3A_599 : vector<16xf32>
      %add3A_601 = arith.addf %broadcast_in_dim3A_5, %mul3A_600 : vector<16xf32>
      %eq3A_602 = arith.cmpf oeq, %exp3A_577, %max3A_596 : vector<16xf32>
      %select_n3A_603 = arith.select %eq3A_602, %broadcast_in_dim3A_3, %broadcast_in_dim3A_5 : vector<16xi1>, vector<16xf32>
      %sub3A_604 = arith.subf %broadcast_in_dim3A_3, %add3A_601 : vector<16xf32>
      %mul3A_605 = arith.mulf %select_n3A_603, %sub3A_604 : vector<16xf32>
      %add3A_606 = arith.addf %add3A_601, %mul3A_605 : vector<16xf32>
      %eq3A_607 = arith.cmpf oeq, %exp3A_579, %max3A_596 : vector<16xf32>
      %select_n3A_608 = arith.select %eq3A_607, %broadcast_in_dim3A_3, %broadcast_in_dim3A_5 : vector<16xi1>, vector<16xf32>
      %sub3A_609 = arith.subf %broadcast_in_dim3A_3, %add3A_606 : vector<16xf32>
      %mul3A_610 = arith.mulf %select_n3A_608, %sub3A_609 : vector<16xf32>
      %add3A_611 = arith.addf %add3A_606, %mul3A_610 : vector<16xf32>
      %eq3A_612 = arith.cmpf oeq, %exp3A_581, %max3A_596 : vector<16xf32>
      %select_n3A_613 = arith.select %eq3A_612, %broadcast_in_dim3A_3, %broadcast_in_dim3A_5 : vector<16xi1>, vector<16xf32>
      %sub3A_614 = arith.subf %broadcast_in_dim3A_3, %add3A_611 : vector<16xf32>
      %mul3A_615 = arith.mulf %select_n3A_613, %sub3A_614 : vector<16xf32>
      %add3A_616 = arith.addf %add3A_611, %mul3A_615 : vector<16xf32>
      %eq3A_617 = arith.cmpf oeq, %exp3A_583, %max3A_596 : vector<16xf32>
      %select_n3A_618 = arith.select %eq3A_617, %broadcast_in_dim3A_3, %broadcast_in_dim3A_5 : vector<16xi1>, vector<16xf32>
      %sub3A_619 = arith.subf %broadcast_in_dim3A_3, %add3A_616 : vector<16xf32>
      %mul3A_620 = arith.mulf %select_n3A_618, %sub3A_619 : vector<16xf32>
      %add3A_621 = arith.addf %add3A_616, %mul3A_620 : vector<16xf32>
      %eq3A_622 = arith.cmpf oeq, %exp3A_585, %max3A_596 : vector<16xf32>
      %select_n3A_623 = arith.select %eq3A_622, %broadcast_in_dim3A_3, %broadcast_in_dim3A_5 : vector<16xi1>, vector<16xf32>
      %sub3A_624 = arith.subf %broadcast_in_dim3A_3, %add3A_621 : vector<16xf32>
      %mul3A_625 = arith.mulf %select_n3A_623, %sub3A_624 : vector<16xf32>
      %add3A_626 = arith.addf %add3A_621, %mul3A_625 : vector<16xf32>
      %eq3A_627 = arith.cmpf oeq, %exp3A_587, %max3A_596 : vector<16xf32>
      %select_n3A_628 = arith.select %eq3A_627, %broadcast_in_dim3A_3, %broadcast_in_dim3A_5 : vector<16xi1>, vector<16xf32>
      %sub3A_629 = arith.subf %broadcast_in_dim3A_3, %add3A_626 : vector<16xf32>
      %mul3A_630 = arith.mulf %select_n3A_628, %sub3A_629 : vector<16xf32>
      %add3A_631 = arith.addf %add3A_626, %mul3A_630 : vector<16xf32>
      %eq3A_632 = arith.cmpf oeq, %exp3A_589, %max3A_596 : vector<16xf32>
      %select_n3A_633 = arith.select %eq3A_632, %broadcast_in_dim3A_3, %broadcast_in_dim3A_5 : vector<16xi1>, vector<16xf32>
      %sub3A_634 = arith.subf %broadcast_in_dim3A_3, %add3A_631 : vector<16xf32>
      %mul3A_635 = arith.mulf %select_n3A_633, %sub3A_634 : vector<16xf32>
      %add3A_636 = arith.addf %add3A_631, %mul3A_635 : vector<16xf32>
      %mul3A_637 = arith.constant 2.000000e+00 : f32
      %mul3A_638 = vector.broadcast %mul3A_637 : f32 to vector<16xf32>
      %mul3A_639 = arith.mulf %mul3A_638, %mul3A_600 : vector<16xf32>
      %sub3A_640 = arith.subf %exp3A_575, %mul3A_639 : vector<16xf32>
      %mul3A_641 = arith.constant 2.000000e+00 : f32
      %mul3A_642 = vector.broadcast %mul3A_641 : f32 to vector<16xf32>
      %mul3A_643 = arith.mulf %mul3A_642, %mul3A_605 : vector<16xf32>
      %sub3A_644 = arith.subf %exp3A_577, %mul3A_643 : vector<16xf32>
      %mul3A_645 = arith.constant 2.000000e+00 : f32
      %mul3A_646 = vector.broadcast %mul3A_645 : f32 to vector<16xf32>
      %mul3A_647 = arith.mulf %mul3A_646, %mul3A_610 : vector<16xf32>
      %sub3A_648 = arith.subf %exp3A_579, %mul3A_647 : vector<16xf32>
      %mul3A_649 = arith.constant 2.000000e+00 : f32
      %mul3A_650 = vector.broadcast %mul3A_649 : f32 to vector<16xf32>
      %mul3A_651 = arith.mulf %mul3A_650, %mul3A_615 : vector<16xf32>
      %sub3A_652 = arith.subf %exp3A_581, %mul3A_651 : vector<16xf32>
      %mul3A_653 = arith.constant 2.000000e+00 : f32
      %mul3A_654 = vector.broadcast %mul3A_653 : f32 to vector<16xf32>
      %mul3A_655 = arith.mulf %mul3A_654, %mul3A_620 : vector<16xf32>
      %sub3A_656 = arith.subf %exp3A_583, %mul3A_655 : vector<16xf32>
      %mul3A_657 = arith.constant 2.000000e+00 : f32
      %mul3A_658 = vector.broadcast %mul3A_657 : f32 to vector<16xf32>
      %mul3A_659 = arith.mulf %mul3A_658, %mul3A_625 : vector<16xf32>
      %sub3A_660 = arith.subf %exp3A_585, %mul3A_659 : vector<16xf32>
      %mul3A_661 = arith.constant 2.000000e+00 : f32
      %mul3A_662 = vector.broadcast %mul3A_661 : f32 to vector<16xf32>
      %mul3A_663 = arith.mulf %mul3A_662, %mul3A_630 : vector<16xf32>
      %sub3A_664 = arith.subf %exp3A_587, %mul3A_663 : vector<16xf32>
      %mul3A_665 = arith.constant 2.000000e+00 : f32
      %mul3A_666 = vector.broadcast %mul3A_665 : f32 to vector<16xf32>
      %mul3A_667 = arith.mulf %mul3A_666, %mul3A_635 : vector<16xf32>
      %sub3A_668 = arith.subf %exp3A_589, %mul3A_667 : vector<16xf32>
      %max3A_669 = arith.maximumf %sub3A_640, %sub3A_644 : vector<16xf32>
      %max3A_670 = arith.maximumf %max3A_669, %sub3A_648 : vector<16xf32>
      %max3A_671 = arith.maximumf %max3A_670, %sub3A_652 : vector<16xf32>
      %max3A_672 = arith.maximumf %max3A_671, %sub3A_656 : vector<16xf32>
      %max3A_673 = arith.maximumf %max3A_672, %sub3A_660 : vector<16xf32>
      %max3A_674 = arith.maximumf %max3A_673, %sub3A_664 : vector<16xf32>
      %max3A_675 = arith.maximumf %max3A_674, %sub3A_668 : vector<16xf32>
      %eq3A_676 = arith.cmpf oeq, %sub3A_640, %max3A_675 : vector<16xf32>
      %select_n3A_677 = arith.select %eq3A_676, %broadcast_in_dim3A_3, %broadcast_in_dim3A_5 : vector<16xi1>, vector<16xf32>
      %sub3A_678 = arith.subf %broadcast_in_dim3A_3, %broadcast_in_dim3A_5 : vector<16xf32>
      %mul3A_679 = arith.mulf %select_n3A_677, %sub3A_678 : vector<16xf32>
      %add3A_680 = arith.addf %broadcast_in_dim3A_5, %mul3A_679 : vector<16xf32>
      %eq3A_681 = arith.cmpf oeq, %sub3A_644, %max3A_675 : vector<16xf32>
      %select_n3A_682 = arith.select %eq3A_681, %broadcast_in_dim3A_3, %broadcast_in_dim3A_5 : vector<16xi1>, vector<16xf32>
      %sub3A_683 = arith.subf %broadcast_in_dim3A_3, %add3A_680 : vector<16xf32>
      %mul3A_684 = arith.mulf %select_n3A_682, %sub3A_683 : vector<16xf32>
      %add3A_685 = arith.addf %add3A_680, %mul3A_684 : vector<16xf32>
      %eq3A_686 = arith.cmpf oeq, %sub3A_648, %max3A_675 : vector<16xf32>
      %select_n3A_687 = arith.select %eq3A_686, %broadcast_in_dim3A_3, %broadcast_in_dim3A_5 : vector<16xi1>, vector<16xf32>
      %sub3A_688 = arith.subf %broadcast_in_dim3A_3, %add3A_685 : vector<16xf32>
      %mul3A_689 = arith.mulf %select_n3A_687, %sub3A_688 : vector<16xf32>
      %add3A_690 = arith.addf %add3A_685, %mul3A_689 : vector<16xf32>
      %eq3A_691 = arith.cmpf oeq, %sub3A_652, %max3A_675 : vector<16xf32>
      %select_n3A_692 = arith.select %eq3A_691, %broadcast_in_dim3A_3, %broadcast_in_dim3A_5 : vector<16xi1>, vector<16xf32>
      %sub3A_693 = arith.subf %broadcast_in_dim3A_3, %add3A_690 : vector<16xf32>
      %mul3A_694 = arith.mulf %select_n3A_692, %sub3A_693 : vector<16xf32>
      %add3A_695 = arith.addf %add3A_690, %mul3A_694 : vector<16xf32>
      %eq3A_696 = arith.cmpf oeq, %sub3A_656, %max3A_675 : vector<16xf32>
      %select_n3A_697 = arith.select %eq3A_696, %broadcast_in_dim3A_3, %broadcast_in_dim3A_5 : vector<16xi1>, vector<16xf32>
      %sub3A_698 = arith.subf %broadcast_in_dim3A_3, %add3A_695 : vector<16xf32>
      %mul3A_699 = arith.mulf %select_n3A_697, %sub3A_698 : vector<16xf32>
      %add3A_700 = arith.addf %add3A_695, %mul3A_699 : vector<16xf32>
      %eq3A_701 = arith.cmpf oeq, %sub3A_660, %max3A_675 : vector<16xf32>
      %select_n3A_702 = arith.select %eq3A_701, %broadcast_in_dim3A_3, %broadcast_in_dim3A_5 : vector<16xi1>, vector<16xf32>
      %sub3A_703 = arith.subf %broadcast_in_dim3A_3, %add3A_700 : vector<16xf32>
      %mul3A_704 = arith.mulf %select_n3A_702, %sub3A_703 : vector<16xf32>
      %add3A_705 = arith.addf %add3A_700, %mul3A_704 : vector<16xf32>
      %eq3A_706 = arith.cmpf oeq, %sub3A_664, %max3A_675 : vector<16xf32>
      %select_n3A_707 = arith.select %eq3A_706, %broadcast_in_dim3A_3, %broadcast_in_dim3A_5 : vector<16xi1>, vector<16xf32>
      %sub3A_708 = arith.subf %broadcast_in_dim3A_3, %add3A_705 : vector<16xf32>
      %mul3A_709 = arith.mulf %select_n3A_707, %sub3A_708 : vector<16xf32>
      %add3A_710 = arith.addf %add3A_705, %mul3A_709 : vector<16xf32>
      %eq3A_711 = arith.cmpf oeq, %sub3A_668, %max3A_675 : vector<16xf32>
      %select_n3A_712 = arith.select %eq3A_711, %broadcast_in_dim3A_3, %broadcast_in_dim3A_5 : vector<16xi1>, vector<16xf32>
      %sub3A_713 = arith.subf %broadcast_in_dim3A_3, %add3A_710 : vector<16xf32>
      %mul3A_714 = arith.mulf %select_n3A_712, %sub3A_713 : vector<16xf32>
      %add3A_715 = arith.addf %add3A_710, %mul3A_714 : vector<16xf32>
      %add3A_716 = arith.addf %max3A_596, %max3A_675 : vector<16xf32>
      %div3A_717 = arith.divf %max3A_596, %add3A_716 : vector<16xf32>
      %div3A_718 = arith.divf %max3A_675, %add3A_716 : vector<16xf32>
      %mul3A_719 = arith.mulf %mul3A_600, %div3A_717 : vector<16xf32>
      %mul3A_720 = arith.mulf %mul3A_679, %div3A_718 : vector<16xf32>
      %add3A_721 = arith.addf %mul3A_719, %mul3A_720 : vector<16xf32>
      %swap3A_722 = arith.constant 0 : i32
      %swap3A_723 = arith.index_cast %swap3A_722 : i32 to index
      %swap3A_724 = arith.constant 32 : index
      %swap3A_725 = tpu.vector_load %arg5[%swap3A_723, %swap3A_724] {strides = array<i32>} : memref<8x128xf32, #tpu.memory_space<vmem>>, vector<1x16xf32>,
      %swap3A_726 = vector.shape_cast %swap3A_725 : vector<1x16xf32> to vector<16xf32>
      %swap3A_727 = vector.shape_cast %add3A_721 : vector<16xf32> to vector<1x16xf32>
      tpu.vector_store %arg5[%swap3A_723, %swap3A_724], %swap3A_727 {strides = array<i32>} : memref<8x128xf32, #tpu.memory_space<vmem>>, vector<1x16xf32>,
      %mul3A_728 = arith.mulf %mul3A_605, %div3A_717 : vector<16xf32>
      %mul3A_729 = arith.mulf %mul3A_684, %div3A_718 : vector<16xf32>
      %add3A_730 = arith.addf %mul3A_728, %mul3A_729 : vector<16xf32>
      %swap3A_731 = arith.constant 1 : i32
      %swap3A_732 = arith.index_cast %swap3A_731 : i32 to index
      %swap3A_733 = arith.constant 32 : index
      %swap3A_734 = tpu.vector_load %arg5[%swap3A_732, %swap3A_733] {strides = array<i32>} : memref<8x128xf32, #tpu.memory_space<vmem>>, vector<1x16xf32>,
      %swap3A_735 = vector.shape_cast %swap3A_734 : vector<1x16xf32> to vector<16xf32>
      %swap3A_736 = vector.shape_cast %add3A_730 : vector<16xf32> to vector<1x16xf32>
      tpu.vector_store %arg5[%swap3A_732, %swap3A_733], %swap3A_736 {strides = array<i32>} : memref<8x128xf32, #tpu.memory_space<vmem>>, vector<1x16xf32>,
      %mul3A_737 = arith.mulf %mul3A_610, %div3A_717 : vector<16xf32>
      %mul3A_738 = arith.mulf %mul3A_689, %div3A_718 : vector<16xf32>
      %add3A_739 = arith.addf %mul3A_737, %mul3A_738 : vector<16xf32>
      %swap3A_740 = arith.constant 2 : i32
      %swap3A_741 = arith.index_cast %swap3A_740 : i32 to index
      %swap3A_742 = arith.constant 32 : index
      %swap3A_743 = tpu.vector_load %arg5[%swap3A_741, %swap3A_742] {strides = array<i32>} : memref<8x128xf32, #tpu.memory_space<vmem>>, vector<1x16xf32>,
      %swap3A_744 = vector.shape_cast %swap3A_743 : vector<1x16xf32> to vector<16xf32>
      %swap3A_745 = vector.shape_cast %add3A_739 : vector<16xf32> to vector<1x16xf32>
      tpu.vector_store %arg5[%swap3A_741, %swap3A_742], %swap3A_745 {strides = array<i32>} : memref<8x128xf32, #tpu.memory_space<vmem>>, vector<1x16xf32>,
      %mul3A_746 = arith.mulf %mul3A_615, %div3A_717 : vector<16xf32>
      %mul3A_747 = arith.mulf %mul3A_694, %div3A_718 : vector<16xf32>
      %add3A_748 = arith.addf %mul3A_746, %mul3A_747 : vector<16xf32>
      %swap3A_749 = arith.constant 3 : i32
      %swap3A_750 = arith.index_cast %swap3A_749 : i32 to index
      %swap3A_751 = arith.constant 32 : index
      %swap3A_752 = tpu.vector_load %arg5[%swap3A_750, %swap3A_751] {strides = array<i32>} : memref<8x128xf32, #tpu.memory_space<vmem>>, vector<1x16xf32>,
      %swap3A_753 = vector.shape_cast %swap3A_752 : vector<1x16xf32> to vector<16xf32>
      %swap3A_754 = vector.shape_cast %add3A_748 : vector<16xf32> to vector<1x16xf32>
      tpu.vector_store %arg5[%swap3A_750, %swap3A_751], %swap3A_754 {strides = array<i32>} : memref<8x128xf32, #tpu.memory_space<vmem>>, vector<1x16xf32>,
      %mul3A_755 = arith.mulf %mul3A_620, %div3A_717 : vector<16xf32>
      %mul3A_756 = arith.mulf %mul3A_699, %div3A_718 : vector<16xf32>
      %add3A_757 = arith.addf %mul3A_755, %mul3A_756 : vector<16xf32>
      %swap3A_758 = arith.constant 4 : i32
      %swap3A_759 = arith.index_cast %swap3A_758 : i32 to index
      %swap3A_760 = arith.constant 32 : index
      %swap3A_761 = tpu.vector_load %arg5[%swap3A_759, %swap3A_760] {strides = array<i32>} : memref<8x128xf32, #tpu.memory_space<vmem>>, vector<1x16xf32>,
      %swap3A_762 = vector.shape_cast %swap3A_761 : vector<1x16xf32> to vector<16xf32>
      %swap3A_763 = vector.shape_cast %add3A_757 : vector<16xf32> to vector<1x16xf32>
      tpu.vector_store %arg5[%swap3A_759, %swap3A_760], %swap3A_763 {strides = array<i32>} : memref<8x128xf32, #tpu.memory_space<vmem>>, vector<1x16xf32>,
      %mul3A_764 = arith.mulf %mul3A_625, %div3A_717 : vector<16xf32>
      %mul3A_765 = arith.mulf %mul3A_704, %div3A_718 : vector<16xf32>
      %add3A_766 = arith.addf %mul3A_764, %mul3A_765 : vector<16xf32>
      %swap3A_767 = arith.constant 5 : i32
      %swap3A_768 = arith.index_cast %swap3A_767 : i32 to index
      %swap3A_769 = arith.constant 32 : index
      %swap3A_770 = tpu.vector_load %arg5[%swap3A_768, %swap3A_769] {strides = array<i32>} : memref<8x128xf32, #tpu.memory_space<vmem>>, vector<1x16xf32>,
      %swap3A_771 = vector.shape_cast %swap3A_770 : vector<1x16xf32> to vector<16xf32>
      %swap3A_772 = vector.shape_cast %add3A_766 : vector<16xf32> to vector<1x16xf32>
      tpu.vector_store %arg5[%swap3A_768, %swap3A_769], %swap3A_772 {strides = array<i32>} : memref<8x128xf32, #tpu.memory_space<vmem>>, vector<1x16xf32>,
      %mul3A_773 = arith.mulf %mul3A_630, %div3A_717 : vector<16xf32>
      %mul3A_774 = arith.mulf %mul3A_709, %div3A_718 : vector<16xf32>
      %add3A_775 = arith.addf %mul3A_773, %mul3A_774 : vector<16xf32>
      %swap3A_776 = arith.constant 6 : i32
      %swap3A_777 = arith.index_cast %swap3A_776 : i32 to index
      %swap3A_778 = arith.constant 32 : index
      %swap3A_779 = tpu.vector_load %arg5[%swap3A_777, %swap3A_778] {strides = array<i32>} : memref<8x128xf32, #tpu.memory_space<vmem>>, vector<1x16xf32>,
      %swap3A_780 = vector.shape_cast %swap3A_779 : vector<1x16xf32> to vector<16xf32>
      %swap3A_781 = vector.shape_cast %add3A_775 : vector<16xf32> to vector<1x16xf32>
      tpu.vector_store %arg5[%swap3A_777, %swap3A_778], %swap3A_781 {strides = array<i32>} : memref<8x128xf32, #tpu.memory_space<vmem>>, vector<1x16xf32>,
      %mul3A_782 = arith.mulf %mul3A_635, %div3A_717 : vector<16xf32>
      %mul3A_783 = arith.mulf %mul3A_714, %div3A_718 : vector<16xf32>
      %add3A_784 = arith.addf %mul3A_782, %mul3A_783 : vector<16xf32>
      %swap3A_785 = arith.constant 7 : i32
      %swap3A_786 = arith.index_cast %swap3A_785 : i32 to index
      %swap3A_787 = arith.constant 32 : index
      %swap3A_788 = tpu.vector_load %arg5[%swap3A_786, %swap3A_787] {strides = array<i32>} : memref<8x128xf32, #tpu.memory_space<vmem>>, vector<1x16xf32>,
      %swap3A_789 = vector.shape_cast %swap3A_788 : vector<1x16xf32> to vector<16xf32>
      %swap3A_790 = vector.shape_cast %add3A_784 : vector<16xf32> to vector<1x16xf32>
      tpu.vector_store %arg5[%swap3A_786, %swap3A_787], %swap3A_790 {strides = array<i32>} : memref<8x128xf32, #tpu.memory_space<vmem>>, vector<1x16xf32>,
      %get3A_791 = arith.constant 0 : i32
      %get3A_792 = arith.index_cast %get3A_791 : i32 to index
      %get3A_793 = arith.constant 48 : index
      %get3A_794 = tpu.vector_load %arg4[%get3A_792, %get3A_793] {strides = array<i32>} : memref<8x128xf32, #tpu.memory_space<vmem>>, vector<1x16xf32>,
      %get3A_795 = vector.shape_cast %get3A_794 : vector<1x16xf32> to vector<16xf32>
      %get3A_796 = arith.constant 1 : i32
      %get3A_797 = arith.index_cast %get3A_796 : i32 to index
      %get3A_798 = arith.constant 48 : index
      %get3A_799 = tpu.vector_load %arg4[%get3A_797, %get3A_798] {strides = array<i32>} : memref<8x128xf32, #tpu.memory_space<vmem>>, vector<1x16xf32>,
      %get3A_800 = vector.shape_cast %get3A_799 : vector<1x16xf32> to vector<16xf32>
      %get3A_801 = arith.constant 2 : i32
      %get3A_802 = arith.index_cast %get3A_801 : i32 to index
      %get3A_803 = arith.constant 48 : index
      %get3A_804 = tpu.vector_load %arg4[%get3A_802, %get3A_803] {strides = array<i32>} : memref<8x128xf32, #tpu.memory_space<vmem>>, vector<1x16xf32>,
      %get3A_805 = vector.shape_cast %get3A_804 : vector<1x16xf32> to vector<16xf32>
      %get3A_806 = arith.constant 3 : i32
      %get3A_807 = arith.index_cast %get3A_806 : i32 to index
      %get3A_808 = arith.constant 48 : index
      %get3A_809 = tpu.vector_load %arg4[%get3A_807, %get3A_808] {strides = array<i32>} : memref<8x128xf32, #tpu.memory_space<vmem>>, vector<1x16xf32>,
      %get3A_810 = vector.shape_cast %get3A_809 : vector<1x16xf32> to vector<16xf32>
      %get3A_811 = arith.constant 4 : i32
      %get3A_812 = arith.index_cast %get3A_811 : i32 to index
      %get3A_813 = arith.constant 48 : index
      %get3A_814 = tpu.vector_load %arg4[%get3A_812, %get3A_813] {strides = array<i32>} : memref<8x128xf32, #tpu.memory_space<vmem>>, vector<1x16xf32>,
      %get3A_815 = vector.shape_cast %get3A_814 : vector<1x16xf32> to vector<16xf32>
      %get3A_816 = arith.constant 5 : i32
      %get3A_817 = arith.index_cast %get3A_816 : i32 to index
      %get3A_818 = arith.constant 48 : index
      %get3A_819 = tpu.vector_load %arg4[%get3A_817, %get3A_818] {strides = array<i32>} : memref<8x128xf32, #tpu.memory_space<vmem>>, vector<1x16xf32>,
      %get3A_820 = vector.shape_cast %get3A_819 : vector<1x16xf32> to vector<16xf32>
      %get3A_821 = arith.constant 6 : i32
      %get3A_822 = arith.index_cast %get3A_821 : i32 to index
      %get3A_823 = arith.constant 48 : index
      %get3A_824 = tpu.vector_load %arg4[%get3A_822, %get3A_823] {strides = array<i32>} : memref<8x128xf32, #tpu.memory_space<vmem>>, vector<1x16xf32>,
      %get3A_825 = vector.shape_cast %get3A_824 : vector<1x16xf32> to vector<16xf32>
      %get3A_826 = arith.constant 7 : i32
      %get3A_827 = arith.index_cast %get3A_826 : i32 to index
      %get3A_828 = arith.constant 48 : index
      %get3A_829 = tpu.vector_load %arg4[%get3A_827, %get3A_828] {strides = array<i32>} : memref<8x128xf32, #tpu.memory_space<vmem>>, vector<1x16xf32>,
      %get3A_830 = vector.shape_cast %get3A_829 : vector<1x16xf32> to vector<16xf32>
      %max3A_831 = arith.maximumf %get3A_795, %get3A_800 : vector<16xf32>
      %max3A_832 = arith.maximumf %max3A_831, %get3A_805 : vector<16xf32>
      %max3A_833 = arith.maximumf %max3A_832, %get3A_810 : vector<16xf32>
      %max3A_834 = arith.maximumf %max3A_833, %get3A_815 : vector<16xf32>
      %max3A_835 = arith.maximumf %max3A_834, %get3A_820 : vector<16xf32>
      %max3A_836 = arith.maximumf %max3A_835, %get3A_825 : vector<16xf32>
      %max3A_837 = arith.maximumf %max3A_836, %get3A_830 : vector<16xf32>
      %sub3A_838 = arith.subf %get3A_795, %max3A_837 : vector<16xf32>
      %exp3A_839 = math.exp %sub3A_838 : vector<16xf32>
      %sub3A_840 = arith.subf %get3A_800, %max3A_837 : vector<16xf32>
      %exp3A_841 = math.exp %sub3A_840 : vector<16xf32>
      %sub3A_842 = arith.subf %get3A_805, %max3A_837 : vector<16xf32>
      %exp3A_843 = math.exp %sub3A_842 : vector<16xf32>
      %sub3A_844 = arith.subf %get3A_810, %max3A_837 : vector<16xf32>
      %exp3A_845 = math.exp %sub3A_844 : vector<16xf32>
      %sub3A_846 = arith.subf %get3A_815, %max3A_837 : vector<16xf32>
      %exp3A_847 = math.exp %sub3A_846 : vector<16xf32>
      %sub3A_848 = arith.subf %get3A_820, %max3A_837 : vector<16xf32>
      %exp3A_849 = math.exp %sub3A_848 : vector<16xf32>
      %sub3A_850 = arith.subf %get3A_825, %max3A_837 : vector<16xf32>
      %exp3A_851 = math.exp %sub3A_850 : vector<16xf32>
      %sub3A_852 = arith.subf %get3A_830, %max3A_837 : vector<16xf32>
      %exp3A_853 = math.exp %sub3A_852 : vector<16xf32>
      %max3A_854 = arith.maximumf %exp3A_839, %exp3A_841 : vector<16xf32>
      %max3A_855 = arith.maximumf %max3A_854, %exp3A_843 : vector<16xf32>
      %max3A_856 = arith.maximumf %max3A_855, %exp3A_845 : vector<16xf32>
      %max3A_857 = arith.maximumf %max3A_856, %exp3A_847 : vector<16xf32>
      %max3A_858 = arith.maximumf %max3A_857, %exp3A_849 : vector<16xf32>
      %max3A_859 = arith.maximumf %max3A_858, %exp3A_851 : vector<16xf32>
      %max3A_860 = arith.maximumf %max3A_859, %exp3A_853 : vector<16xf32>
      %eq3A_861 = arith.cmpf oeq, %exp3A_839, %max3A_860 : vector<16xf32>
      %select_n3A_862 = arith.select %eq3A_861, %broadcast_in_dim3A_3, %broadcast_in_dim3A_5 : vector<16xi1>, vector<16xf32>
      %sub3A_863 = arith.subf %broadcast_in_dim3A_3, %broadcast_in_dim3A_5 : vector<16xf32>
      %mul3A_864 = arith.mulf %select_n3A_862, %sub3A_863 : vector<16xf32>
      %add3A_865 = arith.addf %broadcast_in_dim3A_5, %mul3A_864 : vector<16xf32>
      %eq3A_866 = arith.cmpf oeq, %exp3A_841, %max3A_860 : vector<16xf32>
      %select_n3A_867 = arith.select %eq3A_866, %broadcast_in_dim3A_3, %broadcast_in_dim3A_5 : vector<16xi1>, vector<16xf32>
      %sub3A_868 = arith.subf %broadcast_in_dim3A_3, %add3A_865 : vector<16xf32>
      %mul3A_869 = arith.mulf %select_n3A_867, %sub3A_868 : vector<16xf32>
      %add3A_870 = arith.addf %add3A_865, %mul3A_869 : vector<16xf32>
      %eq3A_871 = arith.cmpf oeq, %exp3A_843, %max3A_860 : vector<16xf32>
      %select_n3A_872 = arith.select %eq3A_871, %broadcast_in_dim3A_3, %broadcast_in_dim3A_5 : vector<16xi1>, vector<16xf32>
      %sub3A_873 = arith.subf %broadcast_in_dim3A_3, %add3A_870 : vector<16xf32>
      %mul3A_874 = arith.mulf %select_n3A_872, %sub3A_873 : vector<16xf32>
      %add3A_875 = arith.addf %add3A_870, %mul3A_874 : vector<16xf32>
      %eq3A_876 = arith.cmpf oeq, %exp3A_845, %max3A_860 : vector<16xf32>
      %select_n3A_877 = arith.select %eq3A_876, %broadcast_in_dim3A_3, %broadcast_in_dim3A_5 : vector<16xi1>, vector<16xf32>
      %sub3A_878 = arith.subf %broadcast_in_dim3A_3, %add3A_875 : vector<16xf32>
      %mul3A_879 = arith.mulf %select_n3A_877, %sub3A_878 : vector<16xf32>
      %add3A_880 = arith.addf %add3A_875, %mul3A_879 : vector<16xf32>
      %eq3A_881 = arith.cmpf oeq, %exp3A_847, %max3A_860 : vector<16xf32>
      %select_n3A_882 = arith.select %eq3A_881, %broadcast_in_dim3A_3, %broadcast_in_dim3A_5 : vector<16xi1>, vector<16xf32>
      %sub3A_883 = arith.subf %broadcast_in_dim3A_3, %add3A_880 : vector<16xf32>
      %mul3A_884 = arith.mulf %select_n3A_882, %sub3A_883 : vector<16xf32>
      %add3A_885 = arith.addf %add3A_880, %mul3A_884 : vector<16xf32>
      %eq3A_886 = arith.cmpf oeq, %exp3A_849, %max3A_860 : vector<16xf32>
      %select_n3A_887 = arith.select %eq3A_886, %broadcast_in_dim3A_3, %broadcast_in_dim3A_5 : vector<16xi1>, vector<16xf32>
      %sub3A_888 = arith.subf %broadcast_in_dim3A_3, %add3A_885 : vector<16xf32>
      %mul3A_889 = arith.mulf %select_n3A_887, %sub3A_888 : vector<16xf32>
      %add3A_890 = arith.addf %add3A_885, %mul3A_889 : vector<16xf32>
      %eq3A_891 = arith.cmpf oeq, %exp3A_851, %max3A_860 : vector<16xf32>
      %select_n3A_892 = arith.select %eq3A_891, %broadcast_in_dim3A_3, %broadcast_in_dim3A_5 : vector<16xi1>, vector<16xf32>
      %sub3A_893 = arith.subf %broadcast_in_dim3A_3, %add3A_890 : vector<16xf32>
      %mul3A_894 = arith.mulf %select_n3A_892, %sub3A_893 : vector<16xf32>
      %add3A_895 = arith.addf %add3A_890, %mul3A_894 : vector<16xf32>
      %eq3A_896 = arith.cmpf oeq, %exp3A_853, %max3A_860 : vector<16xf32>
      %select_n3A_897 = arith.select %eq3A_896, %broadcast_in_dim3A_3, %broadcast_in_dim3A_5 : vector<16xi1>, vector<16xf32>
      %sub3A_898 = arith.subf %broadcast_in_dim3A_3, %add3A_895 : vector<16xf32>
      %mul3A_899 = arith.mulf %select_n3A_897, %sub3A_898 : vector<16xf32>
      %add3A_900 = arith.addf %add3A_895, %mul3A_899 : vector<16xf32>
      %mul3A_901 = arith.constant 2.000000e+00 : f32
      %mul3A_902 = vector.broadcast %mul3A_901 : f32 to vector<16xf32>
      %mul3A_903 = arith.mulf %mul3A_902, %mul3A_864 : vector<16xf32>
      %sub3A_904 = arith.subf %exp3A_839, %mul3A_903 : vector<16xf32>
      %mul3A_905 = arith.constant 2.000000e+00 : f32
      %mul3A_906 = vector.broadcast %mul3A_905 : f32 to vector<16xf32>
      %mul3A_907 = arith.mulf %mul3A_906, %mul3A_869 : vector<16xf32>
      %sub3A_908 = arith.subf %exp3A_841, %mul3A_907 : vector<16xf32>
      %mul3A_909 = arith.constant 2.000000e+00 : f32
      %mul3A_910 = vector.broadcast %mul3A_909 : f32 to vector<16xf32>
      %mul3A_911 = arith.mulf %mul3A_910, %mul3A_874 : vector<16xf32>
      %sub3A_912 = arith.subf %exp3A_843, %mul3A_911 : vector<16xf32>
      %mul3A_913 = arith.constant 2.000000e+00 : f32
      %mul3A_914 = vector.broadcast %mul3A_913 : f32 to vector<16xf32>
      %mul3A_915 = arith.mulf %mul3A_914, %mul3A_879 : vector<16xf32>
      %sub3A_916 = arith.subf %exp3A_845, %mul3A_915 : vector<16xf32>
      %mul3A_917 = arith.constant 2.000000e+00 : f32
      %mul3A_918 = vector.broadcast %mul3A_917 : f32 to vector<16xf32>
      %mul3A_919 = arith.mulf %mul3A_918, %mul3A_884 : vector<16xf32>
      %sub3A_920 = arith.subf %exp3A_847, %mul3A_919 : vector<16xf32>
      %mul3A_921 = arith.constant 2.000000e+00 : f32
      %mul3A_922 = vector.broadcast %mul3A_921 : f32 to vector<16xf32>
      %mul3A_923 = arith.mulf %mul3A_922, %mul3A_889 : vector<16xf32>
      %sub3A_924 = arith.subf %exp3A_849, %mul3A_923 : vector<16xf32>
      %mul3A_925 = arith.constant 2.000000e+00 : f32
      %mul3A_926 = vector.broadcast %mul3A_925 : f32 to vector<16xf32>
      %mul3A_927 = arith.mulf %mul3A_926, %mul3A_894 : vector<16xf32>
      %sub3A_928 = arith.subf %exp3A_851, %mul3A_927 : vector<16xf32>
      %mul3A_929 = arith.constant 2.000000e+00 : f32
      %mul3A_930 = vector.broadcast %mul3A_929 : f32 to vector<16xf32>
      %mul3A_931 = arith.mulf %mul3A_930, %mul3A_899 : vector<16xf32>
      %sub3A_932 = arith.subf %exp3A_853, %mul3A_931 : vector<16xf32>
      %max3A_933 = arith.maximumf %sub3A_904, %sub3A_908 : vector<16xf32>
      %max3A_934 = arith.maximumf %max3A_933, %sub3A_912 : vector<16xf32>
      %max3A_935 = arith.maximumf %max3A_934, %sub3A_916 : vector<16xf32>
      %max3A_936 = arith.maximumf %max3A_935, %sub3A_920 : vector<16xf32>
      %max3A_937 = arith.maximumf %max3A_936, %sub3A_924 : vector<16xf32>
      %max3A_938 = arith.maximumf %max3A_937, %sub3A_928 : vector<16xf32>
      %max3A_939 = arith.maximumf %max3A_938, %sub3A_932 : vector<16xf32>
      %eq3A_940 = arith.cmpf oeq, %sub3A_904, %max3A_939 : vector<16xf32>
      %select_n3A_941 = arith.select %eq3A_940, %broadcast_in_dim3A_3, %broadcast_in_dim3A_5 : vector<16xi1>, vector<16xf32>
      %sub3A_942 = arith.subf %broadcast_in_dim3A_3, %broadcast_in_dim3A_5 : vector<16xf32>
      %mul3A_943 = arith.mulf %select_n3A_941, %sub3A_942 : vector<16xf32>
      %add3A_944 = arith.addf %broadcast_in_dim3A_5, %mul3A_943 : vector<16xf32>
      %eq3A_945 = arith.cmpf oeq, %sub3A_908, %max3A_939 : vector<16xf32>
      %select_n3A_946 = arith.select %eq3A_945, %broadcast_in_dim3A_3, %broadcast_in_dim3A_5 : vector<16xi1>, vector<16xf32>
      %sub3A_947 = arith.subf %broadcast_in_dim3A_3, %add3A_944 : vector<16xf32>
      %mul3A_948 = arith.mulf %select_n3A_946, %sub3A_947 : vector<16xf32>
      %add3A_949 = arith.addf %add3A_944, %mul3A_948 : vector<16xf32>
      %eq3A_950 = arith.cmpf oeq, %sub3A_912, %max3A_939 : vector<16xf32>
      %select_n3A_951 = arith.select %eq3A_950, %broadcast_in_dim3A_3, %broadcast_in_dim3A_5 : vector<16xi1>, vector<16xf32>
      %sub3A_952 = arith.subf %broadcast_in_dim3A_3, %add3A_949 : vector<16xf32>
      %mul3A_953 = arith.mulf %select_n3A_951, %sub3A_952 : vector<16xf32>
      %add3A_954 = arith.addf %add3A_949, %mul3A_953 : vector<16xf32>
      %eq3A_955 = arith.cmpf oeq, %sub3A_916, %max3A_939 : vector<16xf32>
      %select_n3A_956 = arith.select %eq3A_955, %broadcast_in_dim3A_3, %broadcast_in_dim3A_5 : vector<16xi1>, vector<16xf32>
      %sub3A_957 = arith.subf %broadcast_in_dim3A_3, %add3A_954 : vector<16xf32>
      %mul3A_958 = arith.mulf %select_n3A_956, %sub3A_957 : vector<16xf32>
      %add3A_959 = arith.addf %add3A_954, %mul3A_958 : vector<16xf32>
      %eq3A_960 = arith.cmpf oeq, %sub3A_920, %max3A_939 : vector<16xf32>
      %select_n3A_961 = arith.select %eq3A_960, %broadcast_in_dim3A_3, %broadcast_in_dim3A_5 : vector<16xi1>, vector<16xf32>
      %sub3A_962 = arith.subf %broadcast_in_dim3A_3, %add3A_959 : vector<16xf32>
      %mul3A_963 = arith.mulf %select_n3A_961, %sub3A_962 : vector<16xf32>
      %add3A_964 = arith.addf %add3A_959, %mul3A_963 : vector<16xf32>
      %eq3A_965 = arith.cmpf oeq, %sub3A_924, %max3A_939 : vector<16xf32>
      %select_n3A_966 = arith.select %eq3A_965, %broadcast_in_dim3A_3, %broadcast_in_dim3A_5 : vector<16xi1>, vector<16xf32>
      %sub3A_967 = arith.subf %broadcast_in_dim3A_3, %add3A_964 : vector<16xf32>
      %mul3A_968 = arith.mulf %select_n3A_966, %sub3A_967 : vector<16xf32>
      %add3A_969 = arith.addf %add3A_964, %mul3A_968 : vector<16xf32>
      %eq3A_970 = arith.cmpf oeq, %sub3A_928, %max3A_939 : vector<16xf32>
      %select_n3A_971 = arith.select %eq3A_970, %broadcast_in_dim3A_3, %broadcast_in_dim3A_5 : vector<16xi1>, vector<16xf32>
      %sub3A_972 = arith.subf %broadcast_in_dim3A_3, %add3A_969 : vector<16xf32>
      %mul3A_973 = arith.mulf %select_n3A_971, %sub3A_972 : vector<16xf32>
      %add3A_974 = arith.addf %add3A_969, %mul3A_973 : vector<16xf32>
      %eq3A_975 = arith.cmpf oeq, %sub3A_932, %max3A_939 : vector<16xf32>
      %select_n3A_976 = arith.select %eq3A_975, %broadcast_in_dim3A_3, %broadcast_in_dim3A_5 : vector<16xi1>, vector<16xf32>
      %sub3A_977 = arith.subf %broadcast_in_dim3A_3, %add3A_974 : vector<16xf32>
      %mul3A_978 = arith.mulf %select_n3A_976, %sub3A_977 : vector<16xf32>
      %add3A_979 = arith.addf %add3A_974, %mul3A_978 : vector<16xf32>
      %add3A_980 = arith.addf %max3A_860, %max3A_939 : vector<16xf32>
      %div3A_981 = arith.divf %max3A_860, %add3A_980 : vector<16xf32>
      %div3A_982 = arith.divf %max3A_939, %add3A_980 : vector<16xf32>
      %mul3A_983 = arith.mulf %mul3A_864, %div3A_981 : vector<16xf32>
      %mul3A_984 = arith.mulf %mul3A_943, %div3A_982 : vector<16xf32>
      %add3A_985 = arith.addf %mul3A_983, %mul3A_984 : vector<16xf32>
      %swap3A_986 = arith.constant 0 : i32
      %swap3A_987 = arith.index_cast %swap3A_986 : i32 to index
      %swap3A_988 = arith.constant 48 : index
      %swap3A_989 = tpu.vector_load %arg5[%swap3A_987, %swap3A_988] {strides = array<i32>} : memref<8x128xf32, #tpu.memory_space<vmem>>, vector<1x16xf32>,
      %swap3A_990 = vector.shape_cast %swap3A_989 : vector<1x16xf32> to vector<16xf32>
      %swap3A_991 = vector.shape_cast %add3A_985 : vector<16xf32> to vector<1x16xf32>
      tpu.vector_store %arg5[%swap3A_987, %swap3A_988], %swap3A_991 {strides = array<i32>} : memref<8x128xf32, #tpu.memory_space<vmem>>, vector<1x16xf32>,
      %mul3A_992 = arith.mulf %mul3A_869, %div3A_981 : vector<16xf32>
      %mul3A_993 = arith.mulf %mul3A_948, %div3A_982 : vector<16xf32>
      %add3A_994 = arith.addf %mul3A_992, %mul3A_993 : vector<16xf32>
      %swap3A_995 = arith.constant 1 : i32
      %swap3A_996 = arith.index_cast %swap3A_995 : i32 to index
      %swap3A_997 = arith.constant 48 : index
      %swap3A_998 = tpu.vector_load %arg5[%swap3A_996, %swap3A_997] {strides = array<i32>} : memref<8x128xf32, #tpu.memory_space<vmem>>, vector<1x16xf32>,
      %swap3A_999 = vector.shape_cast %swap3A_998 : vector<1x16xf32> to vector<16xf32>
      %swap3A_1000 = vector.shape_cast %add3A_994 : vector<16xf32> to vector<1x16xf32>
      tpu.vector_store %arg5[%swap3A_996, %swap3A_997], %swap3A_1000 {strides = array<i32>} : memref<8x128xf32, #tpu.memory_space<vmem>>, vector<1x16xf32>,
      %mul3A_1001 = arith.mulf %mul3A_874, %div3A_981 : vector<16xf32>
      %mul3A_1002 = arith.mulf %mul3A_953, %div3A_982 : vector<16xf32>
      %add3A_1003 = arith.addf %mul3A_1001, %mul3A_1002 : vector<16xf32>
      %swap3A_1004 = arith.constant 2 : i32
      %swap3A_1005 = arith.index_cast %swap3A_1004 : i32 to index
      %swap3A_1006 = arith.constant 48 : index
      %swap3A_1007 = tpu.vector_load %arg5[%swap3A_1005, %swap3A_1006] {strides = array<i32>} : memref<8x128xf32, #tpu.memory_space<vmem>>, vector<1x16xf32>,
      %swap3A_1008 = vector.shape_cast %swap3A_1007 : vector<1x16xf32> to vector<16xf32>
      %swap3A_1009 = vector.shape_cast %add3A_1003 : vector<16xf32> to vector<1x16xf32>
      tpu.vector_store %arg5[%swap3A_1005, %swap3A_1006], %swap3A_1009 {strides = array<i32>} : memref<8x128xf32, #tpu.memory_space<vmem>>, vector<1x16xf32>,
      %mul3A_1010 = arith.mulf %mul3A_879, %div3A_981 : vector<16xf32>
      %mul3A_1011 = arith.mulf %mul3A_958, %div3A_982 : vector<16xf32>
      %add3A_1012 = arith.addf %mul3A_1010, %mul3A_1011 : vector<16xf32>
      %swap3A_1013 = arith.constant 3 : i32
      %swap3A_1014 = arith.index_cast %swap3A_1013 : i32 to index
      %swap3A_1015 = arith.constant 48 : index
      %swap3A_1016 = tpu.vector_load %arg5[%swap3A_1014, %swap3A_1015] {strides = array<i32>} : memref<8x128xf32, #tpu.memory_space<vmem>>, vector<1x16xf32>,
      %swap3A_1017 = vector.shape_cast %swap3A_1016 : vector<1x16xf32> to vector<16xf32>
      %swap3A_1018 = vector.shape_cast %add3A_1012 : vector<16xf32> to vector<1x16xf32>
      tpu.vector_store %arg5[%swap3A_1014, %swap3A_1015], %swap3A_1018 {strides = array<i32>} : memref<8x128xf32, #tpu.memory_space<vmem>>, vector<1x16xf32>,
      %mul3A_1019 = arith.mulf %mul3A_884, %div3A_981 : vector<16xf32>
      %mul3A_1020 = arith.mulf %mul3A_963, %div3A_982 : vector<16xf32>
      %add3A_1021 = arith.addf %mul3A_1019, %mul3A_1020 : vector<16xf32>
      %swap3A_1022 = arith.constant 4 : i32
      %swap3A_1023 = arith.index_cast %swap3A_1022 : i32 to index
      %swap3A_1024 = arith.constant 48 : index
      %swap3A_1025 = tpu.vector_load %arg5[%swap3A_1023, %swap3A_1024] {strides = array<i32>} : memref<8x128xf32, #tpu.memory_space<vmem>>, vector<1x16xf32>,
      %swap3A_1026 = vector.shape_cast %swap3A_1025 : vector<1x16xf32> to vector<16xf32>
      %swap3A_1027 = vector.shape_cast %add3A_1021 : vector<16xf32> to vector<1x16xf32>
      tpu.vector_store %arg5[%swap3A_1023, %swap3A_1024], %swap3A_1027 {strides = array<i32>} : memref<8x128xf32, #tpu.memory_space<vmem>>, vector<1x16xf32>,
      %mul3A_1028 = arith.mulf %mul3A_889, %div3A_981 : vector<16xf32>
      %mul3A_1029 = arith.mulf %mul3A_968, %div3A_982 : vector<16xf32>
      %add3A_1030 = arith.addf %mul3A_1028, %mul3A_1029 : vector<16xf32>
      %swap3A_1031 = arith.constant 5 : i32
      %swap3A_1032 = arith.index_cast %swap3A_1031 : i32 to index
      %swap3A_1033 = arith.constant 48 : index
      %swap3A_1034 = tpu.vector_load %arg5[%swap3A_1032, %swap3A_1033] {strides = array<i32>} : memref<8x128xf32, #tpu.memory_space<vmem>>, vector<1x16xf32>,
      %swap3A_1035 = vector.shape_cast %swap3A_1034 : vector<1x16xf32> to vector<16xf32>
      %swap3A_1036 = vector.shape_cast %add3A_1030 : vector<16xf32> to vector<1x16xf32>
      tpu.vector_store %arg5[%swap3A_1032, %swap3A_1033], %swap3A_1036 {strides = array<i32>} : memref<8x128xf32, #tpu.memory_space<vmem>>, vector<1x16xf32>,
      %mul3A_1037 = arith.mulf %mul3A_894, %div3A_981 : vector<16xf32>
      %mul3A_1038 = arith.mulf %mul3A_973, %div3A_982 : vector<16xf32>
      %add3A_1039 = arith.addf %mul3A_1037, %mul3A_1038 : vector<16xf32>
      %swap3A_1040 = arith.constant 6 : i32
      %swap3A_1041 = arith.index_cast %swap3A_1040 : i32 to index
      %swap3A_1042 = arith.constant 48 : index
      %swap3A_1043 = tpu.vector_load %arg5[%swap3A_1041, %swap3A_1042] {strides = array<i32>} : memref<8x128xf32, #tpu.memory_space<vmem>>, vector<1x16xf32>,
      %swap3A_1044 = vector.shape_cast %swap3A_1043 : vector<1x16xf32> to vector<16xf32>
      %swap3A_1045 = vector.shape_cast %add3A_1039 : vector<16xf32> to vector<1x16xf32>
      tpu.vector_store %arg5[%swap3A_1041, %swap3A_1042], %swap3A_1045 {strides = array<i32>} : memref<8x128xf32, #tpu.memory_space<vmem>>, vector<1x16xf32>,
      %mul3A_1046 = arith.mulf %mul3A_899, %div3A_981 : vector<16xf32>
      %mul3A_1047 = arith.mulf %mul3A_978, %div3A_982 : vector<16xf32>
      %add3A_1048 = arith.addf %mul3A_1046, %mul3A_1047 : vector<16xf32>
      %swap3A_1049 = arith.constant 7 : i32
      %swap3A_1050 = arith.index_cast %swap3A_1049 : i32 to index
      %swap3A_1051 = arith.constant 48 : index
      %swap3A_1052 = tpu.vector_load %arg5[%swap3A_1050, %swap3A_1051] {strides = array<i32>} : memref<8x128xf32, #tpu.memory_space<vmem>>, vector<1x16xf32>,
      %swap3A_1053 = vector.shape_cast %swap3A_1052 : vector<1x16xf32> to vector<16xf32>
      %swap3A_1054 = vector.shape_cast %add3A_1048 : vector<16xf32> to vector<1x16xf32>
      tpu.vector_store %arg5[%swap3A_1050, %swap3A_1051], %swap3A_1054 {strides = array<i32>} : memref<8x128xf32, #tpu.memory_space<vmem>>, vector<1x16xf32>,
      %get3A_1055 = arith.constant 0 : i32
      %get3A_1056 = arith.index_cast %get3A_1055 : i32 to index
      %get3A_1057 = arith.constant 64 : index
      %get3A_1058 = tpu.vector_load %arg4[%get3A_1056, %get3A_1057] {strides = array<i32>} : memref<8x128xf32, #tpu.memory_space<vmem>>, vector<1x16xf32>,
      %get3A_1059 = vector.shape_cast %get3A_1058 : vector<1x16xf32> to vector<16xf32>
      %get3A_1060 = arith.constant 1 : i32
      %get3A_1061 = arith.index_cast %get3A_1060 : i32 to index
      %get3A_1062 = arith.constant 64 : index
      %get3A_1063 = tpu.vector_load %arg4[%get3A_1061, %get3A_1062] {strides = array<i32>} : memref<8x128xf32, #tpu.memory_space<vmem>>, vector<1x16xf32>,
      %get3A_1064 = vector.shape_cast %get3A_1063 : vector<1x16xf32> to vector<16xf32>
      %get3A_1065 = arith.constant 2 : i32
      %get3A_1066 = arith.index_cast %get3A_1065 : i32 to index
      %get3A_1067 = arith.constant 64 : index
      %get3A_1068 = tpu.vector_load %arg4[%get3A_1066, %get3A_1067] {strides = array<i32>} : memref<8x128xf32, #tpu.memory_space<vmem>>, vector<1x16xf32>,
      %get3A_1069 = vector.shape_cast %get3A_1068 : vector<1x16xf32> to vector<16xf32>
      %get3A_1070 = arith.constant 3 : i32
      %get3A_1071 = arith.index_cast %get3A_1070 : i32 to index
      %get3A_1072 = arith.constant 64 : index
      %get3A_1073 = tpu.vector_load %arg4[%get3A_1071, %get3A_1072] {strides = array<i32>} : memref<8x128xf32, #tpu.memory_space<vmem>>, vector<1x16xf32>,
      %get3A_1074 = vector.shape_cast %get3A_1073 : vector<1x16xf32> to vector<16xf32>
      %get3A_1075 = arith.constant 4 : i32
      %get3A_1076 = arith.index_cast %get3A_1075 : i32 to index
      %get3A_1077 = arith.constant 64 : index
      %get3A_1078 = tpu.vector_load %arg4[%get3A_1076, %get3A_1077] {strides = array<i32>} : memref<8x128xf32, #tpu.memory_space<vmem>>, vector<1x16xf32>,
      %get3A_1079 = vector.shape_cast %get3A_1078 : vector<1x16xf32> to vector<16xf32>
      %get3A_1080 = arith.constant 5 : i32
      %get3A_1081 = arith.index_cast %get3A_1080 : i32 to index
      %get3A_1082 = arith.constant 64 : index
      %get3A_1083 = tpu.vector_load %arg4[%get3A_1081, %get3A_1082] {strides = array<i32>} : memref<8x128xf32, #tpu.memory_space<vmem>>, vector<1x16xf32>,
      %get3A_1084 = vector.shape_cast %get3A_1083 : vector<1x16xf32> to vector<16xf32>
      %get3A_1085 = arith.constant 6 : i32
      %get3A_1086 = arith.index_cast %get3A_1085 : i32 to index
      %get3A_1087 = arith.constant 64 : index
      %get3A_1088 = tpu.vector_load %arg4[%get3A_1086, %get3A_1087] {strides = array<i32>} : memref<8x128xf32, #tpu.memory_space<vmem>>, vector<1x16xf32>,
      %get3A_1089 = vector.shape_cast %get3A_1088 : vector<1x16xf32> to vector<16xf32>
      %get3A_1090 = arith.constant 7 : i32
      %get3A_1091 = arith.index_cast %get3A_1090 : i32 to index
      %get3A_1092 = arith.constant 64 : index
      %get3A_1093 = tpu.vector_load %arg4[%get3A_1091, %get3A_1092] {strides = array<i32>} : memref<8x128xf32, #tpu.memory_space<vmem>>, vector<1x16xf32>,
      %get3A_1094 = vector.shape_cast %get3A_1093 : vector<1x16xf32> to vector<16xf32>
      %max3A_1095 = arith.maximumf %get3A_1059, %get3A_1064 : vector<16xf32>
      %max3A_1096 = arith.maximumf %max3A_1095, %get3A_1069 : vector<16xf32>
      %max3A_1097 = arith.maximumf %max3A_1096, %get3A_1074 : vector<16xf32>
      %max3A_1098 = arith.maximumf %max3A_1097, %get3A_1079 : vector<16xf32>
      %max3A_1099 = arith.maximumf %max3A_1098, %get3A_1084 : vector<16xf32>
      %max3A_1100 = arith.maximumf %max3A_1099, %get3A_1089 : vector<16xf32>
      %max3A_1101 = arith.maximumf %max3A_1100, %get3A_1094 : vector<16xf32>
      %sub3A_1102 = arith.subf %get3A_1059, %max3A_1101 : vector<16xf32>
      %exp3A_1103 = math.exp %sub3A_1102 : vector<16xf32>
      %sub3A_1104 = arith.subf %get3A_1064, %max3A_1101 : vector<16xf32>
      %exp3A_1105 = math.exp %sub3A_1104 : vector<16xf32>
      %sub3A_1106 = arith.subf %get3A_1069, %max3A_1101 : vector<16xf32>
      %exp3A_1107 = math.exp %sub3A_1106 : vector<16xf32>
      %sub3A_1108 = arith.subf %get3A_1074, %max3A_1101 : vector<16xf32>
      %exp3A_1109 = math.exp %sub3A_1108 : vector<16xf32>
      %sub3A_1110 = arith.subf %get3A_1079, %max3A_1101 : vector<16xf32>
      %exp3A_1111 = math.exp %sub3A_1110 : vector<16xf32>
      %sub3A_1112 = arith.subf %get3A_1084, %max3A_1101 : vector<16xf32>
      %exp3A_1113 = math.exp %sub3A_1112 : vector<16xf32>
      %sub3A_1114 = arith.subf %get3A_1089, %max3A_1101 : vector<16xf32>
      %exp3A_1115 = math.exp %sub3A_1114 : vector<16xf32>
      %sub3A_1116 = arith.subf %get3A_1094, %max3A_1101 : vector<16xf32>
      %exp3A_1117 = math.exp %sub3A_1116 : vector<16xf32>
      %max3A_1118 = arith.maximumf %exp3A_1103, %exp3A_1105 : vector<16xf32>
      %max3A_1119 = arith.maximumf %max3A_1118, %exp3A_1107 : vector<16xf32>
      %max3A_1120 = arith.maximumf %max3A_1119, %exp3A_1109 : vector<16xf32>
      %max3A_1121 = arith.maximumf %max3A_1120, %exp3A_1111 : vector<16xf32>
      %max3A_1122 = arith.maximumf %max3A_1121, %exp3A_1113 : vector<16xf32>
      %max3A_1123 = arith.maximumf %max3A_1122, %exp3A_1115 : vector<16xf32>
      %max3A_1124 = arith.maximumf %max3A_1123, %exp3A_1117 : vector<16xf32>
      %eq3A_1125 = arith.cmpf oeq, %exp3A_1103, %max3A_1124 : vector<16xf32>
      %select_n3A_1126 = arith.select %eq3A_1125, %broadcast_in_dim3A_3, %broadcast_in_dim3A_5 : vector<16xi1>, vector<16xf32>
      %sub3A_1127 = arith.subf %broadcast_in_dim3A_3, %broadcast_in_dim3A_5 : vector<16xf32>
      %mul3A_1128 = arith.mulf %select_n3A_1126, %sub3A_1127 : vector<16xf32>
      %add3A_1129 = arith.addf %broadcast_in_dim3A_5, %mul3A_1128 : vector<16xf32>
      %eq3A_1130 = arith.cmpf oeq, %exp3A_1105, %max3A_1124 : vector<16xf32>
      %select_n3A_1131 = arith.select %eq3A_1130, %broadcast_in_dim3A_3, %broadcast_in_dim3A_5 : vector<16xi1>, vector<16xf32>
      %sub3A_1132 = arith.subf %broadcast_in_dim3A_3, %add3A_1129 : vector<16xf32>
      %mul3A_1133 = arith.mulf %select_n3A_1131, %sub3A_1132 : vector<16xf32>
      %add3A_1134 = arith.addf %add3A_1129, %mul3A_1133 : vector<16xf32>
      %eq3A_1135 = arith.cmpf oeq, %exp3A_1107, %max3A_1124 : vector<16xf32>
      %select_n3A_1136 = arith.select %eq3A_1135, %broadcast_in_dim3A_3, %broadcast_in_dim3A_5 : vector<16xi1>, vector<16xf32>
      %sub3A_1137 = arith.subf %broadcast_in_dim3A_3, %add3A_1134 : vector<16xf32>
      %mul3A_1138 = arith.mulf %select_n3A_1136, %sub3A_1137 : vector<16xf32>
      %add3A_1139 = arith.addf %add3A_1134, %mul3A_1138 : vector<16xf32>
      %eq3A_1140 = arith.cmpf oeq, %exp3A_1109, %max3A_1124 : vector<16xf32>
      %select_n3A_1141 = arith.select %eq3A_1140, %broadcast_in_dim3A_3, %broadcast_in_dim3A_5 : vector<16xi1>, vector<16xf32>
      %sub3A_1142 = arith.subf %broadcast_in_dim3A_3, %add3A_1139 : vector<16xf32>
      %mul3A_1143 = arith.mulf %select_n3A_1141, %sub3A_1142 : vector<16xf32>
      %add3A_1144 = arith.addf %add3A_1139, %mul3A_1143 : vector<16xf32>
      %eq3A_1145 = arith.cmpf oeq, %exp3A_1111, %max3A_1124 : vector<16xf32>
      %select_n3A_1146 = arith.select %eq3A_1145, %broadcast_in_dim3A_3, %broadcast_in_dim3A_5 : vector<16xi1>, vector<16xf32>
      %sub3A_1147 = arith.subf %broadcast_in_dim3A_3, %add3A_1144 : vector<16xf32>
      %mul3A_1148 = arith.mulf %select_n3A_1146, %sub3A_1147 : vector<16xf32>
      %add3A_1149 = arith.addf %add3A_1144, %mul3A_1148 : vector<16xf32>
      %eq3A_1150 = arith.cmpf oeq, %exp3A_1113, %max3A_1124 : vector<16xf32>
      %select_n3A_1151 = arith.select %eq3A_1150, %broadcast_in_dim3A_3, %broadcast_in_dim3A_5 : vector<16xi1>, vector<16xf32>
      %sub3A_1152 = arith.subf %broadcast_in_dim3A_3, %add3A_1149 : vector<16xf32>
      %mul3A_1153 = arith.mulf %select_n3A_1151, %sub3A_1152 : vector<16xf32>
      %add3A_1154 = arith.addf %add3A_1149, %mul3A_1153 : vector<16xf32>
      %eq3A_1155 = arith.cmpf oeq, %exp3A_1115, %max3A_1124 : vector<16xf32>
      %select_n3A_1156 = arith.select %eq3A_1155, %broadcast_in_dim3A_3, %broadcast_in_dim3A_5 : vector<16xi1>, vector<16xf32>
      %sub3A_1157 = arith.subf %broadcast_in_dim3A_3, %add3A_1154 : vector<16xf32>
      %mul3A_1158 = arith.mulf %select_n3A_1156, %sub3A_1157 : vector<16xf32>
      %add3A_1159 = arith.addf %add3A_1154, %mul3A_1158 : vector<16xf32>
      %eq3A_1160 = arith.cmpf oeq, %exp3A_1117, %max3A_1124 : vector<16xf32>
      %select_n3A_1161 = arith.select %eq3A_1160, %broadcast_in_dim3A_3, %broadcast_in_dim3A_5 : vector<16xi1>, vector<16xf32>
      %sub3A_1162 = arith.subf %broadcast_in_dim3A_3, %add3A_1159 : vector<16xf32>
      %mul3A_1163 = arith.mulf %select_n3A_1161, %sub3A_1162 : vector<16xf32>
      %add3A_1164 = arith.addf %add3A_1159, %mul3A_1163 : vector<16xf32>
      %mul3A_1165 = arith.constant 2.000000e+00 : f32
      %mul3A_1166 = vector.broadcast %mul3A_1165 : f32 to vector<16xf32>
      %mul3A_1167 = arith.mulf %mul3A_1166, %mul3A_1128 : vector<16xf32>
      %sub3A_1168 = arith.subf %exp3A_1103, %mul3A_1167 : vector<16xf32>
      %mul3A_1169 = arith.constant 2.000000e+00 : f32
      %mul3A_1170 = vector.broadcast %mul3A_1169 : f32 to vector<16xf32>
      %mul3A_1171 = arith.mulf %mul3A_1170, %mul3A_1133 : vector<16xf32>
      %sub3A_1172 = arith.subf %exp3A_1105, %mul3A_1171 : vector<16xf32>
      %mul3A_1173 = arith.constant 2.000000e+00 : f32
      %mul3A_1174 = vector.broadcast %mul3A_1173 : f32 to vector<16xf32>
      %mul3A_1175 = arith.mulf %mul3A_1174, %mul3A_1138 : vector<16xf32>
      %sub3A_1176 = arith.subf %exp3A_1107, %mul3A_1175 : vector<16xf32>
      %mul3A_1177 = arith.constant 2.000000e+00 : f32
      %mul3A_1178 = vector.broadcast %mul3A_1177 : f32 to vector<16xf32>
      %mul3A_1179 = arith.mulf %mul3A_1178, %mul3A_1143 : vector<16xf32>
      %sub3A_1180 = arith.subf %exp3A_1109, %mul3A_1179 : vector<16xf32>
      %mul3A_1181 = arith.constant 2.000000e+00 : f32
      %mul3A_1182 = vector.broadcast %mul3A_1181 : f32 to vector<16xf32>
      %mul3A_1183 = arith.mulf %mul3A_1182, %mul3A_1148 : vector<16xf32>
      %sub3A_1184 = arith.subf %exp3A_1111, %mul3A_1183 : vector<16xf32>
      %mul3A_1185 = arith.constant 2.000000e+00 : f32
      %mul3A_1186 = vector.broadcast %mul3A_1185 : f32 to vector<16xf32>
      %mul3A_1187 = arith.mulf %mul3A_1186, %mul3A_1153 : vector<16xf32>
      %sub3A_1188 = arith.subf %exp3A_1113, %mul3A_1187 : vector<16xf32>
      %mul3A_1189 = arith.constant 2.000000e+00 : f32
      %mul3A_1190 = vector.broadcast %mul3A_1189 : f32 to vector<16xf32>
      %mul3A_1191 = arith.mulf %mul3A_1190, %mul3A_1158 : vector<16xf32>
      %sub3A_1192 = arith.subf %exp3A_1115, %mul3A_1191 : vector<16xf32>
      %mul3A_1193 = arith.constant 2.000000e+00 : f32
      %mul3A_1194 = vector.broadcast %mul3A_1193 : f32 to vector<16xf32>
      %mul3A_1195 = arith.mulf %mul3A_1194, %mul3A_1163 : vector<16xf32>
      %sub3A_1196 = arith.subf %exp3A_1117, %mul3A_1195 : vector<16xf32>
      %max3A_1197 = arith.maximumf %sub3A_1168, %sub3A_1172 : vector<16xf32>
      %max3A_1198 = arith.maximumf %max3A_1197, %sub3A_1176 : vector<16xf32>
      %max3A_1199 = arith.maximumf %max3A_1198, %sub3A_1180 : vector<16xf32>
      %max3A_1200 = arith.maximumf %max3A_1199, %sub3A_1184 : vector<16xf32>
      %max3A_1201 = arith.maximumf %max3A_1200, %sub3A_1188 : vector<16xf32>
      %max3A_1202 = arith.maximumf %max3A_1201, %sub3A_1192 : vector<16xf32>
      %max3A_1203 = arith.maximumf %max3A_1202, %sub3A_1196 : vector<16xf32>
      %eq3A_1204 = arith.cmpf oeq, %sub3A_1168, %max3A_1203 : vector<16xf32>
      %select_n3A_1205 = arith.select %eq3A_1204, %broadcast_in_dim3A_3, %broadcast_in_dim3A_5 : vector<16xi1>, vector<16xf32>
      %sub3A_1206 = arith.subf %broadcast_in_dim3A_3, %broadcast_in_dim3A_5 : vector<16xf32>
      %mul3A_1207 = arith.mulf %select_n3A_1205, %sub3A_1206 : vector<16xf32>
      %add3A_1208 = arith.addf %broadcast_in_dim3A_5, %mul3A_1207 : vector<16xf32>
      %eq3A_1209 = arith.cmpf oeq, %sub3A_1172, %max3A_1203 : vector<16xf32>
      %select_n3A_1210 = arith.select %eq3A_1209, %broadcast_in_dim3A_3, %broadcast_in_dim3A_5 : vector<16xi1>, vector<16xf32>
      %sub3A_1211 = arith.subf %broadcast_in_dim3A_3, %add3A_1208 : vector<16xf32>
      %mul3A_1212 = arith.mulf %select_n3A_1210, %sub3A_1211 : vector<16xf32>
      %add3A_1213 = arith.addf %add3A_1208, %mul3A_1212 : vector<16xf32>
      %eq3A_1214 = arith.cmpf oeq, %sub3A_1176, %max3A_1203 : vector<16xf32>
      %select_n3A_1215 = arith.select %eq3A_1214, %broadcast_in_dim3A_3, %broadcast_in_dim3A_5 : vector<16xi1>, vector<16xf32>
      %sub3A_1216 = arith.subf %broadcast_in_dim3A_3, %add3A_1213 : vector<16xf32>
      %mul3A_1217 = arith.mulf %select_n3A_1215, %sub3A_1216 : vector<16xf32>
      %add3A_1218 = arith.addf %add3A_1213, %mul3A_1217 : vector<16xf32>
      %eq3A_1219 = arith.cmpf oeq, %sub3A_1180, %max3A_1203 : vector<16xf32>
      %select_n3A_1220 = arith.select %eq3A_1219, %broadcast_in_dim3A_3, %broadcast_in_dim3A_5 : vector<16xi1>, vector<16xf32>
      %sub3A_1221 = arith.subf %broadcast_in_dim3A_3, %add3A_1218 : vector<16xf32>
      %mul3A_1222 = arith.mulf %select_n3A_1220, %sub3A_1221 : vector<16xf32>
      %add3A_1223 = arith.addf %add3A_1218, %mul3A_1222 : vector<16xf32>
      %eq3A_1224 = arith.cmpf oeq, %sub3A_1184, %max3A_1203 : vector<16xf32>
      %select_n3A_1225 = arith.select %eq3A_1224, %broadcast_in_dim3A_3, %broadcast_in_dim3A_5 : vector<16xi1>, vector<16xf32>
      %sub3A_1226 = arith.subf %broadcast_in_dim3A_3, %add3A_1223 : vector<16xf32>
      %mul3A_1227 = arith.mulf %select_n3A_1225, %sub3A_1226 : vector<16xf32>
      %add3A_1228 = arith.addf %add3A_1223, %mul3A_1227 : vector<16xf32>
      %eq3A_1229 = arith.cmpf oeq, %sub3A_1188, %max3A_1203 : vector<16xf32>
      %select_n3A_1230 = arith.select %eq3A_1229, %broadcast_in_dim3A_3, %broadcast_in_dim3A_5 : vector<16xi1>, vector<16xf32>
      %sub3A_1231 = arith.subf %broadcast_in_dim3A_3, %add3A_1228 : vector<16xf32>
      %mul3A_1232 = arith.mulf %select_n3A_1230, %sub3A_1231 : vector<16xf32>
      %add3A_1233 = arith.addf %add3A_1228, %mul3A_1232 : vector<16xf32>
      %eq3A_1234 = arith.cmpf oeq, %sub3A_1192, %max3A_1203 : vector<16xf32>
      %select_n3A_1235 = arith.select %eq3A_1234, %broadcast_in_dim3A_3, %broadcast_in_dim3A_5 : vector<16xi1>, vector<16xf32>
      %sub3A_1236 = arith.subf %broadcast_in_dim3A_3, %add3A_1233 : vector<16xf32>
      %mul3A_1237 = arith.mulf %select_n3A_1235, %sub3A_1236 : vector<16xf32>
      %add3A_1238 = arith.addf %add3A_1233, %mul3A_1237 : vector<16xf32>
      %eq3A_1239 = arith.cmpf oeq, %sub3A_1196, %max3A_1203 : vector<16xf32>
      %select_n3A_1240 = arith.select %eq3A_1239, %broadcast_in_dim3A_3, %broadcast_in_dim3A_5 : vector<16xi1>, vector<16xf32>
      %sub3A_1241 = arith.subf %broadcast_in_dim3A_3, %add3A_1238 : vector<16xf32>
      %mul3A_1242 = arith.mulf %select_n3A_1240, %sub3A_1241 : vector<16xf32>
      %add3A_1243 = arith.addf %add3A_1238, %mul3A_1242 : vector<16xf32>
      %add3A_1244 = arith.addf %max3A_1124, %max3A_1203 : vector<16xf32>
      %div3A_1245 = arith.divf %max3A_1124, %add3A_1244 : vector<16xf32>
      %div3A_1246 = arith.divf %max3A_1203, %add3A_1244 : vector<16xf32>
      %mul3A_1247 = arith.mulf %mul3A_1128, %div3A_1245 : vector<16xf32>
      %mul3A_1248 = arith.mulf %mul3A_1207, %div3A_1246 : vector<16xf32>
      %add3A_1249 = arith.addf %mul3A_1247, %mul3A_1248 : vector<16xf32>
      %swap3A_1250 = arith.constant 0 : i32
      %swap3A_1251 = arith.index_cast %swap3A_1250 : i32 to index
      %swap3A_1252 = arith.constant 64 : index
      %swap3A_1253 = tpu.vector_load %arg5[%swap3A_1251, %swap3A_1252] {strides = array<i32>} : memref<8x128xf32, #tpu.memory_space<vmem>>, vector<1x16xf32>,
      %swap3A_1254 = vector.shape_cast %swap3A_1253 : vector<1x16xf32> to vector<16xf32>
      %swap3A_1255 = vector.shape_cast %add3A_1249 : vector<16xf32> to vector<1x16xf32>
      tpu.vector_store %arg5[%swap3A_1251, %swap3A_1252], %swap3A_1255 {strides = array<i32>} : memref<8x128xf32, #tpu.memory_space<vmem>>, vector<1x16xf32>,
      %mul3A_1256 = arith.mulf %mul3A_1133, %div3A_1245 : vector<16xf32>
      %mul3A_1257 = arith.mulf %mul3A_1212, %div3A_1246 : vector<16xf32>
      %add3A_1258 = arith.addf %mul3A_1256, %mul3A_1257 : vector<16xf32>
      %swap3A_1259 = arith.constant 1 : i32
      %swap3A_1260 = arith.index_cast %swap3A_1259 : i32 to index
      %swap3A_1261 = arith.constant 64 : index
      %swap3A_1262 = tpu.vector_load %arg5[%swap3A_1260, %swap3A_1261] {strides = array<i32>} : memref<8x128xf32, #tpu.memory_space<vmem>>, vector<1x16xf32>,
      %swap3A_1263 = vector.shape_cast %swap3A_1262 : vector<1x16xf32> to vector<16xf32>
      %swap3A_1264 = vector.shape_cast %add3A_1258 : vector<16xf32> to vector<1x16xf32>
      tpu.vector_store %arg5[%swap3A_1260, %swap3A_1261], %swap3A_1264 {strides = array<i32>} : memref<8x128xf32, #tpu.memory_space<vmem>>, vector<1x16xf32>,
      %mul3A_1265 = arith.mulf %mul3A_1138, %div3A_1245 : vector<16xf32>
      %mul3A_1266 = arith.mulf %mul3A_1217, %div3A_1246 : vector<16xf32>
      %add3A_1267 = arith.addf %mul3A_1265, %mul3A_1266 : vector<16xf32>
      %swap3A_1268 = arith.constant 2 : i32
      %swap3A_1269 = arith.index_cast %swap3A_1268 : i32 to index
      %swap3A_1270 = arith.constant 64 : index
      %swap3A_1271 = tpu.vector_load %arg5[%swap3A_1269, %swap3A_1270] {strides = array<i32>} : memref<8x128xf32, #tpu.memory_space<vmem>>, vector<1x16xf32>,
      %swap3A_1272 = vector.shape_cast %swap3A_1271 : vector<1x16xf32> to vector<16xf32>
      %swap3A_1273 = vector.shape_cast %add3A_1267 : vector<16xf32> to vector<1x16xf32>
      tpu.vector_store %arg5[%swap3A_1269, %swap3A_1270], %swap3A_1273 {strides = array<i32>} : memref<8x128xf32, #tpu.memory_space<vmem>>, vector<1x16xf32>,
      %mul3A_1274 = arith.mulf %mul3A_1143, %div3A_1245 : vector<16xf32>
      %mul3A_1275 = arith.mulf %mul3A_1222, %div3A_1246 : vector<16xf32>
      %add3A_1276 = arith.addf %mul3A_1274, %mul3A_1275 : vector<16xf32>
      %swap3A_1277 = arith.constant 3 : i32
      %swap3A_1278 = arith.index_cast %swap3A_1277 : i32 to index
      %swap3A_1279 = arith.constant 64 : index
      %swap3A_1280 = tpu.vector_load %arg5[%swap3A_1278, %swap3A_1279] {strides = array<i32>} : memref<8x128xf32, #tpu.memory_space<vmem>>, vector<1x16xf32>,
      %swap3A_1281 = vector.shape_cast %swap3A_1280 : vector<1x16xf32> to vector<16xf32>
      %swap3A_1282 = vector.shape_cast %add3A_1276 : vector<16xf32> to vector<1x16xf32>
      tpu.vector_store %arg5[%swap3A_1278, %swap3A_1279], %swap3A_1282 {strides = array<i32>} : memref<8x128xf32, #tpu.memory_space<vmem>>, vector<1x16xf32>,
      %mul3A_1283 = arith.mulf %mul3A_1148, %div3A_1245 : vector<16xf32>
      %mul3A_1284 = arith.mulf %mul3A_1227, %div3A_1246 : vector<16xf32>
      %add3A_1285 = arith.addf %mul3A_1283, %mul3A_1284 : vector<16xf32>
      %swap3A_1286 = arith.constant 4 : i32
      %swap3A_1287 = arith.index_cast %swap3A_1286 : i32 to index
      %swap3A_1288 = arith.constant 64 : index
      %swap3A_1289 = tpu.vector_load %arg5[%swap3A_1287, %swap3A_1288] {strides = array<i32>} : memref<8x128xf32, #tpu.memory_space<vmem>>, vector<1x16xf32>,
      %swap3A_1290 = vector.shape_cast %swap3A_1289 : vector<1x16xf32> to vector<16xf32>
      %swap3A_1291 = vector.shape_cast %add3A_1285 : vector<16xf32> to vector<1x16xf32>
      tpu.vector_store %arg5[%swap3A_1287, %swap3A_1288], %swap3A_1291 {strides = array<i32>} : memref<8x128xf32, #tpu.memory_space<vmem>>, vector<1x16xf32>,
      %mul3A_1292 = arith.mulf %mul3A_1153, %div3A_1245 : vector<16xf32>
      %mul3A_1293 = arith.mulf %mul3A_1232, %div3A_1246 : vector<16xf32>
      %add3A_1294 = arith.addf %mul3A_1292, %mul3A_1293 : vector<16xf32>
      %swap3A_1295 = arith.constant 5 : i32
      %swap3A_1296 = arith.index_cast %swap3A_1295 : i32 to index
      %swap3A_1297 = arith.constant 64 : index
      %swap3A_1298 = tpu.vector_load %arg5[%swap3A_1296, %swap3A_1297] {strides = array<i32>} : memref<8x128xf32, #tpu.memory_space<vmem>>, vector<1x16xf32>,
      %swap3A_1299 = vector.shape_cast %swap3A_1298 : vector<1x16xf32> to vector<16xf32>
      %swap3A_1300 = vector.shape_cast %add3A_1294 : vector<16xf32> to vector<1x16xf32>
      tpu.vector_store %arg5[%swap3A_1296, %swap3A_1297], %swap3A_1300 {strides = array<i32>} : memref<8x128xf32, #tpu.memory_space<vmem>>, vector<1x16xf32>,
      %mul3A_1301 = arith.mulf %mul3A_1158, %div3A_1245 : vector<16xf32>
      %mul3A_1302 = arith.mulf %mul3A_1237, %div3A_1246 : vector<16xf32>
      %add3A_1303 = arith.addf %mul3A_1301, %mul3A_1302 : vector<16xf32>
      %swap3A_1304 = arith.constant 6 : i32
      %swap3A_1305 = arith.index_cast %swap3A_1304 : i32 to index
      %swap3A_1306 = arith.constant 64 : index
      %swap3A_1307 = tpu.vector_load %arg5[%swap3A_1305, %swap3A_1306] {strides = array<i32>} : memref<8x128xf32, #tpu.memory_space<vmem>>, vector<1x16xf32>,
      %swap3A_1308 = vector.shape_cast %swap3A_1307 : vector<1x16xf32> to vector<16xf32>
      %swap3A_1309 = vector.shape_cast %add3A_1303 : vector<16xf32> to vector<1x16xf32>
      tpu.vector_store %arg5[%swap3A_1305, %swap3A_1306], %swap3A_1309 {strides = array<i32>} : memref<8x128xf32, #tpu.memory_space<vmem>>, vector<1x16xf32>,
      %mul3A_1310 = arith.mulf %mul3A_1163, %div3A_1245 : vector<16xf32>
      %mul3A_1311 = arith.mulf %mul3A_1242, %div3A_1246 : vector<16xf32>
      %add3A_1312 = arith.addf %mul3A_1310, %mul3A_1311 : vector<16xf32>
      %swap3A_1313 = arith.constant 7 : i32
      %swap3A_1314 = arith.index_cast %swap3A_1313 : i32 to index
      %swap3A_1315 = arith.constant 64 : index
      %swap3A_1316 = tpu.vector_load %arg5[%swap3A_1314, %swap3A_1315] {strides = array<i32>} : memref<8x128xf32, #tpu.memory_space<vmem>>, vector<1x16xf32>,
      %swap3A_1317 = vector.shape_cast %swap3A_1316 : vector<1x16xf32> to vector<16xf32>
      %swap3A_1318 = vector.shape_cast %add3A_1312 : vector<16xf32> to vector<1x16xf32>
      tpu.vector_store %arg5[%swap3A_1314, %swap3A_1315], %swap3A_1318 {strides = array<i32>} : memref<8x128xf32, #tpu.memory_space<vmem>>, vector<1x16xf32>,
      %get3A_1319 = arith.constant 0 : i32
      %get3A_1320 = arith.index_cast %get3A_1319 : i32 to index
      %get3A_1321 = arith.constant 80 : index
      %get3A_1322 = tpu.vector_load %arg4[%get3A_1320, %get3A_1321] {strides = array<i32>} : memref<8x128xf32, #tpu.memory_space<vmem>>, vector<1x16xf32>,
      %get3A_1323 = vector.shape_cast %get3A_1322 : vector<1x16xf32> to vector<16xf32>
      %get3A_1324 = arith.constant 1 : i32
      %get3A_1325 = arith.index_cast %get3A_1324 : i32 to index
      %get3A_1326 = arith.constant 80 : index
      %get3A_1327 = tpu.vector_load %arg4[%get3A_1325, %get3A_1326] {strides = array<i32>} : memref<8x128xf32, #tpu.memory_space<vmem>>, vector<1x16xf32>,
      %get3A_1328 = vector.shape_cast %get3A_1327 : vector<1x16xf32> to vector<16xf32>
      %get3A_1329 = arith.constant 2 : i32
      %get3A_1330 = arith.index_cast %get3A_1329 : i32 to index
      %get3A_1331 = arith.constant 80 : index
      %get3A_1332 = tpu.vector_load %arg4[%get3A_1330, %get3A_1331] {strides = array<i32>} : memref<8x128xf32, #tpu.memory_space<vmem>>, vector<1x16xf32>,
      %get3A_1333 = vector.shape_cast %get3A_1332 : vector<1x16xf32> to vector<16xf32>
      %get3A_1334 = arith.constant 3 : i32
      %get3A_1335 = arith.index_cast %get3A_1334 : i32 to index
      %get3A_1336 = arith.constant 80 : index
      %get3A_1337 = tpu.vector_load %arg4[%get3A_1335, %get3A_1336] {strides = array<i32>} : memref<8x128xf32, #tpu.memory_space<vmem>>, vector<1x16xf32>,
      %get3A_1338 = vector.shape_cast %get3A_1337 : vector<1x16xf32> to vector<16xf32>
      %get3A_1339 = arith.constant 4 : i32
      %get3A_1340 = arith.index_cast %get3A_1339 : i32 to index
      %get3A_1341 = arith.constant 80 : index
      %get3A_1342 = tpu.vector_load %arg4[%get3A_1340, %get3A_1341] {strides = array<i32>} : memref<8x128xf32, #tpu.memory_space<vmem>>, vector<1x16xf32>,
      %get3A_1343 = vector.shape_cast %get3A_1342 : vector<1x16xf32> to vector<16xf32>
      %get3A_1344 = arith.constant 5 : i32
      %get3A_1345 = arith.index_cast %get3A_1344 : i32 to index
      %get3A_1346 = arith.constant 80 : index
      %get3A_1347 = tpu.vector_load %arg4[%get3A_1345, %get3A_1346] {strides = array<i32>} : memref<8x128xf32, #tpu.memory_space<vmem>>, vector<1x16xf32>,
      %get3A_1348 = vector.shape_cast %get3A_1347 : vector<1x16xf32> to vector<16xf32>
      %get3A_1349 = arith.constant 6 : i32
      %get3A_1350 = arith.index_cast %get3A_1349 : i32 to index
      %get3A_1351 = arith.constant 80 : index
      %get3A_1352 = tpu.vector_load %arg4[%get3A_1350, %get3A_1351] {strides = array<i32>} : memref<8x128xf32, #tpu.memory_space<vmem>>, vector<1x16xf32>,
      %get3A_1353 = vector.shape_cast %get3A_1352 : vector<1x16xf32> to vector<16xf32>
      %get3A_1354 = arith.constant 7 : i32
      %get3A_1355 = arith.index_cast %get3A_1354 : i32 to index
      %get3A_1356 = arith.constant 80 : index
      %get3A_1357 = tpu.vector_load %arg4[%get3A_1355, %get3A_1356] {strides = array<i32>} : memref<8x128xf32, #tpu.memory_space<vmem>>, vector<1x16xf32>,
      %get3A_1358 = vector.shape_cast %get3A_1357 : vector<1x16xf32> to vector<16xf32>
      %max3A_1359 = arith.maximumf %get3A_1323, %get3A_1328 : vector<16xf32>
      %max3A_1360 = arith.maximumf %max3A_1359, %get3A_1333 : vector<16xf32>
      %max3A_1361 = arith.maximumf %max3A_1360, %get3A_1338 : vector<16xf32>
      %max3A_1362 = arith.maximumf %max3A_1361, %get3A_1343 : vector<16xf32>
      %max3A_1363 = arith.maximumf %max3A_1362, %get3A_1348 : vector<16xf32>
      %max3A_1364 = arith.maximumf %max3A_1363, %get3A_1353 : vector<16xf32>
      %max3A_1365 = arith.maximumf %max3A_1364, %get3A_1358 : vector<16xf32>
      %sub3A_1366 = arith.subf %get3A_1323, %max3A_1365 : vector<16xf32>
      %exp3A_1367 = math.exp %sub3A_1366 : vector<16xf32>
      %sub3A_1368 = arith.subf %get3A_1328, %max3A_1365 : vector<16xf32>
      %exp3A_1369 = math.exp %sub3A_1368 : vector<16xf32>
      %sub3A_1370 = arith.subf %get3A_1333, %max3A_1365 : vector<16xf32>
      %exp3A_1371 = math.exp %sub3A_1370 : vector<16xf32>
      %sub3A_1372 = arith.subf %get3A_1338, %max3A_1365 : vector<16xf32>
      %exp3A_1373 = math.exp %sub3A_1372 : vector<16xf32>
      %sub3A_1374 = arith.subf %get3A_1343, %max3A_1365 : vector<16xf32>
      %exp3A_1375 = math.exp %sub3A_1374 : vector<16xf32>
      %sub3A_1376 = arith.subf %get3A_1348, %max3A_1365 : vector<16xf32>
      %exp3A_1377 = math.exp %sub3A_1376 : vector<16xf32>
      %sub3A_1378 = arith.subf %get3A_1353, %max3A_1365 : vector<16xf32>
      %exp3A_1379 = math.exp %sub3A_1378 : vector<16xf32>
      %sub3A_1380 = arith.subf %get3A_1358, %max3A_1365 : vector<16xf32>
      %exp3A_1381 = math.exp %sub3A_1380 : vector<16xf32>
      %max3A_1382 = arith.maximumf %exp3A_1367, %exp3A_1369 : vector<16xf32>
      %max3A_1383 = arith.maximumf %max3A_1382, %exp3A_1371 : vector<16xf32>
      %max3A_1384 = arith.maximumf %max3A_1383, %exp3A_1373 : vector<16xf32>
      %max3A_1385 = arith.maximumf %max3A_1384, %exp3A_1375 : vector<16xf32>
      %max3A_1386 = arith.maximumf %max3A_1385, %exp3A_1377 : vector<16xf32>
      %max3A_1387 = arith.maximumf %max3A_1386, %exp3A_1379 : vector<16xf32>
      %max3A_1388 = arith.maximumf %max3A_1387, %exp3A_1381 : vector<16xf32>
      %eq3A_1389 = arith.cmpf oeq, %exp3A_1367, %max3A_1388 : vector<16xf32>
      %select_n3A_1390 = arith.select %eq3A_1389, %broadcast_in_dim3A_3, %broadcast_in_dim3A_5 : vector<16xi1>, vector<16xf32>
      %sub3A_1391 = arith.subf %broadcast_in_dim3A_3, %broadcast_in_dim3A_5 : vector<16xf32>
      %mul3A_1392 = arith.mulf %select_n3A_1390, %sub3A_1391 : vector<16xf32>
      %add3A_1393 = arith.addf %broadcast_in_dim3A_5, %mul3A_1392 : vector<16xf32>
      %eq3A_1394 = arith.cmpf oeq, %exp3A_1369, %max3A_1388 : vector<16xf32>
      %select_n3A_1395 = arith.select %eq3A_1394, %broadcast_in_dim3A_3, %broadcast_in_dim3A_5 : vector<16xi1>, vector<16xf32>
      %sub3A_1396 = arith.subf %broadcast_in_dim3A_3, %add3A_1393 : vector<16xf32>
      %mul3A_1397 = arith.mulf %select_n3A_1395, %sub3A_1396 : vector<16xf32>
      %add3A_1398 = arith.addf %add3A_1393, %mul3A_1397 : vector<16xf32>
      %eq3A_1399 = arith.cmpf oeq, %exp3A_1371, %max3A_1388 : vector<16xf32>
      %select_n3A_1400 = arith.select %eq3A_1399, %broadcast_in_dim3A_3, %broadcast_in_dim3A_5 : vector<16xi1>, vector<16xf32>
      %sub3A_1401 = arith.subf %broadcast_in_dim3A_3, %add3A_1398 : vector<16xf32>
      %mul3A_1402 = arith.mulf %select_n3A_1400, %sub3A_1401 : vector<16xf32>
      %add3A_1403 = arith.addf %add3A_1398, %mul3A_1402 : vector<16xf32>
      %eq3A_1404 = arith.cmpf oeq, %exp3A_1373, %max3A_1388 : vector<16xf32>
      %select_n3A_1405 = arith.select %eq3A_1404, %broadcast_in_dim3A_3, %broadcast_in_dim3A_5 : vector<16xi1>, vector<16xf32>
      %sub3A_1406 = arith.subf %broadcast_in_dim3A_3, %add3A_1403 : vector<16xf32>
      %mul3A_1407 = arith.mulf %select_n3A_1405, %sub3A_1406 : vector<16xf32>
      %add3A_1408 = arith.addf %add3A_1403, %mul3A_1407 : vector<16xf32>
      %eq3A_1409 = arith.cmpf oeq, %exp3A_1375, %max3A_1388 : vector<16xf32>
      %select_n3A_1410 = arith.select %eq3A_1409, %broadcast_in_dim3A_3, %broadcast_in_dim3A_5 : vector<16xi1>, vector<16xf32>
      %sub3A_1411 = arith.subf %broadcast_in_dim3A_3, %add3A_1408 : vector<16xf32>
      %mul3A_1412 = arith.mulf %select_n3A_1410, %sub3A_1411 : vector<16xf32>
      %add3A_1413 = arith.addf %add3A_1408, %mul3A_1412 : vector<16xf32>
      %eq3A_1414 = arith.cmpf oeq, %exp3A_1377, %max3A_1388 : vector<16xf32>
      %select_n3A_1415 = arith.select %eq3A_1414, %broadcast_in_dim3A_3, %broadcast_in_dim3A_5 : vector<16xi1>, vector<16xf32>
      %sub3A_1416 = arith.subf %broadcast_in_dim3A_3, %add3A_1413 : vector<16xf32>
      %mul3A_1417 = arith.mulf %select_n3A_1415, %sub3A_1416 : vector<16xf32>
      %add3A_1418 = arith.addf %add3A_1413, %mul3A_1417 : vector<16xf32>
      %eq3A_1419 = arith.cmpf oeq, %exp3A_1379, %max3A_1388 : vector<16xf32>
      %select_n3A_1420 = arith.select %eq3A_1419, %broadcast_in_dim3A_3, %broadcast_in_dim3A_5 : vector<16xi1>, vector<16xf32>
      %sub3A_1421 = arith.subf %broadcast_in_dim3A_3, %add3A_1418 : vector<16xf32>
      %mul3A_1422 = arith.mulf %select_n3A_1420, %sub3A_1421 : vector<16xf32>
      %add3A_1423 = arith.addf %add3A_1418, %mul3A_1422 : vector<16xf32>
      %eq3A_1424 = arith.cmpf oeq, %exp3A_1381, %max3A_1388 : vector<16xf32>
      %select_n3A_1425 = arith.select %eq3A_1424, %broadcast_in_dim3A_3, %broadcast_in_dim3A_5 : vector<16xi1>, vector<16xf32>
      %sub3A_1426 = arith.subf %broadcast_in_dim3A_3, %add3A_1423 : vector<16xf32>
      %mul3A_1427 = arith.mulf %select_n3A_1425, %sub3A_1426 : vector<16xf32>
      %add3A_1428 = arith.addf %add3A_1423, %mul3A_1427 : vector<16xf32>
      %mul3A_1429 = arith.constant 2.000000e+00 : f32
      %mul3A_1430 = vector.broadcast %mul3A_1429 : f32 to vector<16xf32>
      %mul3A_1431 = arith.mulf %mul3A_1430, %mul3A_1392 : vector<16xf32>
      %sub3A_1432 = arith.subf %exp3A_1367, %mul3A_1431 : vector<16xf32>
      %mul3A_1433 = arith.constant 2.000000e+00 : f32
      %mul3A_1434 = vector.broadcast %mul3A_1433 : f32 to vector<16xf32>
      %mul3A_1435 = arith.mulf %mul3A_1434, %mul3A_1397 : vector<16xf32>
      %sub3A_1436 = arith.subf %exp3A_1369, %mul3A_1435 : vector<16xf32>
      %mul3A_1437 = arith.constant 2.000000e+00 : f32
      %mul3A_1438 = vector.broadcast %mul3A_1437 : f32 to vector<16xf32>
      %mul3A_1439 = arith.mulf %mul3A_1438, %mul3A_1402 : vector<16xf32>
      %sub3A_1440 = arith.subf %exp3A_1371, %mul3A_1439 : vector<16xf32>
      %mul3A_1441 = arith.constant 2.000000e+00 : f32
      %mul3A_1442 = vector.broadcast %mul3A_1441 : f32 to vector<16xf32>
      %mul3A_1443 = arith.mulf %mul3A_1442, %mul3A_1407 : vector<16xf32>
      %sub3A_1444 = arith.subf %exp3A_1373, %mul3A_1443 : vector<16xf32>
      %mul3A_1445 = arith.constant 2.000000e+00 : f32
      %mul3A_1446 = vector.broadcast %mul3A_1445 : f32 to vector<16xf32>
      %mul3A_1447 = arith.mulf %mul3A_1446, %mul3A_1412 : vector<16xf32>
      %sub3A_1448 = arith.subf %exp3A_1375, %mul3A_1447 : vector<16xf32>
      %mul3A_1449 = arith.constant 2.000000e+00 : f32
      %mul3A_1450 = vector.broadcast %mul3A_1449 : f32 to vector<16xf32>
      %mul3A_1451 = arith.mulf %mul3A_1450, %mul3A_1417 : vector<16xf32>
      %sub3A_1452 = arith.subf %exp3A_1377, %mul3A_1451 : vector<16xf32>
      %mul3A_1453 = arith.constant 2.000000e+00 : f32
      %mul3A_1454 = vector.broadcast %mul3A_1453 : f32 to vector<16xf32>
      %mul3A_1455 = arith.mulf %mul3A_1454, %mul3A_1422 : vector<16xf32>
      %sub3A_1456 = arith.subf %exp3A_1379, %mul3A_1455 : vector<16xf32>
      %mul3A_1457 = arith.constant 2.000000e+00 : f32
      %mul3A_1458 = vector.broadcast %mul3A_1457 : f32 to vector<16xf32>
      %mul3A_1459 = arith.mulf %mul3A_1458, %mul3A_1427 : vector<16xf32>
      %sub3A_1460 = arith.subf %exp3A_1381, %mul3A_1459 : vector<16xf32>
      %max3A_1461 = arith.maximumf %sub3A_1432, %sub3A_1436 : vector<16xf32>
      %max3A_1462 = arith.maximumf %max3A_1461, %sub3A_1440 : vector<16xf32>
      %max3A_1463 = arith.maximumf %max3A_1462, %sub3A_1444 : vector<16xf32>
      %max3A_1464 = arith.maximumf %max3A_1463, %sub3A_1448 : vector<16xf32>
      %max3A_1465 = arith.maximumf %max3A_1464, %sub3A_1452 : vector<16xf32>
      %max3A_1466 = arith.maximumf %max3A_1465, %sub3A_1456 : vector<16xf32>
      %max3A_1467 = arith.maximumf %max3A_1466, %sub3A_1460 : vector<16xf32>
      %eq3A_1468 = arith.cmpf oeq, %sub3A_1432, %max3A_1467 : vector<16xf32>
      %select_n3A_1469 = arith.select %eq3A_1468, %broadcast_in_dim3A_3, %broadcast_in_dim3A_5 : vector<16xi1>, vector<16xf32>
      %sub3A_1470 = arith.subf %broadcast_in_dim3A_3, %broadcast_in_dim3A_5 : vector<16xf32>
      %mul3A_1471 = arith.mulf %select_n3A_1469, %sub3A_1470 : vector<16xf32>
      %add3A_1472 = arith.addf %broadcast_in_dim3A_5, %mul3A_1471 : vector<16xf32>
      %eq3A_1473 = arith.cmpf oeq, %sub3A_1436, %max3A_1467 : vector<16xf32>
      %select_n3A_1474 = arith.select %eq3A_1473, %broadcast_in_dim3A_3, %broadcast_in_dim3A_5 : vector<16xi1>, vector<16xf32>
      %sub3A_1475 = arith.subf %broadcast_in_dim3A_3, %add3A_1472 : vector<16xf32>
      %mul3A_1476 = arith.mulf %select_n3A_1474, %sub3A_1475 : vector<16xf32>
      %add3A_1477 = arith.addf %add3A_1472, %mul3A_1476 : vector<16xf32>
      %eq3A_1478 = arith.cmpf oeq, %sub3A_1440, %max3A_1467 : vector<16xf32>
      %select_n3A_1479 = arith.select %eq3A_1478, %broadcast_in_dim3A_3, %broadcast_in_dim3A_5 : vector<16xi1>, vector<16xf32>
      %sub3A_1480 = arith.subf %broadcast_in_dim3A_3, %add3A_1477 : vector<16xf32>
      %mul3A_1481 = arith.mulf %select_n3A_1479, %sub3A_1480 : vector<16xf32>
      %add3A_1482 = arith.addf %add3A_1477, %mul3A_1481 : vector<16xf32>
      %eq3A_1483 = arith.cmpf oeq, %sub3A_1444, %max3A_1467 : vector<16xf32>
      %select_n3A_1484 = arith.select %eq3A_1483, %broadcast_in_dim3A_3, %broadcast_in_dim3A_5 : vector<16xi1>, vector<16xf32>
      %sub3A_1485 = arith.subf %broadcast_in_dim3A_3, %add3A_1482 : vector<16xf32>
      %mul3A_1486 = arith.mulf %select_n3A_1484, %sub3A_1485 : vector<16xf32>
      %add3A_1487 = arith.addf %add3A_1482, %mul3A_1486 : vector<16xf32>
      %eq3A_1488 = arith.cmpf oeq, %sub3A_1448, %max3A_1467 : vector<16xf32>
      %select_n3A_1489 = arith.select %eq3A_1488, %broadcast_in_dim3A_3, %broadcast_in_dim3A_5 : vector<16xi1>, vector<16xf32>
      %sub3A_1490 = arith.subf %broadcast_in_dim3A_3, %add3A_1487 : vector<16xf32>
      %mul3A_1491 = arith.mulf %select_n3A_1489, %sub3A_1490 : vector<16xf32>
      %add3A_1492 = arith.addf %add3A_1487, %mul3A_1491 : vector<16xf32>
      %eq3A_1493 = arith.cmpf oeq, %sub3A_1452, %max3A_1467 : vector<16xf32>
      %select_n3A_1494 = arith.select %eq3A_1493, %broadcast_in_dim3A_3, %broadcast_in_dim3A_5 : vector<16xi1>, vector<16xf32>
      %sub3A_1495 = arith.subf %broadcast_in_dim3A_3, %add3A_1492 : vector<16xf32>
      %mul3A_1496 = arith.mulf %select_n3A_1494, %sub3A_1495 : vector<16xf32>
      %add3A_1497 = arith.addf %add3A_1492, %mul3A_1496 : vector<16xf32>
      %eq3A_1498 = arith.cmpf oeq, %sub3A_1456, %max3A_1467 : vector<16xf32>
      %select_n3A_1499 = arith.select %eq3A_1498, %broadcast_in_dim3A_3, %broadcast_in_dim3A_5 : vector<16xi1>, vector<16xf32>
      %sub3A_1500 = arith.subf %broadcast_in_dim3A_3, %add3A_1497 : vector<16xf32>
      %mul3A_1501 = arith.mulf %select_n3A_1499, %sub3A_1500 : vector<16xf32>
      %add3A_1502 = arith.addf %add3A_1497, %mul3A_1501 : vector<16xf32>
      %eq3A_1503 = arith.cmpf oeq, %sub3A_1460, %max3A_1467 : vector<16xf32>
      %select_n3A_1504 = arith.select %eq3A_1503, %broadcast_in_dim3A_3, %broadcast_in_dim3A_5 : vector<16xi1>, vector<16xf32>
      %sub3A_1505 = arith.subf %broadcast_in_dim3A_3, %add3A_1502 : vector<16xf32>
      %mul3A_1506 = arith.mulf %select_n3A_1504, %sub3A_1505 : vector<16xf32>
      %add3A_1507 = arith.addf %add3A_1502, %mul3A_1506 : vector<16xf32>
      %add3A_1508 = arith.addf %max3A_1388, %max3A_1467 : vector<16xf32>
      %div3A_1509 = arith.divf %max3A_1388, %add3A_1508 : vector<16xf32>
      %div3A_1510 = arith.divf %max3A_1467, %add3A_1508 : vector<16xf32>
      %mul3A_1511 = arith.mulf %mul3A_1392, %div3A_1509 : vector<16xf32>
      %mul3A_1512 = arith.mulf %mul3A_1471, %div3A_1510 : vector<16xf32>
      %add3A_1513 = arith.addf %mul3A_1511, %mul3A_1512 : vector<16xf32>
      %swap3A_1514 = arith.constant 0 : i32
      %swap3A_1515 = arith.index_cast %swap3A_1514 : i32 to index
      %swap3A_1516 = arith.constant 80 : index
      %swap3A_1517 = tpu.vector_load %arg5[%swap3A_1515, %swap3A_1516] {strides = array<i32>} : memref<8x128xf32, #tpu.memory_space<vmem>>, vector<1x16xf32>,
      %swap3A_1518 = vector.shape_cast %swap3A_1517 : vector<1x16xf32> to vector<16xf32>
      %swap3A_1519 = vector.shape_cast %add3A_1513 : vector<16xf32> to vector<1x16xf32>
      tpu.vector_store %arg5[%swap3A_1515, %swap3A_1516], %swap3A_1519 {strides = array<i32>} : memref<8x128xf32, #tpu.memory_space<vmem>>, vector<1x16xf32>,
      %mul3A_1520 = arith.mulf %mul3A_1397, %div3A_1509 : vector<16xf32>
      %mul3A_1521 = arith.mulf %mul3A_1476, %div3A_1510 : vector<16xf32>
      %add3A_1522 = arith.addf %mul3A_1520, %mul3A_1521 : vector<16xf32>
      %swap3A_1523 = arith.constant 1 : i32
      %swap3A_1524 = arith.index_cast %swap3A_1523 : i32 to index
      %swap3A_1525 = arith.constant 80 : index
      %swap3A_1526 = tpu.vector_load %arg5[%swap3A_1524, %swap3A_1525] {strides = array<i32>} : memref<8x128xf32, #tpu.memory_space<vmem>>, vector<1x16xf32>,
      %swap3A_1527 = vector.shape_cast %swap3A_1526 : vector<1x16xf32> to vector<16xf32>
      %swap3A_1528 = vector.shape_cast %add3A_1522 : vector<16xf32> to vector<1x16xf32>
      tpu.vector_store %arg5[%swap3A_1524, %swap3A_1525], %swap3A_1528 {strides = array<i32>} : memref<8x128xf32, #tpu.memory_space<vmem>>, vector<1x16xf32>,
      %mul3A_1529 = arith.mulf %mul3A_1402, %div3A_1509 : vector<16xf32>
      %mul3A_1530 = arith.mulf %mul3A_1481, %div3A_1510 : vector<16xf32>
      %add3A_1531 = arith.addf %mul3A_1529, %mul3A_1530 : vector<16xf32>
      %swap3A_1532 = arith.constant 2 : i32
      %swap3A_1533 = arith.index_cast %swap3A_1532 : i32 to index
      %swap3A_1534 = arith.constant 80 : index
      %swap3A_1535 = tpu.vector_load %arg5[%swap3A_1533, %swap3A_1534] {strides = array<i32>} : memref<8x128xf32, #tpu.memory_space<vmem>>, vector<1x16xf32>,
      %swap3A_1536 = vector.shape_cast %swap3A_1535 : vector<1x16xf32> to vector<16xf32>
      %swap3A_1537 = vector.shape_cast %add3A_1531 : vector<16xf32> to vector<1x16xf32>
      tpu.vector_store %arg5[%swap3A_1533, %swap3A_1534], %swap3A_1537 {strides = array<i32>} : memref<8x128xf32, #tpu.memory_space<vmem>>, vector<1x16xf32>,
      %mul3A_1538 = arith.mulf %mul3A_1407, %div3A_1509 : vector<16xf32>
      %mul3A_1539 = arith.mulf %mul3A_1486, %div3A_1510 : vector<16xf32>
      %add3A_1540 = arith.addf %mul3A_1538, %mul3A_1539 : vector<16xf32>
      %swap3A_1541 = arith.constant 3 : i32
      %swap3A_1542 = arith.index_cast %swap3A_1541 : i32 to index
      %swap3A_1543 = arith.constant 80 : index
      %swap3A_1544 = tpu.vector_load %arg5[%swap3A_1542, %swap3A_1543] {strides = array<i32>} : memref<8x128xf32, #tpu.memory_space<vmem>>, vector<1x16xf32>,
      %swap3A_1545 = vector.shape_cast %swap3A_1544 : vector<1x16xf32> to vector<16xf32>
      %swap3A_1546 = vector.shape_cast %add3A_1540 : vector<16xf32> to vector<1x16xf32>
      tpu.vector_store %arg5[%swap3A_1542, %swap3A_1543], %swap3A_1546 {strides = array<i32>} : memref<8x128xf32, #tpu.memory_space<vmem>>, vector<1x16xf32>,
      %mul3A_1547 = arith.mulf %mul3A_1412, %div3A_1509 : vector<16xf32>
      %mul3A_1548 = arith.mulf %mul3A_1491, %div3A_1510 : vector<16xf32>
      %add3A_1549 = arith.addf %mul3A_1547, %mul3A_1548 : vector<16xf32>
      %swap3A_1550 = arith.constant 4 : i32
      %swap3A_1551 = arith.index_cast %swap3A_1550 : i32 to index
      %swap3A_1552 = arith.constant 80 : index
      %swap3A_1553 = tpu.vector_load %arg5[%swap3A_1551, %swap3A_1552] {strides = array<i32>} : memref<8x128xf32, #tpu.memory_space<vmem>>, vector<1x16xf32>,
      %swap3A_1554 = vector.shape_cast %swap3A_1553 : vector<1x16xf32> to vector<16xf32>
      %swap3A_1555 = vector.shape_cast %add3A_1549 : vector<16xf32> to vector<1x16xf32>
      tpu.vector_store %arg5[%swap3A_1551, %swap3A_1552], %swap3A_1555 {strides = array<i32>} : memref<8x128xf32, #tpu.memory_space<vmem>>, vector<1x16xf32>,
      %mul3A_1556 = arith.mulf %mul3A_1417, %div3A_1509 : vector<16xf32>
      %mul3A_1557 = arith.mulf %mul3A_1496, %div3A_1510 : vector<16xf32>
      %add3A_1558 = arith.addf %mul3A_1556, %mul3A_1557 : vector<16xf32>
      %swap3A_1559 = arith.constant 5 : i32
      %swap3A_1560 = arith.index_cast %swap3A_1559 : i32 to index
      %swap3A_1561 = arith.constant 80 : index
      %swap3A_1562 = tpu.vector_load %arg5[%swap3A_1560, %swap3A_1561] {strides = array<i32>} : memref<8x128xf32, #tpu.memory_space<vmem>>, vector<1x16xf32>,
      %swap3A_1563 = vector.shape_cast %swap3A_1562 : vector<1x16xf32> to vector<16xf32>
      %swap3A_1564 = vector.shape_cast %add3A_1558 : vector<16xf32> to vector<1x16xf32>
      tpu.vector_store %arg5[%swap3A_1560, %swap3A_1561], %swap3A_1564 {strides = array<i32>} : memref<8x128xf32, #tpu.memory_space<vmem>>, vector<1x16xf32>,
      %mul3A_1565 = arith.mulf %mul3A_1422, %div3A_1509 : vector<16xf32>
      %mul3A_1566 = arith.mulf %mul3A_1501, %div3A_1510 : vector<16xf32>
      %add3A_1567 = arith.addf %mul3A_1565, %mul3A_1566 : vector<16xf32>
      %swap3A_1568 = arith.constant 6 : i32
      %swap3A_1569 = arith.index_cast %swap3A_1568 : i32 to index
      %swap3A_1570 = arith.constant 80 : index
      %swap3A_1571 = tpu.vector_load %arg5[%swap3A_1569, %swap3A_1570] {strides = array<i32>} : memref<8x128xf32, #tpu.memory_space<vmem>>, vector<1x16xf32>,
      %swap3A_1572 = vector.shape_cast %swap3A_1571 : vector<1x16xf32> to vector<16xf32>
      %swap3A_1573 = vector.shape_cast %add3A_1567 : vector<16xf32> to vector<1x16xf32>
      tpu.vector_store %arg5[%swap3A_1569, %swap3A_1570], %swap3A_1573 {strides = array<i32>} : memref<8x128xf32, #tpu.memory_space<vmem>>, vector<1x16xf32>,
      %mul3A_1574 = arith.mulf %mul3A_1427, %div3A_1509 : vector<16xf32>
      %mul3A_1575 = arith.mulf %mul3A_1506, %div3A_1510 : vector<16xf32>
      %add3A_1576 = arith.addf %mul3A_1574, %mul3A_1575 : vector<16xf32>
      %swap3A_1577 = arith.constant 7 : i32
      %swap3A_1578 = arith.index_cast %swap3A_1577 : i32 to index
      %swap3A_1579 = arith.constant 80 : index
      %swap3A_1580 = tpu.vector_load %arg5[%swap3A_1578, %swap3A_1579] {strides = array<i32>} : memref<8x128xf32, #tpu.memory_space<vmem>>, vector<1x16xf32>,
      %swap3A_1581 = vector.shape_cast %swap3A_1580 : vector<1x16xf32> to vector<16xf32>
      %swap3A_1582 = vector.shape_cast %add3A_1576 : vector<16xf32> to vector<1x16xf32>
      tpu.vector_store %arg5[%swap3A_1578, %swap3A_1579], %swap3A_1582 {strides = array<i32>} : memref<8x128xf32, #tpu.memory_space<vmem>>, vector<1x16xf32>,
      %get3A_1583 = arith.constant 0 : i32
      %get3A_1584 = arith.index_cast %get3A_1583 : i32 to index
      %get3A_1585 = arith.constant 96 : index
      %get3A_1586 = tpu.vector_load %arg4[%get3A_1584, %get3A_1585] {strides = array<i32>} : memref<8x128xf32, #tpu.memory_space<vmem>>, vector<1x16xf32>,
      %get3A_1587 = vector.shape_cast %get3A_1586 : vector<1x16xf32> to vector<16xf32>
      %get3A_1588 = arith.constant 1 : i32
      %get3A_1589 = arith.index_cast %get3A_1588 : i32 to index
      %get3A_1590 = arith.constant 96 : index
      %get3A_1591 = tpu.vector_load %arg4[%get3A_1589, %get3A_1590] {strides = array<i32>} : memref<8x128xf32, #tpu.memory_space<vmem>>, vector<1x16xf32>,
      %get3A_1592 = vector.shape_cast %get3A_1591 : vector<1x16xf32> to vector<16xf32>
      %get3A_1593 = arith.constant 2 : i32
      %get3A_1594 = arith.index_cast %get3A_1593 : i32 to index
      %get3A_1595 = arith.constant 96 : index
      %get3A_1596 = tpu.vector_load %arg4[%get3A_1594, %get3A_1595] {strides = array<i32>} : memref<8x128xf32, #tpu.memory_space<vmem>>, vector<1x16xf32>,
      %get3A_1597 = vector.shape_cast %get3A_1596 : vector<1x16xf32> to vector<16xf32>
      %get3A_1598 = arith.constant 3 : i32
      %get3A_1599 = arith.index_cast %get3A_1598 : i32 to index
      %get3A_1600 = arith.constant 96 : index
      %get3A_1601 = tpu.vector_load %arg4[%get3A_1599, %get3A_1600] {strides = array<i32>} : memref<8x128xf32, #tpu.memory_space<vmem>>, vector<1x16xf32>,
      %get3A_1602 = vector.shape_cast %get3A_1601 : vector<1x16xf32> to vector<16xf32>
      %get3A_1603 = arith.constant 4 : i32
      %get3A_1604 = arith.index_cast %get3A_1603 : i32 to index
      %get3A_1605 = arith.constant 96 : index
      %get3A_1606 = tpu.vector_load %arg4[%get3A_1604, %get3A_1605] {strides = array<i32>} : memref<8x128xf32, #tpu.memory_space<vmem>>, vector<1x16xf32>,
      %get3A_1607 = vector.shape_cast %get3A_1606 : vector<1x16xf32> to vector<16xf32>
      %get3A_1608 = arith.constant 5 : i32
      %get3A_1609 = arith.index_cast %get3A_1608 : i32 to index
      %get3A_1610 = arith.constant 96 : index
      %get3A_1611 = tpu.vector_load %arg4[%get3A_1609, %get3A_1610] {strides = array<i32>} : memref<8x128xf32, #tpu.memory_space<vmem>>, vector<1x16xf32>,
      %get3A_1612 = vector.shape_cast %get3A_1611 : vector<1x16xf32> to vector<16xf32>
      %get3A_1613 = arith.constant 6 : i32
      %get3A_1614 = arith.index_cast %get3A_1613 : i32 to index
      %get3A_1615 = arith.constant 96 : index
      %get3A_1616 = tpu.vector_load %arg4[%get3A_1614, %get3A_1615] {strides = array<i32>} : memref<8x128xf32, #tpu.memory_space<vmem>>, vector<1x16xf32>,
      %get3A_1617 = vector.shape_cast %get3A_1616 : vector<1x16xf32> to vector<16xf32>
      %get3A_1618 = arith.constant 7 : i32
      %get3A_1619 = arith.index_cast %get3A_1618 : i32 to index
      %get3A_1620 = arith.constant 96 : index
      %get3A_1621 = tpu.vector_load %arg4[%get3A_1619, %get3A_1620] {strides = array<i32>} : memref<8x128xf32, #tpu.memory_space<vmem>>, vector<1x16xf32>,
      %get3A_1622 = vector.shape_cast %get3A_1621 : vector<1x16xf32> to vector<16xf32>
      %max3A_1623 = arith.maximumf %get3A_1587, %get3A_1592 : vector<16xf32>
      %max3A_1624 = arith.maximumf %max3A_1623, %get3A_1597 : vector<16xf32>
      %max3A_1625 = arith.maximumf %max3A_1624, %get3A_1602 : vector<16xf32>
      %max3A_1626 = arith.maximumf %max3A_1625, %get3A_1607 : vector<16xf32>
      %max3A_1627 = arith.maximumf %max3A_1626, %get3A_1612 : vector<16xf32>
      %max3A_1628 = arith.maximumf %max3A_1627, %get3A_1617 : vector<16xf32>
      %max3A_1629 = arith.maximumf %max3A_1628, %get3A_1622 : vector<16xf32>
      %sub3A_1630 = arith.subf %get3A_1587, %max3A_1629 : vector<16xf32>
      %exp3A_1631 = math.exp %sub3A_1630 : vector<16xf32>
      %sub3A_1632 = arith.subf %get3A_1592, %max3A_1629 : vector<16xf32>
      %exp3A_1633 = math.exp %sub3A_1632 : vector<16xf32>
      %sub3A_1634 = arith.subf %get3A_1597, %max3A_1629 : vector<16xf32>
      %exp3A_1635 = math.exp %sub3A_1634 : vector<16xf32>
      %sub3A_1636 = arith.subf %get3A_1602, %max3A_1629 : vector<16xf32>
      %exp3A_1637 = math.exp %sub3A_1636 : vector<16xf32>
      %sub3A_1638 = arith.subf %get3A_1607, %max3A_1629 : vector<16xf32>
      %exp3A_1639 = math.exp %sub3A_1638 : vector<16xf32>
      %sub3A_1640 = arith.subf %get3A_1612, %max3A_1629 : vector<16xf32>
      %exp3A_1641 = math.exp %sub3A_1640 : vector<16xf32>
      %sub3A_1642 = arith.subf %get3A_1617, %max3A_1629 : vector<16xf32>
      %exp3A_1643 = math.exp %sub3A_1642 : vector<16xf32>
      %sub3A_1644 = arith.subf %get3A_1622, %max3A_1629 : vector<16xf32>
      %exp3A_1645 = math.exp %sub3A_1644 : vector<16xf32>
      %max3A_1646 = arith.maximumf %exp3A_1631, %exp3A_1633 : vector<16xf32>
      %max3A_1647 = arith.maximumf %max3A_1646, %exp3A_1635 : vector<16xf32>
      %max3A_1648 = arith.maximumf %max3A_1647, %exp3A_1637 : vector<16xf32>
      %max3A_1649 = arith.maximumf %max3A_1648, %exp3A_1639 : vector<16xf32>
      %max3A_1650 = arith.maximumf %max3A_1649, %exp3A_1641 : vector<16xf32>
      %max3A_1651 = arith.maximumf %max3A_1650, %exp3A_1643 : vector<16xf32>
      %max3A_1652 = arith.maximumf %max3A_1651, %exp3A_1645 : vector<16xf32>
      %eq3A_1653 = arith.cmpf oeq, %exp3A_1631, %max3A_1652 : vector<16xf32>
      %select_n3A_1654 = arith.select %eq3A_1653, %broadcast_in_dim3A_3, %broadcast_in_dim3A_5 : vector<16xi1>, vector<16xf32>
      %sub3A_1655 = arith.subf %broadcast_in_dim3A_3, %broadcast_in_dim3A_5 : vector<16xf32>
      %mul3A_1656 = arith.mulf %select_n3A_1654, %sub3A_1655 : vector<16xf32>
      %add3A_1657 = arith.addf %broadcast_in_dim3A_5, %mul3A_1656 : vector<16xf32>
      %eq3A_1658 = arith.cmpf oeq, %exp3A_1633, %max3A_1652 : vector<16xf32>
      %select_n3A_1659 = arith.select %eq3A_1658, %broadcast_in_dim3A_3, %broadcast_in_dim3A_5 : vector<16xi1>, vector<16xf32>
      %sub3A_1660 = arith.subf %broadcast_in_dim3A_3, %add3A_1657 : vector<16xf32>
      %mul3A_1661 = arith.mulf %select_n3A_1659, %sub3A_1660 : vector<16xf32>
      %add3A_1662 = arith.addf %add3A_1657, %mul3A_1661 : vector<16xf32>
      %eq3A_1663 = arith.cmpf oeq, %exp3A_1635, %max3A_1652 : vector<16xf32>
      %select_n3A_1664 = arith.select %eq3A_1663, %broadcast_in_dim3A_3, %broadcast_in_dim3A_5 : vector<16xi1>, vector<16xf32>
      %sub3A_1665 = arith.subf %broadcast_in_dim3A_3, %add3A_1662 : vector<16xf32>
      %mul3A_1666 = arith.mulf %select_n3A_1664, %sub3A_1665 : vector<16xf32>
      %add3A_1667 = arith.addf %add3A_1662, %mul3A_1666 : vector<16xf32>
      %eq3A_1668 = arith.cmpf oeq, %exp3A_1637, %max3A_1652 : vector<16xf32>
      %select_n3A_1669 = arith.select %eq3A_1668, %broadcast_in_dim3A_3, %broadcast_in_dim3A_5 : vector<16xi1>, vector<16xf32>
      %sub3A_1670 = arith.subf %broadcast_in_dim3A_3, %add3A_1667 : vector<16xf32>
      %mul3A_1671 = arith.mulf %select_n3A_1669, %sub3A_1670 : vector<16xf32>
      %add3A_1672 = arith.addf %add3A_1667, %mul3A_1671 : vector<16xf32>
      %eq3A_1673 = arith.cmpf oeq, %exp3A_1639, %max3A_1652 : vector<16xf32>
      %select_n3A_1674 = arith.select %eq3A_1673, %broadcast_in_dim3A_3, %broadcast_in_dim3A_5 : vector<16xi1>, vector<16xf32>
      %sub3A_1675 = arith.subf %broadcast_in_dim3A_3, %add3A_1672 : vector<16xf32>
      %mul3A_1676 = arith.mulf %select_n3A_1674, %sub3A_1675 : vector<16xf32>
      %add3A_1677 = arith.addf %add3A_1672, %mul3A_1676 : vector<16xf32>
      %eq3A_1678 = arith.cmpf oeq, %exp3A_1641, %max3A_1652 : vector<16xf32>
      %select_n3A_1679 = arith.select %eq3A_1678, %broadcast_in_dim3A_3, %broadcast_in_dim3A_5 : vector<16xi1>, vector<16xf32>
      %sub3A_1680 = arith.subf %broadcast_in_dim3A_3, %add3A_1677 : vector<16xf32>
      %mul3A_1681 = arith.mulf %select_n3A_1679, %sub3A_1680 : vector<16xf32>
      %add3A_1682 = arith.addf %add3A_1677, %mul3A_1681 : vector<16xf32>
      %eq3A_1683 = arith.cmpf oeq, %exp3A_1643, %max3A_1652 : vector<16xf32>
      %select_n3A_1684 = arith.select %eq3A_1683, %broadcast_in_dim3A_3, %broadcast_in_dim3A_5 : vector<16xi1>, vector<16xf32>
      %sub3A_1685 = arith.subf %broadcast_in_dim3A_3, %add3A_1682 : vector<16xf32>
      %mul3A_1686 = arith.mulf %select_n3A_1684, %sub3A_1685 : vector<16xf32>
      %add3A_1687 = arith.addf %add3A_1682, %mul3A_1686 : vector<16xf32>
      %eq3A_1688 = arith.cmpf oeq, %exp3A_1645, %max3A_1652 : vector<16xf32>
      %select_n3A_1689 = arith.select %eq3A_1688, %broadcast_in_dim3A_3, %broadcast_in_dim3A_5 : vector<16xi1>, vector<16xf32>
      %sub3A_1690 = arith.subf %broadcast_in_dim3A_3, %add3A_1687 : vector<16xf32>
      %mul3A_1691 = arith.mulf %select_n3A_1689, %sub3A_1690 : vector<16xf32>
      %add3A_1692 = arith.addf %add3A_1687, %mul3A_1691 : vector<16xf32>
      %mul3A_1693 = arith.constant 2.000000e+00 : f32
      %mul3A_1694 = vector.broadcast %mul3A_1693 : f32 to vector<16xf32>
      %mul3A_1695 = arith.mulf %mul3A_1694, %mul3A_1656 : vector<16xf32>
      %sub3A_1696 = arith.subf %exp3A_1631, %mul3A_1695 : vector<16xf32>
      %mul3A_1697 = arith.constant 2.000000e+00 : f32
      %mul3A_1698 = vector.broadcast %mul3A_1697 : f32 to vector<16xf32>
      %mul3A_1699 = arith.mulf %mul3A_1698, %mul3A_1661 : vector<16xf32>
      %sub3A_1700 = arith.subf %exp3A_1633, %mul3A_1699 : vector<16xf32>
      %mul3A_1701 = arith.constant 2.000000e+00 : f32
      %mul3A_1702 = vector.broadcast %mul3A_1701 : f32 to vector<16xf32>
      %mul3A_1703 = arith.mulf %mul3A_1702, %mul3A_1666 : vector<16xf32>
      %sub3A_1704 = arith.subf %exp3A_1635, %mul3A_1703 : vector<16xf32>
      %mul3A_1705 = arith.constant 2.000000e+00 : f32
      %mul3A_1706 = vector.broadcast %mul3A_1705 : f32 to vector<16xf32>
      %mul3A_1707 = arith.mulf %mul3A_1706, %mul3A_1671 : vector<16xf32>
      %sub3A_1708 = arith.subf %exp3A_1637, %mul3A_1707 : vector<16xf32>
      %mul3A_1709 = arith.constant 2.000000e+00 : f32
      %mul3A_1710 = vector.broadcast %mul3A_1709 : f32 to vector<16xf32>
      %mul3A_1711 = arith.mulf %mul3A_1710, %mul3A_1676 : vector<16xf32>
      %sub3A_1712 = arith.subf %exp3A_1639, %mul3A_1711 : vector<16xf32>
      %mul3A_1713 = arith.constant 2.000000e+00 : f32
      %mul3A_1714 = vector.broadcast %mul3A_1713 : f32 to vector<16xf32>
      %mul3A_1715 = arith.mulf %mul3A_1714, %mul3A_1681 : vector<16xf32>
      %sub3A_1716 = arith.subf %exp3A_1641, %mul3A_1715 : vector<16xf32>
      %mul3A_1717 = arith.constant 2.000000e+00 : f32
      %mul3A_1718 = vector.broadcast %mul3A_1717 : f32 to vector<16xf32>
      %mul3A_1719 = arith.mulf %mul3A_1718, %mul3A_1686 : vector<16xf32>
      %sub3A_1720 = arith.subf %exp3A_1643, %mul3A_1719 : vector<16xf32>
      %mul3A_1721 = arith.constant 2.000000e+00 : f32
      %mul3A_1722 = vector.broadcast %mul3A_1721 : f32 to vector<16xf32>
      %mul3A_1723 = arith.mulf %mul3A_1722, %mul3A_1691 : vector<16xf32>
      %sub3A_1724 = arith.subf %exp3A_1645, %mul3A_1723 : vector<16xf32>
      %max3A_1725 = arith.maximumf %sub3A_1696, %sub3A_1700 : vector<16xf32>
      %max3A_1726 = arith.maximumf %max3A_1725, %sub3A_1704 : vector<16xf32>
      %max3A_1727 = arith.maximumf %max3A_1726, %sub3A_1708 : vector<16xf32>
      %max3A_1728 = arith.maximumf %max3A_1727, %sub3A_1712 : vector<16xf32>
      %max3A_1729 = arith.maximumf %max3A_1728, %sub3A_1716 : vector<16xf32>
      %max3A_1730 = arith.maximumf %max3A_1729, %sub3A_1720 : vector<16xf32>
      %max3A_1731 = arith.maximumf %max3A_1730, %sub3A_1724 : vector<16xf32>
      %eq3A_1732 = arith.cmpf oeq, %sub3A_1696, %max3A_1731 : vector<16xf32>
      %select_n3A_1733 = arith.select %eq3A_1732, %broadcast_in_dim3A_3, %broadcast_in_dim3A_5 : vector<16xi1>, vector<16xf32>
      %sub3A_1734 = arith.subf %broadcast_in_dim3A_3, %broadcast_in_dim3A_5 : vector<16xf32>
      %mul3A_1735 = arith.mulf %select_n3A_1733, %sub3A_1734 : vector<16xf32>
      %add3A_1736 = arith.addf %broadcast_in_dim3A_5, %mul3A_1735 : vector<16xf32>
      %eq3A_1737 = arith.cmpf oeq, %sub3A_1700, %max3A_1731 : vector<16xf32>
      %select_n3A_1738 = arith.select %eq3A_1737, %broadcast_in_dim3A_3, %broadcast_in_dim3A_5 : vector<16xi1>, vector<16xf32>
      %sub3A_1739 = arith.subf %broadcast_in_dim3A_3, %add3A_1736 : vector<16xf32>
      %mul3A_1740 = arith.mulf %select_n3A_1738, %sub3A_1739 : vector<16xf32>
      %add3A_1741 = arith.addf %add3A_1736, %mul3A_1740 : vector<16xf32>
      %eq3A_1742 = arith.cmpf oeq, %sub3A_1704, %max3A_1731 : vector<16xf32>
      %select_n3A_1743 = arith.select %eq3A_1742, %broadcast_in_dim3A_3, %broadcast_in_dim3A_5 : vector<16xi1>, vector<16xf32>
      %sub3A_1744 = arith.subf %broadcast_in_dim3A_3, %add3A_1741 : vector<16xf32>
      %mul3A_1745 = arith.mulf %select_n3A_1743, %sub3A_1744 : vector<16xf32>
      %add3A_1746 = arith.addf %add3A_1741, %mul3A_1745 : vector<16xf32>
      %eq3A_1747 = arith.cmpf oeq, %sub3A_1708, %max3A_1731 : vector<16xf32>
      %select_n3A_1748 = arith.select %eq3A_1747, %broadcast_in_dim3A_3, %broadcast_in_dim3A_5 : vector<16xi1>, vector<16xf32>
      %sub3A_1749 = arith.subf %broadcast_in_dim3A_3, %add3A_1746 : vector<16xf32>
      %mul3A_1750 = arith.mulf %select_n3A_1748, %sub3A_1749 : vector<16xf32>
      %add3A_1751 = arith.addf %add3A_1746, %mul3A_1750 : vector<16xf32>
      %eq3A_1752 = arith.cmpf oeq, %sub3A_1712, %max3A_1731 : vector<16xf32>
      %select_n3A_1753 = arith.select %eq3A_1752, %broadcast_in_dim3A_3, %broadcast_in_dim3A_5 : vector<16xi1>, vector<16xf32>
      %sub3A_1754 = arith.subf %broadcast_in_dim3A_3, %add3A_1751 : vector<16xf32>
      %mul3A_1755 = arith.mulf %select_n3A_1753, %sub3A_1754 : vector<16xf32>
      %add3A_1756 = arith.addf %add3A_1751, %mul3A_1755 : vector<16xf32>
      %eq3A_1757 = arith.cmpf oeq, %sub3A_1716, %max3A_1731 : vector<16xf32>
      %select_n3A_1758 = arith.select %eq3A_1757, %broadcast_in_dim3A_3, %broadcast_in_dim3A_5 : vector<16xi1>, vector<16xf32>
      %sub3A_1759 = arith.subf %broadcast_in_dim3A_3, %add3A_1756 : vector<16xf32>
      %mul3A_1760 = arith.mulf %select_n3A_1758, %sub3A_1759 : vector<16xf32>
      %add3A_1761 = arith.addf %add3A_1756, %mul3A_1760 : vector<16xf32>
      %eq3A_1762 = arith.cmpf oeq, %sub3A_1720, %max3A_1731 : vector<16xf32>
      %select_n3A_1763 = arith.select %eq3A_1762, %broadcast_in_dim3A_3, %broadcast_in_dim3A_5 : vector<16xi1>, vector<16xf32>
      %sub3A_1764 = arith.subf %broadcast_in_dim3A_3, %add3A_1761 : vector<16xf32>
      %mul3A_1765 = arith.mulf %select_n3A_1763, %sub3A_1764 : vector<16xf32>
      %add3A_1766 = arith.addf %add3A_1761, %mul3A_1765 : vector<16xf32>
      %eq3A_1767 = arith.cmpf oeq, %sub3A_1724, %max3A_1731 : vector<16xf32>
      %select_n3A_1768 = arith.select %eq3A_1767, %broadcast_in_dim3A_3, %broadcast_in_dim3A_5 : vector<16xi1>, vector<16xf32>
      %sub3A_1769 = arith.subf %broadcast_in_dim3A_3, %add3A_1766 : vector<16xf32>
      %mul3A_1770 = arith.mulf %select_n3A_1768, %sub3A_1769 : vector<16xf32>
      %add3A_1771 = arith.addf %add3A_1766, %mul3A_1770 : vector<16xf32>
      %add3A_1772 = arith.addf %max3A_1652, %max3A_1731 : vector<16xf32>
      %div3A_1773 = arith.divf %max3A_1652, %add3A_1772 : vector<16xf32>
      %div3A_1774 = arith.divf %max3A_1731, %add3A_1772 : vector<16xf32>
      %mul3A_1775 = arith.mulf %mul3A_1656, %div3A_1773 : vector<16xf32>
      %mul3A_1776 = arith.mulf %mul3A_1735, %div3A_1774 : vector<16xf32>
      %add3A_1777 = arith.addf %mul3A_1775, %mul3A_1776 : vector<16xf32>
      %swap3A_1778 = arith.constant 0 : i32
      %swap3A_1779 = arith.index_cast %swap3A_1778 : i32 to index
      %swap3A_1780 = arith.constant 96 : index
      %swap3A_1781 = tpu.vector_load %arg5[%swap3A_1779, %swap3A_1780] {strides = array<i32>} : memref<8x128xf32, #tpu.memory_space<vmem>>, vector<1x16xf32>,
      %swap3A_1782 = vector.shape_cast %swap3A_1781 : vector<1x16xf32> to vector<16xf32>
      %swap3A_1783 = vector.shape_cast %add3A_1777 : vector<16xf32> to vector<1x16xf32>
      tpu.vector_store %arg5[%swap3A_1779, %swap3A_1780], %swap3A_1783 {strides = array<i32>} : memref<8x128xf32, #tpu.memory_space<vmem>>, vector<1x16xf32>,
      %mul3A_1784 = arith.mulf %mul3A_1661, %div3A_1773 : vector<16xf32>
      %mul3A_1785 = arith.mulf %mul3A_1740, %div3A_1774 : vector<16xf32>
      %add3A_1786 = arith.addf %mul3A_1784, %mul3A_1785 : vector<16xf32>
      %swap3A_1787 = arith.constant 1 : i32
      %swap3A_1788 = arith.index_cast %swap3A_1787 : i32 to index
      %swap3A_1789 = arith.constant 96 : index
      %swap3A_1790 = tpu.vector_load %arg5[%swap3A_1788, %swap3A_1789] {strides = array<i32>} : memref<8x128xf32, #tpu.memory_space<vmem>>, vector<1x16xf32>,
      %swap3A_1791 = vector.shape_cast %swap3A_1790 : vector<1x16xf32> to vector<16xf32>
      %swap3A_1792 = vector.shape_cast %add3A_1786 : vector<16xf32> to vector<1x16xf32>
      tpu.vector_store %arg5[%swap3A_1788, %swap3A_1789], %swap3A_1792 {strides = array<i32>} : memref<8x128xf32, #tpu.memory_space<vmem>>, vector<1x16xf32>,
      %mul3A_1793 = arith.mulf %mul3A_1666, %div3A_1773 : vector<16xf32>
      %mul3A_1794 = arith.mulf %mul3A_1745, %div3A_1774 : vector<16xf32>
      %add3A_1795 = arith.addf %mul3A_1793, %mul3A_1794 : vector<16xf32>
      %swap3A_1796 = arith.constant 2 : i32
      %swap3A_1797 = arith.index_cast %swap3A_1796 : i32 to index
      %swap3A_1798 = arith.constant 96 : index
      %swap3A_1799 = tpu.vector_load %arg5[%swap3A_1797, %swap3A_1798] {strides = array<i32>} : memref<8x128xf32, #tpu.memory_space<vmem>>, vector<1x16xf32>,
      %swap3A_1800 = vector.shape_cast %swap3A_1799 : vector<1x16xf32> to vector<16xf32>
      %swap3A_1801 = vector.shape_cast %add3A_1795 : vector<16xf32> to vector<1x16xf32>
      tpu.vector_store %arg5[%swap3A_1797, %swap3A_1798], %swap3A_1801 {strides = array<i32>} : memref<8x128xf32, #tpu.memory_space<vmem>>, vector<1x16xf32>,
      %mul3A_1802 = arith.mulf %mul3A_1671, %div3A_1773 : vector<16xf32>
      %mul3A_1803 = arith.mulf %mul3A_1750, %div3A_1774 : vector<16xf32>
      %add3A_1804 = arith.addf %mul3A_1802, %mul3A_1803 : vector<16xf32>
      %swap3A_1805 = arith.constant 3 : i32
      %swap3A_1806 = arith.index_cast %swap3A_1805 : i32 to index
      %swap3A_1807 = arith.constant 96 : index
      %swap3A_1808 = tpu.vector_load %arg5[%swap3A_1806, %swap3A_1807] {strides = array<i32>} : memref<8x128xf32, #tpu.memory_space<vmem>>, vector<1x16xf32>,
      %swap3A_1809 = vector.shape_cast %swap3A_1808 : vector<1x16xf32> to vector<16xf32>
      %swap3A_1810 = vector.shape_cast %add3A_1804 : vector<16xf32> to vector<1x16xf32>
      tpu.vector_store %arg5[%swap3A_1806, %swap3A_1807], %swap3A_1810 {strides = array<i32>} : memref<8x128xf32, #tpu.memory_space<vmem>>, vector<1x16xf32>,
      %mul3A_1811 = arith.mulf %mul3A_1676, %div3A_1773 : vector<16xf32>
      %mul3A_1812 = arith.mulf %mul3A_1755, %div3A_1774 : vector<16xf32>
      %add3A_1813 = arith.addf %mul3A_1811, %mul3A_1812 : vector<16xf32>
      %swap3A_1814 = arith.constant 4 : i32
      %swap3A_1815 = arith.index_cast %swap3A_1814 : i32 to index
      %swap3A_1816 = arith.constant 96 : index
      %swap3A_1817 = tpu.vector_load %arg5[%swap3A_1815, %swap3A_1816] {strides = array<i32>} : memref<8x128xf32, #tpu.memory_space<vmem>>, vector<1x16xf32>,
      %swap3A_1818 = vector.shape_cast %swap3A_1817 : vector<1x16xf32> to vector<16xf32>
      %swap3A_1819 = vector.shape_cast %add3A_1813 : vector<16xf32> to vector<1x16xf32>
      tpu.vector_store %arg5[%swap3A_1815, %swap3A_1816], %swap3A_1819 {strides = array<i32>} : memref<8x128xf32, #tpu.memory_space<vmem>>, vector<1x16xf32>,
      %mul3A_1820 = arith.mulf %mul3A_1681, %div3A_1773 : vector<16xf32>
      %mul3A_1821 = arith.mulf %mul3A_1760, %div3A_1774 : vector<16xf32>
      %add3A_1822 = arith.addf %mul3A_1820, %mul3A_1821 : vector<16xf32>
      %swap3A_1823 = arith.constant 5 : i32
      %swap3A_1824 = arith.index_cast %swap3A_1823 : i32 to index
      %swap3A_1825 = arith.constant 96 : index
      %swap3A_1826 = tpu.vector_load %arg5[%swap3A_1824, %swap3A_1825] {strides = array<i32>} : memref<8x128xf32, #tpu.memory_space<vmem>>, vector<1x16xf32>,
      %swap3A_1827 = vector.shape_cast %swap3A_1826 : vector<1x16xf32> to vector<16xf32>
      %swap3A_1828 = vector.shape_cast %add3A_1822 : vector<16xf32> to vector<1x16xf32>
      tpu.vector_store %arg5[%swap3A_1824, %swap3A_1825], %swap3A_1828 {strides = array<i32>} : memref<8x128xf32, #tpu.memory_space<vmem>>, vector<1x16xf32>,
      %mul3A_1829 = arith.mulf %mul3A_1686, %div3A_1773 : vector<16xf32>
      %mul3A_1830 = arith.mulf %mul3A_1765, %div3A_1774 : vector<16xf32>
      %add3A_1831 = arith.addf %mul3A_1829, %mul3A_1830 : vector<16xf32>
      %swap3A_1832 = arith.constant 6 : i32
      %swap3A_1833 = arith.index_cast %swap3A_1832 : i32 to index
      %swap3A_1834 = arith.constant 96 : index
      %swap3A_1835 = tpu.vector_load %arg5[%swap3A_1833, %swap3A_1834] {strides = array<i32>} : memref<8x128xf32, #tpu.memory_space<vmem>>, vector<1x16xf32>,
      %swap3A_1836 = vector.shape_cast %swap3A_1835 : vector<1x16xf32> to vector<16xf32>
      %swap3A_1837 = vector.shape_cast %add3A_1831 : vector<16xf32> to vector<1x16xf32>
      tpu.vector_store %arg5[%swap3A_1833, %swap3A_1834], %swap3A_1837 {strides = array<i32>} : memref<8x128xf32, #tpu.memory_space<vmem>>, vector<1x16xf32>,
      %mul3A_1838 = arith.mulf %mul3A_1691, %div3A_1773 : vector<16xf32>
      %mul3A_1839 = arith.mulf %mul3A_1770, %div3A_1774 : vector<16xf32>
      %add3A_1840 = arith.addf %mul3A_1838, %mul3A_1839 : vector<16xf32>
      %swap3A_1841 = arith.constant 7 : i32
      %swap3A_1842 = arith.index_cast %swap3A_1841 : i32 to index
      %swap3A_1843 = arith.constant 96 : index
      %swap3A_1844 = tpu.vector_load %arg5[%swap3A_1842, %swap3A_1843] {strides = array<i32>} : memref<8x128xf32, #tpu.memory_space<vmem>>, vector<1x16xf32>,
      %swap3A_1845 = vector.shape_cast %swap3A_1844 : vector<1x16xf32> to vector<16xf32>
      %swap3A_1846 = vector.shape_cast %add3A_1840 : vector<16xf32> to vector<1x16xf32>
      tpu.vector_store %arg5[%swap3A_1842, %swap3A_1843], %swap3A_1846 {strides = array<i32>} : memref<8x128xf32, #tpu.memory_space<vmem>>, vector<1x16xf32>,
      %get3A_1847 = arith.constant 0 : i32
      %get3A_1848 = arith.index_cast %get3A_1847 : i32 to index
      %get3A_1849 = arith.constant 112 : index
      %get3A_1850 = tpu.vector_load %arg4[%get3A_1848, %get3A_1849] {strides = array<i32>} : memref<8x128xf32, #tpu.memory_space<vmem>>, vector<1x16xf32>,
      %get3A_1851 = vector.shape_cast %get3A_1850 : vector<1x16xf32> to vector<16xf32>
      %get3A_1852 = arith.constant 1 : i32
      %get3A_1853 = arith.index_cast %get3A_1852 : i32 to index
      %get3A_1854 = arith.constant 112 : index
      %get3A_1855 = tpu.vector_load %arg4[%get3A_1853, %get3A_1854] {strides = array<i32>} : memref<8x128xf32, #tpu.memory_space<vmem>>, vector<1x16xf32>,
      %get3A_1856 = vector.shape_cast %get3A_1855 : vector<1x16xf32> to vector<16xf32>
      %get3A_1857 = arith.constant 2 : i32
      %get3A_1858 = arith.index_cast %get3A_1857 : i32 to index
      %get3A_1859 = arith.constant 112 : index
      %get3A_1860 = tpu.vector_load %arg4[%get3A_1858, %get3A_1859] {strides = array<i32>} : memref<8x128xf32, #tpu.memory_space<vmem>>, vector<1x16xf32>,
      %get3A_1861 = vector.shape_cast %get3A_1860 : vector<1x16xf32> to vector<16xf32>
      %get3A_1862 = arith.constant 3 : i32
      %get3A_1863 = arith.index_cast %get3A_1862 : i32 to index
      %get3A_1864 = arith.constant 112 : index
      %get3A_1865 = tpu.vector_load %arg4[%get3A_1863, %get3A_1864] {strides = array<i32>} : memref<8x128xf32, #tpu.memory_space<vmem>>, vector<1x16xf32>,
      %get3A_1866 = vector.shape_cast %get3A_1865 : vector<1x16xf32> to vector<16xf32>
      %get3A_1867 = arith.constant 4 : i32
      %get3A_1868 = arith.index_cast %get3A_1867 : i32 to index
      %get3A_1869 = arith.constant 112 : index
      %get3A_1870 = tpu.vector_load %arg4[%get3A_1868, %get3A_1869] {strides = array<i32>} : memref<8x128xf32, #tpu.memory_space<vmem>>, vector<1x16xf32>,
      %get3A_1871 = vector.shape_cast %get3A_1870 : vector<1x16xf32> to vector<16xf32>
      %get3A_1872 = arith.constant 5 : i32
      %get3A_1873 = arith.index_cast %get3A_1872 : i32 to index
      %get3A_1874 = arith.constant 112 : index
      %get3A_1875 = tpu.vector_load %arg4[%get3A_1873, %get3A_1874] {strides = array<i32>} : memref<8x128xf32, #tpu.memory_space<vmem>>, vector<1x16xf32>,
      %get3A_1876 = vector.shape_cast %get3A_1875 : vector<1x16xf32> to vector<16xf32>
      %get3A_1877 = arith.constant 6 : i32
      %get3A_1878 = arith.index_cast %get3A_1877 : i32 to index
      %get3A_1879 = arith.constant 112 : index
      %get3A_1880 = tpu.vector_load %arg4[%get3A_1878, %get3A_1879] {strides = array<i32>} : memref<8x128xf32, #tpu.memory_space<vmem>>, vector<1x16xf32>,
      %get3A_1881 = vector.shape_cast %get3A_1880 : vector<1x16xf32> to vector<16xf32>
      %get3A_1882 = arith.constant 7 : i32
      %get3A_1883 = arith.index_cast %get3A_1882 : i32 to index
      %get3A_1884 = arith.constant 112 : index
      %get3A_1885 = tpu.vector_load %arg4[%get3A_1883, %get3A_1884] {strides = array<i32>} : memref<8x128xf32, #tpu.memory_space<vmem>>, vector<1x16xf32>,
      %get3A_1886 = vector.shape_cast %get3A_1885 : vector<1x16xf32> to vector<16xf32>
      %max3A_1887 = arith.maximumf %get3A_1851, %get3A_1856 : vector<16xf32>
      %max3A_1888 = arith.maximumf %max3A_1887, %get3A_1861 : vector<16xf32>
      %max3A_1889 = arith.maximumf %max3A_1888, %get3A_1866 : vector<16xf32>
      %max3A_1890 = arith.maximumf %max3A_1889, %get3A_1871 : vector<16xf32>
      %max3A_1891 = arith.maximumf %max3A_1890, %get3A_1876 : vector<16xf32>
      %max3A_1892 = arith.maximumf %max3A_1891, %get3A_1881 : vector<16xf32>
      %max3A_1893 = arith.maximumf %max3A_1892, %get3A_1886 : vector<16xf32>
      %sub3A_1894 = arith.subf %get3A_1851, %max3A_1893 : vector<16xf32>
      %exp3A_1895 = math.exp %sub3A_1894 : vector<16xf32>
      %sub3A_1896 = arith.subf %get3A_1856, %max3A_1893 : vector<16xf32>
      %exp3A_1897 = math.exp %sub3A_1896 : vector<16xf32>
      %sub3A_1898 = arith.subf %get3A_1861, %max3A_1893 : vector<16xf32>
      %exp3A_1899 = math.exp %sub3A_1898 : vector<16xf32>
      %sub3A_1900 = arith.subf %get3A_1866, %max3A_1893 : vector<16xf32>
      %exp3A_1901 = math.exp %sub3A_1900 : vector<16xf32>
      %sub3A_1902 = arith.subf %get3A_1871, %max3A_1893 : vector<16xf32>
      %exp3A_1903 = math.exp %sub3A_1902 : vector<16xf32>
      %sub3A_1904 = arith.subf %get3A_1876, %max3A_1893 : vector<16xf32>
      %exp3A_1905 = math.exp %sub3A_1904 : vector<16xf32>
      %sub3A_1906 = arith.subf %get3A_1881, %max3A_1893 : vector<16xf32>
      %exp3A_1907 = math.exp %sub3A_1906 : vector<16xf32>
      %sub3A_1908 = arith.subf %get3A_1886, %max3A_1893 : vector<16xf32>
      %exp3A_1909 = math.exp %sub3A_1908 : vector<16xf32>
      %max3A_1910 = arith.maximumf %exp3A_1895, %exp3A_1897 : vector<16xf32>
      %max3A_1911 = arith.maximumf %max3A_1910, %exp3A_1899 : vector<16xf32>
      %max3A_1912 = arith.maximumf %max3A_1911, %exp3A_1901 : vector<16xf32>
      %max3A_1913 = arith.maximumf %max3A_1912, %exp3A_1903 : vector<16xf32>
      %max3A_1914 = arith.maximumf %max3A_1913, %exp3A_1905 : vector<16xf32>
      %max3A_1915 = arith.maximumf %max3A_1914, %exp3A_1907 : vector<16xf32>
      %max3A_1916 = arith.maximumf %max3A_1915, %exp3A_1909 : vector<16xf32>
      %eq3A_1917 = arith.cmpf oeq, %exp3A_1895, %max3A_1916 : vector<16xf32>
      %select_n3A_1918 = arith.select %eq3A_1917, %broadcast_in_dim3A_3, %broadcast_in_dim3A_5 : vector<16xi1>, vector<16xf32>
      %sub3A_1919 = arith.subf %broadcast_in_dim3A_3, %broadcast_in_dim3A_5 : vector<16xf32>
      %mul3A_1920 = arith.mulf %select_n3A_1918, %sub3A_1919 : vector<16xf32>
      %add3A_1921 = arith.addf %broadcast_in_dim3A_5, %mul3A_1920 : vector<16xf32>
      %eq3A_1922 = arith.cmpf oeq, %exp3A_1897, %max3A_1916 : vector<16xf32>
      %select_n3A_1923 = arith.select %eq3A_1922, %broadcast_in_dim3A_3, %broadcast_in_dim3A_5 : vector<16xi1>, vector<16xf32>
      %sub3A_1924 = arith.subf %broadcast_in_dim3A_3, %add3A_1921 : vector<16xf32>
      %mul3A_1925 = arith.mulf %select_n3A_1923, %sub3A_1924 : vector<16xf32>
      %add3A_1926 = arith.addf %add3A_1921, %mul3A_1925 : vector<16xf32>
      %eq3A_1927 = arith.cmpf oeq, %exp3A_1899, %max3A_1916 : vector<16xf32>
      %select_n3A_1928 = arith.select %eq3A_1927, %broadcast_in_dim3A_3, %broadcast_in_dim3A_5 : vector<16xi1>, vector<16xf32>
      %sub3A_1929 = arith.subf %broadcast_in_dim3A_3, %add3A_1926 : vector<16xf32>
      %mul3A_1930 = arith.mulf %select_n3A_1928, %sub3A_1929 : vector<16xf32>
      %add3A_1931 = arith.addf %add3A_1926, %mul3A_1930 : vector<16xf32>
      %eq3A_1932 = arith.cmpf oeq, %exp3A_1901, %max3A_1916 : vector<16xf32>
      %select_n3A_1933 = arith.select %eq3A_1932, %broadcast_in_dim3A_3, %broadcast_in_dim3A_5 : vector<16xi1>, vector<16xf32>
      %sub3A_1934 = arith.subf %broadcast_in_dim3A_3, %add3A_1931 : vector<16xf32>
      %mul3A_1935 = arith.mulf %select_n3A_1933, %sub3A_1934 : vector<16xf32>
      %add3A_1936 = arith.addf %add3A_1931, %mul3A_1935 : vector<16xf32>
      %eq3A_1937 = arith.cmpf oeq, %exp3A_1903, %max3A_1916 : vector<16xf32>
      %select_n3A_1938 = arith.select %eq3A_1937, %broadcast_in_dim3A_3, %broadcast_in_dim3A_5 : vector<16xi1>, vector<16xf32>
      %sub3A_1939 = arith.subf %broadcast_in_dim3A_3, %add3A_1936 : vector<16xf32>
      %mul3A_1940 = arith.mulf %select_n3A_1938, %sub3A_1939 : vector<16xf32>
      %add3A_1941 = arith.addf %add3A_1936, %mul3A_1940 : vector<16xf32>
      %eq3A_1942 = arith.cmpf oeq, %exp3A_1905, %max3A_1916 : vector<16xf32>
      %select_n3A_1943 = arith.select %eq3A_1942, %broadcast_in_dim3A_3, %broadcast_in_dim3A_5 : vector<16xi1>, vector<16xf32>
      %sub3A_1944 = arith.subf %broadcast_in_dim3A_3, %add3A_1941 : vector<16xf32>
      %mul3A_1945 = arith.mulf %select_n3A_1943, %sub3A_1944 : vector<16xf32>
      %add3A_1946 = arith.addf %add3A_1941, %mul3A_1945 : vector<16xf32>
      %eq3A_1947 = arith.cmpf oeq, %exp3A_1907, %max3A_1916 : vector<16xf32>
      %select_n3A_1948 = arith.select %eq3A_1947, %broadcast_in_dim3A_3, %broadcast_in_dim3A_5 : vector<16xi1>, vector<16xf32>
      %sub3A_1949 = arith.subf %broadcast_in_dim3A_3, %add3A_1946 : vector<16xf32>
      %mul3A_1950 = arith.mulf %select_n3A_1948, %sub3A_1949 : vector<16xf32>
      %add3A_1951 = arith.addf %add3A_1946, %mul3A_1950 : vector<16xf32>
      %eq3A_1952 = arith.cmpf oeq, %exp3A_1909, %max3A_1916 : vector<16xf32>
      %select_n3A_1953 = arith.select %eq3A_1952, %broadcast_in_dim3A_3, %broadcast_in_dim3A_5 : vector<16xi1>, vector<16xf32>
      %sub3A_1954 = arith.subf %broadcast_in_dim3A_3, %add3A_1951 : vector<16xf32>
      %mul3A_1955 = arith.mulf %select_n3A_1953, %sub3A_1954 : vector<16xf32>
      %add3A_1956 = arith.addf %add3A_1951, %mul3A_1955 : vector<16xf32>
      %mul3A_1957 = arith.constant 2.000000e+00 : f32
      %mul3A_1958 = vector.broadcast %mul3A_1957 : f32 to vector<16xf32>
      %mul3A_1959 = arith.mulf %mul3A_1958, %mul3A_1920 : vector<16xf32>
      %sub3A_1960 = arith.subf %exp3A_1895, %mul3A_1959 : vector<16xf32>
      %mul3A_1961 = arith.constant 2.000000e+00 : f32
      %mul3A_1962 = vector.broadcast %mul3A_1961 : f32 to vector<16xf32>
      %mul3A_1963 = arith.mulf %mul3A_1962, %mul3A_1925 : vector<16xf32>
      %sub3A_1964 = arith.subf %exp3A_1897, %mul3A_1963 : vector<16xf32>
      %mul3A_1965 = arith.constant 2.000000e+00 : f32
      %mul3A_1966 = vector.broadcast %mul3A_1965 : f32 to vector<16xf32>
      %mul3A_1967 = arith.mulf %mul3A_1966, %mul3A_1930 : vector<16xf32>
      %sub3A_1968 = arith.subf %exp3A_1899, %mul3A_1967 : vector<16xf32>
      %mul3A_1969 = arith.constant 2.000000e+00 : f32
      %mul3A_1970 = vector.broadcast %mul3A_1969 : f32 to vector<16xf32>
      %mul3A_1971 = arith.mulf %mul3A_1970, %mul3A_1935 : vector<16xf32>
      %sub3A_1972 = arith.subf %exp3A_1901, %mul3A_1971 : vector<16xf32>
      %mul3A_1973 = arith.constant 2.000000e+00 : f32
      %mul3A_1974 = vector.broadcast %mul3A_1973 : f32 to vector<16xf32>
      %mul3A_1975 = arith.mulf %mul3A_1974, %mul3A_1940 : vector<16xf32>
      %sub3A_1976 = arith.subf %exp3A_1903, %mul3A_1975 : vector<16xf32>
      %mul3A_1977 = arith.constant 2.000000e+00 : f32
      %mul3A_1978 = vector.broadcast %mul3A_1977 : f32 to vector<16xf32>
      %mul3A_1979 = arith.mulf %mul3A_1978, %mul3A_1945 : vector<16xf32>
      %sub3A_1980 = arith.subf %exp3A_1905, %mul3A_1979 : vector<16xf32>
      %mul3A_1981 = arith.constant 2.000000e+00 : f32
      %mul3A_1982 = vector.broadcast %mul3A_1981 : f32 to vector<16xf32>
      %mul3A_1983 = arith.mulf %mul3A_1982, %mul3A_1950 : vector<16xf32>
      %sub3A_1984 = arith.subf %exp3A_1907, %mul3A_1983 : vector<16xf32>
      %mul3A_1985 = arith.constant 2.000000e+00 : f32
      %mul3A_1986 = vector.broadcast %mul3A_1985 : f32 to vector<16xf32>
      %mul3A_1987 = arith.mulf %mul3A_1986, %mul3A_1955 : vector<16xf32>
      %sub3A_1988 = arith.subf %exp3A_1909, %mul3A_1987 : vector<16xf32>
      %max3A_1989 = arith.maximumf %sub3A_1960, %sub3A_1964 : vector<16xf32>
      %max3A_1990 = arith.maximumf %max3A_1989, %sub3A_1968 : vector<16xf32>
      %max3A_1991 = arith.maximumf %max3A_1990, %sub3A_1972 : vector<16xf32>
      %max3A_1992 = arith.maximumf %max3A_1991, %sub3A_1976 : vector<16xf32>
      %max3A_1993 = arith.maximumf %max3A_1992, %sub3A_1980 : vector<16xf32>
      %max3A_1994 = arith.maximumf %max3A_1993, %sub3A_1984 : vector<16xf32>
      %max3A_1995 = arith.maximumf %max3A_1994, %sub3A_1988 : vector<16xf32>
      %eq3A_1996 = arith.cmpf oeq, %sub3A_1960, %max3A_1995 : vector<16xf32>
      %select_n3A_1997 = arith.select %eq3A_1996, %broadcast_in_dim3A_3, %broadcast_in_dim3A_5 : vector<16xi1>, vector<16xf32>
      %sub3A_1998 = arith.subf %broadcast_in_dim3A_3, %broadcast_in_dim3A_5 : vector<16xf32>
      %mul3A_1999 = arith.mulf %select_n3A_1997, %sub3A_1998 : vector<16xf32>
      %add3A_2000 = arith.addf %broadcast_in_dim3A_5, %mul3A_1999 : vector<16xf32>
      %eq3A_2001 = arith.cmpf oeq, %sub3A_1964, %max3A_1995 : vector<16xf32>
      %select_n3A_2002 = arith.select %eq3A_2001, %broadcast_in_dim3A_3, %broadcast_in_dim3A_5 : vector<16xi1>, vector<16xf32>
      %sub3A_2003 = arith.subf %broadcast_in_dim3A_3, %add3A_2000 : vector<16xf32>
      %mul3A_2004 = arith.mulf %select_n3A_2002, %sub3A_2003 : vector<16xf32>
      %add3A_2005 = arith.addf %add3A_2000, %mul3A_2004 : vector<16xf32>
      %eq3A_2006 = arith.cmpf oeq, %sub3A_1968, %max3A_1995 : vector<16xf32>
      %select_n3A_2007 = arith.select %eq3A_2006, %broadcast_in_dim3A_3, %broadcast_in_dim3A_5 : vector<16xi1>, vector<16xf32>
      %sub3A_2008 = arith.subf %broadcast_in_dim3A_3, %add3A_2005 : vector<16xf32>
      %mul3A_2009 = arith.mulf %select_n3A_2007, %sub3A_2008 : vector<16xf32>
      %add3A_2010 = arith.addf %add3A_2005, %mul3A_2009 : vector<16xf32>
      %eq3A_2011 = arith.cmpf oeq, %sub3A_1972, %max3A_1995 : vector<16xf32>
      %select_n3A_2012 = arith.select %eq3A_2011, %broadcast_in_dim3A_3, %broadcast_in_dim3A_5 : vector<16xi1>, vector<16xf32>
      %sub3A_2013 = arith.subf %broadcast_in_dim3A_3, %add3A_2010 : vector<16xf32>
      %mul3A_2014 = arith.mulf %select_n3A_2012, %sub3A_2013 : vector<16xf32>
      %add3A_2015 = arith.addf %add3A_2010, %mul3A_2014 : vector<16xf32>
      %eq3A_2016 = arith.cmpf oeq, %sub3A_1976, %max3A_1995 : vector<16xf32>
      %select_n3A_2017 = arith.select %eq3A_2016, %broadcast_in_dim3A_3, %broadcast_in_dim3A_5 : vector<16xi1>, vector<16xf32>
      %sub3A_2018 = arith.subf %broadcast_in_dim3A_3, %add3A_2015 : vector<16xf32>
      %mul3A_2019 = arith.mulf %select_n3A_2017, %sub3A_2018 : vector<16xf32>
      %add3A_2020 = arith.addf %add3A_2015, %mul3A_2019 : vector<16xf32>
      %eq3A_2021 = arith.cmpf oeq, %sub3A_1980, %max3A_1995 : vector<16xf32>
      %select_n3A_2022 = arith.select %eq3A_2021, %broadcast_in_dim3A_3, %broadcast_in_dim3A_5 : vector<16xi1>, vector<16xf32>
      %sub3A_2023 = arith.subf %broadcast_in_dim3A_3, %add3A_2020 : vector<16xf32>
      %mul3A_2024 = arith.mulf %select_n3A_2022, %sub3A_2023 : vector<16xf32>
      %add3A_2025 = arith.addf %add3A_2020, %mul3A_2024 : vector<16xf32>
      %eq3A_2026 = arith.cmpf oeq, %sub3A_1984, %max3A_1995 : vector<16xf32>
      %select_n3A_2027 = arith.select %eq3A_2026, %broadcast_in_dim3A_3, %broadcast_in_dim3A_5 : vector<16xi1>, vector<16xf32>
      %sub3A_2028 = arith.subf %broadcast_in_dim3A_3, %add3A_2025 : vector<16xf32>
      %mul3A_2029 = arith.mulf %select_n3A_2027, %sub3A_2028 : vector<16xf32>
      %add3A_2030 = arith.addf %add3A_2025, %mul3A_2029 : vector<16xf32>
      %eq3A_2031 = arith.cmpf oeq, %sub3A_1988, %max3A_1995 : vector<16xf32>
      %select_n3A_2032 = arith.select %eq3A_2031, %broadcast_in_dim3A_3, %broadcast_in_dim3A_5 : vector<16xi1>, vector<16xf32>
      %sub3A_2033 = arith.subf %broadcast_in_dim3A_3, %add3A_2030 : vector<16xf32>
      %mul3A_2034 = arith.mulf %select_n3A_2032, %sub3A_2033 : vector<16xf32>
      %add3A_2035 = arith.addf %add3A_2030, %mul3A_2034 : vector<16xf32>
      %add3A_2036 = arith.addf %max3A_1916, %max3A_1995 : vector<16xf32>
      %div3A_2037 = arith.divf %max3A_1916, %add3A_2036 : vector<16xf32>
      %div3A_2038 = arith.divf %max3A_1995, %add3A_2036 : vector<16xf32>
      %mul3A_2039 = arith.mulf %mul3A_1920, %div3A_2037 : vector<16xf32>
      %mul3A_2040 = arith.mulf %mul3A_1999, %div3A_2038 : vector<16xf32>
      %add3A_2041 = arith.addf %mul3A_2039, %mul3A_2040 : vector<16xf32>
      %swap3A_2042 = arith.constant 0 : i32
      %swap3A_2043 = arith.index_cast %swap3A_2042 : i32 to index
      %swap3A_2044 = arith.constant 112 : index
      %swap3A_2045 = tpu.vector_load %arg5[%swap3A_2043, %swap3A_2044] {strides = array<i32>} : memref<8x128xf32, #tpu.memory_space<vmem>>, vector<1x16xf32>,
      %swap3A_2046 = vector.shape_cast %swap3A_2045 : vector<1x16xf32> to vector<16xf32>
      %swap3A_2047 = vector.shape_cast %add3A_2041 : vector<16xf32> to vector<1x16xf32>
      tpu.vector_store %arg5[%swap3A_2043, %swap3A_2044], %swap3A_2047 {strides = array<i32>} : memref<8x128xf32, #tpu.memory_space<vmem>>, vector<1x16xf32>,
      %mul3A_2048 = arith.mulf %mul3A_1925, %div3A_2037 : vector<16xf32>
      %mul3A_2049 = arith.mulf %mul3A_2004, %div3A_2038 : vector<16xf32>
      %add3A_2050 = arith.addf %mul3A_2048, %mul3A_2049 : vector<16xf32>
      %swap3A_2051 = arith.constant 1 : i32
      %swap3A_2052 = arith.index_cast %swap3A_2051 : i32 to index
      %swap3A_2053 = arith.constant 112 : index
      %swap3A_2054 = tpu.vector_load %arg5[%swap3A_2052, %swap3A_2053] {strides = array<i32>} : memref<8x128xf32, #tpu.memory_space<vmem>>, vector<1x16xf32>,
      %swap3A_2055 = vector.shape_cast %swap3A_2054 : vector<1x16xf32> to vector<16xf32>
      %swap3A_2056 = vector.shape_cast %add3A_2050 : vector<16xf32> to vector<1x16xf32>
      tpu.vector_store %arg5[%swap3A_2052, %swap3A_2053], %swap3A_2056 {strides = array<i32>} : memref<8x128xf32, #tpu.memory_space<vmem>>, vector<1x16xf32>,
      %mul3A_2057 = arith.mulf %mul3A_1930, %div3A_2037 : vector<16xf32>
      %mul3A_2058 = arith.mulf %mul3A_2009, %div3A_2038 : vector<16xf32>
      %add3A_2059 = arith.addf %mul3A_2057, %mul3A_2058 : vector<16xf32>
      %swap3A_2060 = arith.constant 2 : i32
      %swap3A_2061 = arith.index_cast %swap3A_2060 : i32 to index
      %swap3A_2062 = arith.constant 112 : index
      %swap3A_2063 = tpu.vector_load %arg5[%swap3A_2061, %swap3A_2062] {strides = array<i32>} : memref<8x128xf32, #tpu.memory_space<vmem>>, vector<1x16xf32>,
      %swap3A_2064 = vector.shape_cast %swap3A_2063 : vector<1x16xf32> to vector<16xf32>
      %swap3A_2065 = vector.shape_cast %add3A_2059 : vector<16xf32> to vector<1x16xf32>
      tpu.vector_store %arg5[%swap3A_2061, %swap3A_2062], %swap3A_2065 {strides = array<i32>} : memref<8x128xf32, #tpu.memory_space<vmem>>, vector<1x16xf32>,
      %mul3A_2066 = arith.mulf %mul3A_1935, %div3A_2037 : vector<16xf32>
      %mul3A_2067 = arith.mulf %mul3A_2014, %div3A_2038 : vector<16xf32>
      %add3A_2068 = arith.addf %mul3A_2066, %mul3A_2067 : vector<16xf32>
      %swap3A_2069 = arith.constant 3 : i32
      %swap3A_2070 = arith.index_cast %swap3A_2069 : i32 to index
      %swap3A_2071 = arith.constant 112 : index
      %swap3A_2072 = tpu.vector_load %arg5[%swap3A_2070, %swap3A_2071] {strides = array<i32>} : memref<8x128xf32, #tpu.memory_space<vmem>>, vector<1x16xf32>,
      %swap3A_2073 = vector.shape_cast %swap3A_2072 : vector<1x16xf32> to vector<16xf32>
      %swap3A_2074 = vector.shape_cast %add3A_2068 : vector<16xf32> to vector<1x16xf32>
      tpu.vector_store %arg5[%swap3A_2070, %swap3A_2071], %swap3A_2074 {strides = array<i32>} : memref<8x128xf32, #tpu.memory_space<vmem>>, vector<1x16xf32>,
      %mul3A_2075 = arith.mulf %mul3A_1940, %div3A_2037 : vector<16xf32>
      %mul3A_2076 = arith.mulf %mul3A_2019, %div3A_2038 : vector<16xf32>
      %add3A_2077 = arith.addf %mul3A_2075, %mul3A_2076 : vector<16xf32>
      %swap3A_2078 = arith.constant 4 : i32
      %swap3A_2079 = arith.index_cast %swap3A_2078 : i32 to index
      %swap3A_2080 = arith.constant 112 : index
      %swap3A_2081 = tpu.vector_load %arg5[%swap3A_2079, %swap3A_2080] {strides = array<i32>} : memref<8x128xf32, #tpu.memory_space<vmem>>, vector<1x16xf32>,
      %swap3A_2082 = vector.shape_cast %swap3A_2081 : vector<1x16xf32> to vector<16xf32>
      %swap3A_2083 = vector.shape_cast %add3A_2077 : vector<16xf32> to vector<1x16xf32>
      tpu.vector_store %arg5[%swap3A_2079, %swap3A_2080], %swap3A_2083 {strides = array<i32>} : memref<8x128xf32, #tpu.memory_space<vmem>>, vector<1x16xf32>,
      %mul3A_2084 = arith.mulf %mul3A_1945, %div3A_2037 : vector<16xf32>
      %mul3A_2085 = arith.mulf %mul3A_2024, %div3A_2038 : vector<16xf32>
      %add3A_2086 = arith.addf %mul3A_2084, %mul3A_2085 : vector<16xf32>
      %swap3A_2087 = arith.constant 5 : i32
      %swap3A_2088 = arith.index_cast %swap3A_2087 : i32 to index
      %swap3A_2089 = arith.constant 112 : index
      %swap3A_2090 = tpu.vector_load %arg5[%swap3A_2088, %swap3A_2089] {strides = array<i32>} : memref<8x128xf32, #tpu.memory_space<vmem>>, vector<1x16xf32>,
      %swap3A_2091 = vector.shape_cast %swap3A_2090 : vector<1x16xf32> to vector<16xf32>
      %swap3A_2092 = vector.shape_cast %add3A_2086 : vector<16xf32> to vector<1x16xf32>
      tpu.vector_store %arg5[%swap3A_2088, %swap3A_2089], %swap3A_2092 {strides = array<i32>} : memref<8x128xf32, #tpu.memory_space<vmem>>, vector<1x16xf32>,
      %mul3A_2093 = arith.mulf %mul3A_1950, %div3A_2037 : vector<16xf32>
      %mul3A_2094 = arith.mulf %mul3A_2029, %div3A_2038 : vector<16xf32>
      %add3A_2095 = arith.addf %mul3A_2093, %mul3A_2094 : vector<16xf32>
      %swap3A_2096 = arith.constant 6 : i32
      %swap3A_2097 = arith.index_cast %swap3A_2096 : i32 to index
      %swap3A_2098 = arith.constant 112 : index
      %swap3A_2099 = tpu.vector_load %arg5[%swap3A_2097, %swap3A_2098] {strides = array<i32>} : memref<8x128xf32, #tpu.memory_space<vmem>>, vector<1x16xf32>,
      %swap3A_2100 = vector.shape_cast %swap3A_2099 : vector<1x16xf32> to vector<16xf32>
      %swap3A_2101 = vector.shape_cast %add3A_2095 : vector<16xf32> to vector<1x16xf32>
      tpu.vector_store %arg5[%swap3A_2097, %swap3A_2098], %swap3A_2101 {strides = array<i32>} : memref<8x128xf32, #tpu.memory_space<vmem>>, vector<1x16xf32>,
      %mul3A_2102 = arith.mulf %mul3A_1955, %div3A_2037 : vector<16xf32>
      %mul3A_2103 = arith.mulf %mul3A_2034, %div3A_2038 : vector<16xf32>
      %add3A_2104 = arith.addf %mul3A_2102, %mul3A_2103 : vector<16xf32>
      %swap3A_2105 = arith.constant 7 : i32
      %swap3A_2106 = arith.index_cast %swap3A_2105 : i32 to index
      %swap3A_2107 = arith.constant 112 : index
      %swap3A_2108 = tpu.vector_load %arg5[%swap3A_2106, %swap3A_2107] {strides = array<i32>} : memref<8x128xf32, #tpu.memory_space<vmem>>, vector<1x16xf32>,
      %swap3A_2109 = vector.shape_cast %swap3A_2108 : vector<1x16xf32> to vector<16xf32>
      %swap3A_2110 = vector.shape_cast %add3A_2104 : vector<16xf32> to vector<1x16xf32>
      tpu.vector_store %arg5[%swap3A_2106, %swap3A_2107], %swap3A_2110 {strides = array<i32>} : memref<8x128xf32, #tpu.memory_space<vmem>>, vector<1x16xf32>,
      "tpu.region"() ({
        %run_scoped3A = tpu.sem_alloc : memref<!tpu.dma_semaphore, #tpu.memory_space<semaphore_mem>>
        tpu.enqueue_dma source(%arg5 : memref<8x128xf32, #tpu.memory_space<vmem>>) target(%arg3 : memref<8x128xf32, #tpu.memory_space<hbm>>) target_semaphore(%run_scoped3A : memref<!tpu.dma_semaphore, #tpu.memory_space<semaphore_mem>>)
        tpu.wait_dma2 semaphore(%run_scoped3A : memref<!tpu.dma_semaphore, #tpu.memory_space<semaphore_mem>>) src(%arg5 : memref<8x128xf32, #tpu.memory_space<vmem>>) dst(%arg3 : memref<8x128xf32, #tpu.memory_space<hbm>>)
        tpu.yield
      }) : () -> ()
    } else {
    }
    return
  }
}

module attributes {stable_mosaic.version = 14 : i64} {
  func.func @_logits_kernel(%arg0: memref<128x1024xf32, #tpu.memory_space<vmem>>, %arg1: memref<8x1024xf32, #tpu.memory_space<vmem>>, %arg2: memref<8x128xf32, #tpu.memory_space<vmem>>) attributes {dimension_semantics = [], scalar_prefetch = 0 : i64, scratch_operands = 0 : i64, tpu.core_type = #tpu.core_type<tc>} {
    %get3A = arith.constant 0 : index
    %get3A_0 = arith.constant 0 : index
    %get3A_1 = vector.load %arg1[%get3A, %get3A_0] : memref<8x1024xf32, #tpu.memory_space<vmem>>, vector<8x1024xf32>
    %get3A_2 = arith.constant 0 : index
    %get3A_3 = arith.constant 0 : index
    %get3A_4 = vector.load %arg0[%get3A_2, %get3A_3] : memref<128x1024xf32, #tpu.memory_space<vmem>>, vector<128x1024xf32>
    %transpose3A = tpu.transpose %get3A_4, [1, 0] : vector<128x1024xf32> -> vector<1024x128xf32>
    %dot_general3A = arith.constant dense<0.000000e+00> : vector<8x128xf32>
    %dot_general3A_5 = tpu.matmul %get3A_1, %transpose3A, %dot_general3A {dimension_numbers = #tpu.dot_dimension_numbers<[1], [0], [0], [1], [0, 0, 1, 1], [], []>, transpose_lhs_hint = false} : vector<8x1024xf32>, vector<1024x128xf32>, vector<8x128xf32> -> vector<8x128xf32>
    %swap3A = arith.constant 0 : index
    %swap3A_6 = arith.constant 0 : index
    %swap3A_7 = vector.load %arg2[%swap3A, %swap3A_6] : memref<8x128xf32, #tpu.memory_space<vmem>>, vector<8x128xf32>
    tpu.vector_store %arg2[%swap3A, %swap3A_6], %dot_general3A_5 {strides = array<i32>} : memref<8x128xf32, #tpu.memory_space<vmem>>, vector<8x128xf32>,
    return
  }
}

module attributes {stable_mosaic.version = 14 : i64} {
  func.func @_moe_kernel(%arg0: i32, %arg1: i32, %arg2: memref<128x1024xf32, #tpu.memory_space<vmem>>, %arg3: memref<8x128xf32, #tpu.memory_space<vmem>>, %arg4: memref<1x256x1024xf32, #tpu.memory_space<vmem>>, %arg5: memref<1x256x1024xf32, #tpu.memory_space<vmem>>, %arg6: memref<1x256x1024xf32, #tpu.memory_space<vmem>>, %arg7: memref<1x256x1024xf32, #tpu.memory_space<vmem>>, %arg8: memref<1x256x1024xf32, #tpu.memory_space<vmem>>, %arg9: memref<1x256x1024xf32, #tpu.memory_space<vmem>>, %arg10: memref<1x256x1024xf32, #tpu.memory_space<vmem>>, %arg11: memref<1x256x1024xf32, #tpu.memory_space<vmem>>, %arg12: memref<1x1024x256xf32, #tpu.memory_space<vmem>>, %arg13: memref<1x1024x256xf32, #tpu.memory_space<vmem>>, %arg14: memref<1x1024x256xf32, #tpu.memory_space<vmem>>, %arg15: memref<1x1024x256xf32, #tpu.memory_space<vmem>>, %arg16: memref<128x1024xf32, #tpu.memory_space<vmem>>, %arg17: memref<128x8xf32, #tpu.memory_space<vmem>>) attributes {dimension_semantics = [#tpu.dimension_semantics<arbitrary>, #tpu.dimension_semantics<arbitrary>], iteration_bounds = array<i64: 8, 4>, scalar_prefetch = 0 : i64, scratch_operands = 1 : i64, tpu.core_type = #tpu.core_type<tc>, window_params = [{pipeline_mode = #tpu.pipeline_mode<synchronous>, transform_indices = @transform_0, window_bounds = array<i64: 128, 1024>}, {pipeline_mode = #tpu.pipeline_mode<synchronous>, transform_indices = @transform_1, window_bounds = array<i64: 8, 128>}, {transform_indices = @transform_2, window_bounds = array<i64: 1, 256, 1024>}, {transform_indices = @transform_3, window_bounds = array<i64: 1, 256, 1024>}, {transform_indices = @transform_4, window_bounds = array<i64: 1, 256, 1024>}, {transform_indices = @transform_5, window_bounds = array<i64: 1, 256, 1024>}, {transform_indices = @transform_6, window_bounds = array<i64: 1, 256, 1024>}, {transform_indices = @transform_7, window_bounds = array<i64: 1, 256, 1024>}, {transform_indices = @transform_8, window_bounds = array<i64: 1, 256, 1024>}, {transform_indices = @transform_9, window_bounds = array<i64: 1, 256, 1024>}, {transform_indices = @transform_10, window_bounds = array<i64: 1, 1024, 256>}, {transform_indices = @transform_11, window_bounds = array<i64: 1, 1024, 256>}, {transform_indices = @transform_12, window_bounds = array<i64: 1, 1024, 256>}, {transform_indices = @transform_13, window_bounds = array<i64: 1, 1024, 256>}, {pipeline_mode = #tpu.pipeline_mode<synchronous>, transform_indices = @transform_14, window_bounds = array<i64: 128, 1024>}]} {
    %eq3A = arith.constant 0 : i32
    %eq3A_0 = arith.cmpi eq, %arg0, %eq3A : i32
    %eq3A_1 = arith.constant 0 : i32
    %eq3A_2 = arith.cmpi eq, %arg1, %eq3A_1 : i32
    %and3A = arith.andi %eq3A_0, %eq3A_2 : i1
    %convert_element_type3A = arith.extui %and3A : i1 to i32
    %cond3A = arith.constant 0 : i32
    %cond3A_3 = arith.cmpi ne, %convert_element_type3A, %cond3A : i32
    scf.if %cond3A_3 {
      %get3A_172 = arith.constant 0 : index
      %get3A_173 = arith.constant 0 : index
      %get3A_174 = vector.load %arg3[%get3A_172, %get3A_173] : memref<8x128xf32, #tpu.memory_space<vmem>>, vector<8x128xf32>
      %transpose3A_175 = tpu.transpose %get3A_174, [1, 0] : vector<8x128xf32> -> vector<128x8xf32>
      %swap3A_176 = arith.constant 0 : index
      %swap3A_177 = arith.constant 0 : index
      %swap3A_178 = vector.load %arg17[%swap3A_176, %swap3A_177] : memref<128x8xf32, #tpu.memory_space<vmem>>, vector<128x8xf32>
      tpu.vector_store %arg17[%swap3A_176, %swap3A_177], %transpose3A_175 {strides = array<i32>} : memref<128x8xf32, #tpu.memory_space<vmem>>, vector<128x8xf32>,
      %broadcast_in_dim3A = arith.constant 0.000000e+00 : f32
      %broadcast_in_dim3A_179 = vector.broadcast %broadcast_in_dim3A : f32 to vector<128x1024xf32>
      %swap3A_180 = arith.constant 0 : index
      %swap3A_181 = arith.constant 0 : index
      %swap3A_182 = vector.load %arg16[%swap3A_180, %swap3A_181] : memref<128x1024xf32, #tpu.memory_space<vmem>>, vector<128x1024xf32>
      tpu.vector_store %arg16[%swap3A_180, %swap3A_181], %broadcast_in_dim3A_179 {strides = array<i32>} : memref<128x1024xf32, #tpu.memory_space<vmem>>, vector<128x1024xf32>,
    } else {
    }
    %get3A = arith.constant 0 : index
    %get3A_4 = arith.constant 0 : index
    %get3A_5 = vector.load %arg2[%get3A, %get3A_4] : memref<128x1024xf32, #tpu.memory_space<vmem>>, vector<128x1024xf32>
    %convert_element_type3A_6 = arith.truncf %get3A_5 : vector<128x1024xf32> to vector<128x1024xbf16>
    %iota3A = tpu.iota {dimensions = array<i32: 0>} : vector<8x1xi32>
    %eq3A_7 = vector.broadcast %arg0 : i32 to vector<8x1xi32>
    %eq3A_8 = arith.cmpi eq, %iota3A, %eq3A_7 : vector<8x1xi32>
    %get3A_9 = arith.constant 0 : index
    %get3A_10 = arith.constant 0 : index
    %get3A_11 = vector.load %arg17[%get3A_9, %get3A_10] : memref<128x8xf32, #tpu.memory_space<vmem>>, vector<128x8xf32>
    %convert_element_type3A_12 = arith.extui %eq3A_8 : vector<8x1xi1> to vector<8x1xi32>
    %convert_element_type3A_13 = arith.sitofp %convert_element_type3A_12 : vector<8x1xi32> to vector<8x1xf32>
    %dot_general3A = arith.constant dense<0.000000e+00> : vector<128x1xf32>
    %dot_general3A_14 = tpu.matmul %get3A_11, %convert_element_type3A_13, %dot_general3A {dimension_numbers = #tpu.dot_dimension_numbers<[1], [0], [0], [1], [0, 0, 1, 1], [], []>, transpose_lhs_hint = false} : vector<128x8xf32>, vector<8x1xf32>, vector<128x1xf32> -> vector<128x1xf32>
    %get3A_15 = arith.constant 0 : index
    %get3A_16 = arith.constant 0 : index
    %get3A_17 = vector.load %arg16[%get3A_15, %get3A_16] : memref<128x1024xf32, #tpu.memory_space<vmem>>, vector<128x1024xf32>
    %get3A_18 = arith.constant 0 : index
    %get3A_19 = arith.constant 0 : index
    %get3A_20 = arith.constant 0 : index
    %get3A_21 = vector.load %arg4[%get3A_18, %get3A_19, %get3A_20] : memref<1x256x1024xf32, #tpu.memory_space<vmem>>, vector<1x256x1024xf32>
    %get3A_22 = vector.shape_cast %get3A_21 : vector<1x256x1024xf32> to vector<256x1024xf32>
    %convert_element_type3A_23 = arith.truncf %get3A_22 : vector<256x1024xf32> to vector<256x1024xbf16>
    %get3A_24 = arith.constant 0 : index
    %get3A_25 = arith.constant 0 : index
    %get3A_26 = arith.constant 0 : index
    %get3A_27 = vector.load %arg8[%get3A_24, %get3A_25, %get3A_26] : memref<1x256x1024xf32, #tpu.memory_space<vmem>>, vector<1x256x1024xf32>
    %get3A_28 = vector.shape_cast %get3A_27 : vector<1x256x1024xf32> to vector<256x1024xf32>
    %convert_element_type3A_29 = arith.truncf %get3A_28 : vector<256x1024xf32> to vector<256x1024xbf16>
    %transpose3A = tpu.transpose %convert_element_type3A_23, [1, 0] : vector<256x1024xbf16> -> vector<1024x256xbf16>
    %dot_general3A_30 = arith.constant dense<0.000000e+00> : vector<128x256xf32>
    %dot_general3A_31 = tpu.matmul %convert_element_type3A_6, %transpose3A, %dot_general3A_30 {dimension_numbers = #tpu.dot_dimension_numbers<[1], [0], [0], [1], [0, 0, 1, 1], [], []>, transpose_lhs_hint = false} : vector<128x1024xbf16>, vector<1024x256xbf16>, vector<128x256xf32> -> vector<128x256xf32>
    %transpose3A_32 = tpu.transpose %convert_element_type3A_29, [1, 0] : vector<256x1024xbf16> -> vector<1024x256xbf16>
    %dot_general3A_33 = arith.constant dense<0.000000e+00> : vector<128x256xf32>
    %dot_general3A_34 = tpu.matmul %convert_element_type3A_6, %transpose3A_32, %dot_general3A_33 {dimension_numbers = #tpu.dot_dimension_numbers<[1], [0], [0], [1], [0, 0, 1, 1], [], []>, transpose_lhs_hint = false} : vector<128x1024xbf16>, vector<1024x256xbf16>, vector<128x256xf32> -> vector<128x256xf32>
    %logistic3A = arith.negf %dot_general3A_31 : vector<128x256xf32>
    %logistic3A_35 = math.exp %logistic3A : vector<128x256xf32>
    %logistic3A_36 = arith.constant 1.000000e+00 : f32
    %logistic3A_37 = vector.broadcast %logistic3A_36 : f32 to vector<128x256xf32>
    %logistic3A_38 = arith.addf %logistic3A_37, %logistic3A_35 : vector<128x256xf32>
    %logistic3A_39 = arith.divf %logistic3A_37, %logistic3A_38 : vector<128x256xf32>
    %mul3A = arith.mulf %dot_general3A_31, %logistic3A_39 : vector<128x256xf32>
    %mul3A_40 = arith.mulf %mul3A, %dot_general3A_34 : vector<128x256xf32>
    %mul3A_41 = vector.broadcast %dot_general3A_14 : vector<128x1xf32> to vector<128x256xf32>
    %mul3A_42 = arith.mulf %mul3A_40, %mul3A_41 : vector<128x256xf32>
    %convert_element_type3A_43 = arith.truncf %mul3A_42 : vector<128x256xf32> to vector<128x256xbf16>
    %get3A_44 = arith.constant 0 : index
    %get3A_45 = arith.constant 0 : index
    %get3A_46 = arith.constant 0 : index
    %get3A_47 = vector.load %arg12[%get3A_44, %get3A_45, %get3A_46] : memref<1x1024x256xf32, #tpu.memory_space<vmem>>, vector<1x1024x256xf32>
    %get3A_48 = vector.shape_cast %get3A_47 : vector<1x1024x256xf32> to vector<1024x256xf32>
    %convert_element_type3A_49 = arith.truncf %get3A_48 : vector<1024x256xf32> to vector<1024x256xbf16>
    %transpose3A_50 = tpu.transpose %convert_element_type3A_49, [1, 0] : vector<1024x256xbf16> -> vector<256x1024xbf16>
    %dot_general3A_51 = arith.constant dense<0.000000e+00> : vector<128x1024xf32>
    %dot_general3A_52 = tpu.matmul %convert_element_type3A_43, %transpose3A_50, %dot_general3A_51 {dimension_numbers = #tpu.dot_dimension_numbers<[1], [0], [0], [1], [0, 0, 1, 1], [], []>, transpose_lhs_hint = false} : vector<128x256xbf16>, vector<256x1024xbf16>, vector<128x1024xf32> -> vector<128x1024xf32>
    %get3A_53 = arith.constant 0 : index
    %get3A_54 = arith.constant 0 : index
    %get3A_55 = arith.constant 0 : index
    %get3A_56 = vector.load %arg5[%get3A_53, %get3A_54, %get3A_55] : memref<1x256x1024xf32, #tpu.memory_space<vmem>>, vector<1x256x1024xf32>
    %get3A_57 = vector.shape_cast %get3A_56 : vector<1x256x1024xf32> to vector<256x1024xf32>
    %convert_element_type3A_58 = arith.truncf %get3A_57 : vector<256x1024xf32> to vector<256x1024xbf16>
    %get3A_59 = arith.constant 0 : index
    %get3A_60 = arith.constant 0 : index
    %get3A_61 = arith.constant 0 : index
    %get3A_62 = vector.load %arg9[%get3A_59, %get3A_60, %get3A_61] : memref<1x256x1024xf32, #tpu.memory_space<vmem>>, vector<1x256x1024xf32>
    %get3A_63 = vector.shape_cast %get3A_62 : vector<1x256x1024xf32> to vector<256x1024xf32>
    %convert_element_type3A_64 = arith.truncf %get3A_63 : vector<256x1024xf32> to vector<256x1024xbf16>
    %transpose3A_65 = tpu.transpose %convert_element_type3A_58, [1, 0] : vector<256x1024xbf16> -> vector<1024x256xbf16>
    %dot_general3A_66 = arith.constant dense<0.000000e+00> : vector<128x256xf32>
    %dot_general3A_67 = tpu.matmul %convert_element_type3A_6, %transpose3A_65, %dot_general3A_66 {dimension_numbers = #tpu.dot_dimension_numbers<[1], [0], [0], [1], [0, 0, 1, 1], [], []>, transpose_lhs_hint = false} : vector<128x1024xbf16>, vector<1024x256xbf16>, vector<128x256xf32> -> vector<128x256xf32>
    %transpose3A_68 = tpu.transpose %convert_element_type3A_64, [1, 0] : vector<256x1024xbf16> -> vector<1024x256xbf16>
    %dot_general3A_69 = arith.constant dense<0.000000e+00> : vector<128x256xf32>
    %dot_general3A_70 = tpu.matmul %convert_element_type3A_6, %transpose3A_68, %dot_general3A_69 {dimension_numbers = #tpu.dot_dimension_numbers<[1], [0], [0], [1], [0, 0, 1, 1], [], []>, transpose_lhs_hint = false} : vector<128x1024xbf16>, vector<1024x256xbf16>, vector<128x256xf32> -> vector<128x256xf32>
    %logistic3A_71 = arith.negf %dot_general3A_67 : vector<128x256xf32>
    %logistic3A_72 = math.exp %logistic3A_71 : vector<128x256xf32>
    %logistic3A_73 = arith.constant 1.000000e+00 : f32
    %logistic3A_74 = vector.broadcast %logistic3A_73 : f32 to vector<128x256xf32>
    %logistic3A_75 = arith.addf %logistic3A_74, %logistic3A_72 : vector<128x256xf32>
    %logistic3A_76 = arith.divf %logistic3A_74, %logistic3A_75 : vector<128x256xf32>
    %mul3A_77 = arith.mulf %dot_general3A_67, %logistic3A_76 : vector<128x256xf32>
    %mul3A_78 = arith.mulf %mul3A_77, %dot_general3A_70 : vector<128x256xf32>
    %mul3A_79 = vector.broadcast %dot_general3A_14 : vector<128x1xf32> to vector<128x256xf32>
    %mul3A_80 = arith.mulf %mul3A_78, %mul3A_79 : vector<128x256xf32>
    %convert_element_type3A_81 = arith.truncf %mul3A_80 : vector<128x256xf32> to vector<128x256xbf16>
    %get3A_82 = arith.constant 0 : index
    %get3A_83 = arith.constant 0 : index
    %get3A_84 = arith.constant 0 : index
    %get3A_85 = vector.load %arg13[%get3A_82, %get3A_83, %get3A_84] : memref<1x1024x256xf32, #tpu.memory_space<vmem>>, vector<1x1024x256xf32>
    %get3A_86 = vector.shape_cast %get3A_85 : vector<1x1024x256xf32> to vector<1024x256xf32>
    %convert_element_type3A_87 = arith.truncf %get3A_86 : vector<1024x256xf32> to vector<1024x256xbf16>
    %transpose3A_88 = tpu.transpose %convert_element_type3A_87, [1, 0] : vector<1024x256xbf16> -> vector<256x1024xbf16>
    %dot_general3A_89 = arith.constant dense<0.000000e+00> : vector<128x1024xf32>
    %dot_general3A_90 = tpu.matmul %convert_element_type3A_81, %transpose3A_88, %dot_general3A_89 {dimension_numbers = #tpu.dot_dimension_numbers<[1], [0], [0], [1], [0, 0, 1, 1], [], []>, transpose_lhs_hint = false} : vector<128x256xbf16>, vector<256x1024xbf16>, vector<128x1024xf32> -> vector<128x1024xf32>
    %add3A = arith.addf %dot_general3A_52, %dot_general3A_90 : vector<128x1024xf32>
    %get3A_91 = arith.constant 0 : index
    %get3A_92 = arith.constant 0 : index
    %get3A_93 = arith.constant 0 : index
    %get3A_94 = vector.load %arg6[%get3A_91, %get3A_92, %get3A_93] : memref<1x256x1024xf32, #tpu.memory_space<vmem>>, vector<1x256x1024xf32>
    %get3A_95 = vector.shape_cast %get3A_94 : vector<1x256x1024xf32> to vector<256x1024xf32>
    %convert_element_type3A_96 = arith.truncf %get3A_95 : vector<256x1024xf32> to vector<256x1024xbf16>
    %get3A_97 = arith.constant 0 : index
    %get3A_98 = arith.constant 0 : index
    %get3A_99 = arith.constant 0 : index
    %get3A_100 = vector.load %arg10[%get3A_97, %get3A_98, %get3A_99] : memref<1x256x1024xf32, #tpu.memory_space<vmem>>, vector<1x256x1024xf32>
    %get3A_101 = vector.shape_cast %get3A_100 : vector<1x256x1024xf32> to vector<256x1024xf32>
    %convert_element_type3A_102 = arith.truncf %get3A_101 : vector<256x1024xf32> to vector<256x1024xbf16>
    %transpose3A_103 = tpu.transpose %convert_element_type3A_96, [1, 0] : vector<256x1024xbf16> -> vector<1024x256xbf16>
    %dot_general3A_104 = arith.constant dense<0.000000e+00> : vector<128x256xf32>
    %dot_general3A_105 = tpu.matmul %convert_element_type3A_6, %transpose3A_103, %dot_general3A_104 {dimension_numbers = #tpu.dot_dimension_numbers<[1], [0], [0], [1], [0, 0, 1, 1], [], []>, transpose_lhs_hint = false} : vector<128x1024xbf16>, vector<1024x256xbf16>, vector<128x256xf32> -> vector<128x256xf32>
    %transpose3A_106 = tpu.transpose %convert_element_type3A_102, [1, 0] : vector<256x1024xbf16> -> vector<1024x256xbf16>
    %dot_general3A_107 = arith.constant dense<0.000000e+00> : vector<128x256xf32>
    %dot_general3A_108 = tpu.matmul %convert_element_type3A_6, %transpose3A_106, %dot_general3A_107 {dimension_numbers = #tpu.dot_dimension_numbers<[1], [0], [0], [1], [0, 0, 1, 1], [], []>, transpose_lhs_hint = false} : vector<128x1024xbf16>, vector<1024x256xbf16>, vector<128x256xf32> -> vector<128x256xf32>
    %logistic3A_109 = arith.negf %dot_general3A_105 : vector<128x256xf32>
    %logistic3A_110 = math.exp %logistic3A_109 : vector<128x256xf32>
    %logistic3A_111 = arith.constant 1.000000e+00 : f32
    %logistic3A_112 = vector.broadcast %logistic3A_111 : f32 to vector<128x256xf32>
    %logistic3A_113 = arith.addf %logistic3A_112, %logistic3A_110 : vector<128x256xf32>
    %logistic3A_114 = arith.divf %logistic3A_112, %logistic3A_113 : vector<128x256xf32>
    %mul3A_115 = arith.mulf %dot_general3A_105, %logistic3A_114 : vector<128x256xf32>
    %mul3A_116 = arith.mulf %mul3A_115, %dot_general3A_108 : vector<128x256xf32>
    %mul3A_117 = vector.broadcast %dot_general3A_14 : vector<128x1xf32> to vector<128x256xf32>
    %mul3A_118 = arith.mulf %mul3A_116, %mul3A_117 : vector<128x256xf32>
    %convert_element_type3A_119 = arith.truncf %mul3A_118 : vector<128x256xf32> to vector<128x256xbf16>
    %get3A_120 = arith.constant 0 : index
    %get3A_121 = arith.constant 0 : index
    %get3A_122 = arith.constant 0 : index
    %get3A_123 = vector.load %arg14[%get3A_120, %get3A_121, %get3A_122] : memref<1x1024x256xf32, #tpu.memory_space<vmem>>, vector<1x1024x256xf32>
    %get3A_124 = vector.shape_cast %get3A_123 : vector<1x1024x256xf32> to vector<1024x256xf32>
    %convert_element_type3A_125 = arith.truncf %get3A_124 : vector<1024x256xf32> to vector<1024x256xbf16>
    %transpose3A_126 = tpu.transpose %convert_element_type3A_125, [1, 0] : vector<1024x256xbf16> -> vector<256x1024xbf16>
    %dot_general3A_127 = arith.constant dense<0.000000e+00> : vector<128x1024xf32>
    %dot_general3A_128 = tpu.matmul %convert_element_type3A_119, %transpose3A_126, %dot_general3A_127 {dimension_numbers = #tpu.dot_dimension_numbers<[1], [0], [0], [1], [0, 0, 1, 1], [], []>, transpose_lhs_hint = false} : vector<128x256xbf16>, vector<256x1024xbf16>, vector<128x1024xf32> -> vector<128x1024xf32>
    %add3A_129 = arith.addf %add3A, %dot_general3A_128 : vector<128x1024xf32>
    %get3A_130 = arith.constant 0 : index
    %get3A_131 = arith.constant 0 : index
    %get3A_132 = arith.constant 0 : index
    %get3A_133 = vector.load %arg7[%get3A_130, %get3A_131, %get3A_132] : memref<1x256x1024xf32, #tpu.memory_space<vmem>>, vector<1x256x1024xf32>
    %get3A_134 = vector.shape_cast %get3A_133 : vector<1x256x1024xf32> to vector<256x1024xf32>
    %convert_element_type3A_135 = arith.truncf %get3A_134 : vector<256x1024xf32> to vector<256x1024xbf16>
    %get3A_136 = arith.constant 0 : index
    %get3A_137 = arith.constant 0 : index
    %get3A_138 = arith.constant 0 : index
    %get3A_139 = vector.load %arg11[%get3A_136, %get3A_137, %get3A_138] : memref<1x256x1024xf32, #tpu.memory_space<vmem>>, vector<1x256x1024xf32>
    %get3A_140 = vector.shape_cast %get3A_139 : vector<1x256x1024xf32> to vector<256x1024xf32>
    %convert_element_type3A_141 = arith.truncf %get3A_140 : vector<256x1024xf32> to vector<256x1024xbf16>
    %transpose3A_142 = tpu.transpose %convert_element_type3A_135, [1, 0] : vector<256x1024xbf16> -> vector<1024x256xbf16>
    %dot_general3A_143 = arith.constant dense<0.000000e+00> : vector<128x256xf32>
    %dot_general3A_144 = tpu.matmul %convert_element_type3A_6, %transpose3A_142, %dot_general3A_143 {dimension_numbers = #tpu.dot_dimension_numbers<[1], [0], [0], [1], [0, 0, 1, 1], [], []>, transpose_lhs_hint = false} : vector<128x1024xbf16>, vector<1024x256xbf16>, vector<128x256xf32> -> vector<128x256xf32>
    %transpose3A_145 = tpu.transpose %convert_element_type3A_141, [1, 0] : vector<256x1024xbf16> -> vector<1024x256xbf16>
    %dot_general3A_146 = arith.constant dense<0.000000e+00> : vector<128x256xf32>
    %dot_general3A_147 = tpu.matmul %convert_element_type3A_6, %transpose3A_145, %dot_general3A_146 {dimension_numbers = #tpu.dot_dimension_numbers<[1], [0], [0], [1], [0, 0, 1, 1], [], []>, transpose_lhs_hint = false} : vector<128x1024xbf16>, vector<1024x256xbf16>, vector<128x256xf32> -> vector<128x256xf32>
    %logistic3A_148 = arith.negf %dot_general3A_144 : vector<128x256xf32>
    %logistic3A_149 = math.exp %logistic3A_148 : vector<128x256xf32>
    %logistic3A_150 = arith.constant 1.000000e+00 : f32
    %logistic3A_151 = vector.broadcast %logistic3A_150 : f32 to vector<128x256xf32>
    %logistic3A_152 = arith.addf %logistic3A_151, %logistic3A_149 : vector<128x256xf32>
    %logistic3A_153 = arith.divf %logistic3A_151, %logistic3A_152 : vector<128x256xf32>
    %mul3A_154 = arith.mulf %dot_general3A_144, %logistic3A_153 : vector<128x256xf32>
    %mul3A_155 = arith.mulf %mul3A_154, %dot_general3A_147 : vector<128x256xf32>
    %mul3A_156 = vector.broadcast %dot_general3A_14 : vector<128x1xf32> to vector<128x256xf32>
    %mul3A_157 = arith.mulf %mul3A_155, %mul3A_156 : vector<128x256xf32>
    %convert_element_type3A_158 = arith.truncf %mul3A_157 : vector<128x256xf32> to vector<128x256xbf16>
    %get3A_159 = arith.constant 0 : index
    %get3A_160 = arith.constant 0 : index
    %get3A_161 = arith.constant 0 : index
    %get3A_162 = vector.load %arg15[%get3A_159, %get3A_160, %get3A_161] : memref<1x1024x256xf32, #tpu.memory_space<vmem>>, vector<1x1024x256xf32>
    %get3A_163 = vector.shape_cast %get3A_162 : vector<1x1024x256xf32> to vector<1024x256xf32>
    %convert_element_type3A_164 = arith.truncf %get3A_163 : vector<1024x256xf32> to vector<1024x256xbf16>
    %transpose3A_165 = tpu.transpose %convert_element_type3A_164, [1, 0] : vector<1024x256xbf16> -> vector<256x1024xbf16>
    %dot_general3A_166 = arith.constant dense<0.000000e+00> : vector<128x1024xf32>
    %dot_general3A_167 = tpu.matmul %convert_element_type3A_158, %transpose3A_165, %dot_general3A_166 {dimension_numbers = #tpu.dot_dimension_numbers<[1], [0], [0], [1], [0, 0, 1, 1], [], []>, transpose_lhs_hint = false} : vector<128x256xbf16>, vector<256x1024xbf16>, vector<128x1024xf32> -> vector<128x1024xf32>
    %add3A_168 = arith.addf %add3A_129, %dot_general3A_167 : vector<128x1024xf32>
    %add3A_169 = arith.addf %get3A_17, %add3A_168 : vector<128x1024xf32>
    %swap3A = arith.constant 0 : index
    %swap3A_170 = arith.constant 0 : index
    %swap3A_171 = vector.load %arg16[%swap3A, %swap3A_170] : memref<128x1024xf32, #tpu.memory_space<vmem>>, vector<128x1024xf32>
    tpu.vector_store %arg16[%swap3A, %swap3A_170], %add3A_169 {strides = array<i32>} : memref<128x1024xf32, #tpu.memory_space<vmem>>, vector<128x1024xf32>,
    return
  }
  func.func @transform_0(%arg0: i32, %arg1: i32) -> (i32, i32) {
    %c0_i32 = arith.constant 0 : i32
    %c0_i32_0 = arith.constant 0 : i32
    %c0_i32_1 = arith.constant 0 : i32
    return %c0_i32, %c0_i32_0 : i32, i32
  }
  func.func @transform_1(%arg0: i32, %arg1: i32) -> (i32, i32) {
    %c0_i32 = arith.constant 0 : i32
    %c0_i32_0 = arith.constant 0 : i32
    %c0_i32_1 = arith.constant 0 : i32
    return %c0_i32, %c0_i32_0 : i32, i32
  }
  func.func @transform_2(%arg0: i32, %arg1: i32) -> (i32, i32, i32) {
    %mul3A = arith.constant 4 : i32
    %mul3A_0 = arith.muli %mul3A, %arg1 : i32
    %add3A = arith.constant 0 : i32
    %add3A_1 = arith.addi %mul3A_0, %add3A : i32
    %c0_i32 = arith.constant 0 : i32
    %c0_i32_2 = arith.constant 0 : i32
    return %arg0, %add3A_1, %c0_i32 : i32, i32, i32
  }
  func.func @transform_3(%arg0: i32, %arg1: i32) -> (i32, i32, i32) {
    %mul3A = arith.constant 4 : i32
    %mul3A_0 = arith.muli %mul3A, %arg1 : i32
    %add3A = arith.constant 1 : i32
    %add3A_1 = arith.addi %mul3A_0, %add3A : i32
    %c0_i32 = arith.constant 0 : i32
    %c0_i32_2 = arith.constant 0 : i32
    return %arg0, %add3A_1, %c0_i32 : i32, i32, i32
  }
  func.func @transform_4(%arg0: i32, %arg1: i32) -> (i32, i32, i32) {
    %mul3A = arith.constant 4 : i32
    %mul3A_0 = arith.muli %mul3A, %arg1 : i32
    %add3A = arith.constant 2 : i32
    %add3A_1 = arith.addi %mul3A_0, %add3A : i32
    %c0_i32 = arith.constant 0 : i32
    %c0_i32_2 = arith.constant 0 : i32
    return %arg0, %add3A_1, %c0_i32 : i32, i32, i32
  }
  func.func @transform_5(%arg0: i32, %arg1: i32) -> (i32, i32, i32) {
    %mul3A = arith.constant 4 : i32
    %mul3A_0 = arith.muli %mul3A, %arg1 : i32
    %add3A = arith.constant 3 : i32
    %add3A_1 = arith.addi %mul3A_0, %add3A : i32
    %c0_i32 = arith.constant 0 : i32
    %c0_i32_2 = arith.constant 0 : i32
    return %arg0, %add3A_1, %c0_i32 : i32, i32, i32
  }
  func.func @transform_6(%arg0: i32, %arg1: i32) -> (i32, i32, i32) {
    %mul3A = arith.constant 4 : i32
    %mul3A_0 = arith.muli %mul3A, %arg1 : i32
    %add3A = arith.constant 0 : i32
    %add3A_1 = arith.addi %mul3A_0, %add3A : i32
    %c0_i32 = arith.constant 0 : i32
    %c0_i32_2 = arith.constant 0 : i32
    return %arg0, %add3A_1, %c0_i32 : i32, i32, i32
  }
  func.func @transform_7(%arg0: i32, %arg1: i32) -> (i32, i32, i32) {
    %mul3A = arith.constant 4 : i32
    %mul3A_0 = arith.muli %mul3A, %arg1 : i32
    %add3A = arith.constant 1 : i32
    %add3A_1 = arith.addi %mul3A_0, %add3A : i32
    %c0_i32 = arith.constant 0 : i32
    %c0_i32_2 = arith.constant 0 : i32
    return %arg0, %add3A_1, %c0_i32 : i32, i32, i32
  }
  func.func @transform_8(%arg0: i32, %arg1: i32) -> (i32, i32, i32) {
    %mul3A = arith.constant 4 : i32
    %mul3A_0 = arith.muli %mul3A, %arg1 : i32
    %add3A = arith.constant 2 : i32
    %add3A_1 = arith.addi %mul3A_0, %add3A : i32
    %c0_i32 = arith.constant 0 : i32
    %c0_i32_2 = arith.constant 0 : i32
    return %arg0, %add3A_1, %c0_i32 : i32, i32, i32
  }
  func.func @transform_9(%arg0: i32, %arg1: i32) -> (i32, i32, i32) {
    %mul3A = arith.constant 4 : i32
    %mul3A_0 = arith.muli %mul3A, %arg1 : i32
    %add3A = arith.constant 3 : i32
    %add3A_1 = arith.addi %mul3A_0, %add3A : i32
    %c0_i32 = arith.constant 0 : i32
    %c0_i32_2 = arith.constant 0 : i32
    return %arg0, %add3A_1, %c0_i32 : i32, i32, i32
  }
  func.func @transform_10(%arg0: i32, %arg1: i32) -> (i32, i32, i32) {
    %mul3A = arith.constant 4 : i32
    %mul3A_0 = arith.muli %mul3A, %arg1 : i32
    %add3A = arith.constant 0 : i32
    %add3A_1 = arith.addi %mul3A_0, %add3A : i32
    %c0_i32 = arith.constant 0 : i32
    %c0_i32_2 = arith.constant 0 : i32
    return %arg0, %c0_i32, %add3A_1 : i32, i32, i32
  }
  func.func @transform_11(%arg0: i32, %arg1: i32) -> (i32, i32, i32) {
    %mul3A = arith.constant 4 : i32
    %mul3A_0 = arith.muli %mul3A, %arg1 : i32
    %add3A = arith.constant 1 : i32
    %add3A_1 = arith.addi %mul3A_0, %add3A : i32
    %c0_i32 = arith.constant 0 : i32
    %c0_i32_2 = arith.constant 0 : i32
    return %arg0, %c0_i32, %add3A_1 : i32, i32, i32
  }
  func.func @transform_12(%arg0: i32, %arg1: i32) -> (i32, i32, i32) {
    %mul3A = arith.constant 4 : i32
    %mul3A_0 = arith.muli %mul3A, %arg1 : i32
    %add3A = arith.constant 2 : i32
    %add3A_1 = arith.addi %mul3A_0, %add3A : i32
    %c0_i32 = arith.constant 0 : i32
    %c0_i32_2 = arith.constant 0 : i32
    return %arg0, %c0_i32, %add3A_1 : i32, i32, i32
  }
  func.func @transform_13(%arg0: i32, %arg1: i32) -> (i32, i32, i32) {
    %mul3A = arith.constant 4 : i32
    %mul3A_0 = arith.muli %mul3A, %arg1 : i32
    %add3A = arith.constant 3 : i32
    %add3A_1 = arith.addi %mul3A_0, %add3A : i32
    %c0_i32 = arith.constant 0 : i32
    %c0_i32_2 = arith.constant 0 : i32
    return %arg0, %c0_i32, %add3A_1 : i32, i32, i32
  }
  func.func @transform_14(%arg0: i32, %arg1: i32) -> (i32, i32) {
    %c0_i32 = arith.constant 0 : i32
    %c0_i32_0 = arith.constant 0 : i32
    %c0_i32_1 = arith.constant 0 : i32
    return %c0_i32, %c0_i32_0 : i32, i32
  }
}

</mosaic_0001>

<sc_bundles>
// kernel: kernel.5.cloned.1.call-start
scs
__scs_entry_jumppad:
0x0: {  	(pc) =	sbr.rel $0x88, $3  }
0x1: {  	(tag) =	ssettag $0x0;
	lr =	simm.s32 $0x1  }
0x2: {  	[smem:$0x3F9C] =	sst lr;
	_ =	strace $0xD0000000  }
0x3: {  	_ = 	snop  }
0x4: {  	_ = 	snop  }
0x5: {  	_ = 	snop  }
0x6: {  	_ = 	snop  }
0x7: {  	_ = 	snop  }
__scs_overlays_trampoline_lowered:
0x8: {  	[smem:$0x3FAB] =	sst s0  }
0x9: {  	[smem:$0x3FAC] =	sst s1  }
0xa: {  	[smem:$0x3FAD] =	sst s2  }
0xb: {  	[smem:$0x3FAE] =	sst s3  }
0xc: {  	[smem:$0x3FAF] =	sst s4  }
0xd: {  	[smem:$0x3FB0] =	sst s5  }
0xe: {  	[smem:$0x3FB1] =	sst s6  }
0xf: {  	[smem:$0x3FB2] =	sst s7  }
0x10: {  	[smem:$0x3FB3] =	sst s8  }
0x11: {  	[smem:$0x3FB4] =	sst s9;
	s0 =	simm.s32 @!p0 $0x0  }
0x12: {  	s1 =	sld [smem:$0x3F9A];
	s0 =	simm.s32 @p0 $0x1  }
0x13: {  	[smem:$0x3FB5] =	sst s0;
	s0 =	simm.s32 @!p1 $0x0  }
0x14: {  	s2 =	sld [smem:$0x3F99];
	s0 =	simm.s32 @p1 $0x1  }
0x15: {  	[smem:$0x3FB6] =	sst s0;
	s0 =	simm.s32 @!p2 $0x0  }
0x16: {  	s3 =	sld [smem:$0x3FDB];
	s0 =	simm.s32 @p2 $0x1  }
0x17: {  	s4 =	simm.s32 $0x1BF5;
	[smem:$0x3FB8] =	sst s0  }
0x18: {  	s0 =	sld [smem:$0x3F9B];
	_ =	swait.ge [sflag:s4], $0x0  }
0x19: {  	s7 =	sld [smem:$0x3F9C]  }
0x1a: {  	s8 =	sadd.s32 $0xFFFFE003, lr  }
0x1b: {  	s9 =	sadd.s32 $0xFFFFFEF7, lr;
	s5 =	simm.s32 $0xFFFFFFFF;
	p2 =	slt.u32 s8, $0xFFFFF086  }
0x1c: {  	p1 =	slt.u32 s9, $0xF7A;
	s5 =	simm.s32 @!p2 $0x0  }
0x1d: {  	s5 =	simm.s32 @p1 $0x1;
	p0 =	seq.s32 s7, s2  }
0x1e: {  	s7 =	smul.u32 @!p0 $0xF7A, s2;
	p2 =	seq.s32 @!p0 s5, $0x0  }
0x1f: {  	s9 =	smul.u32 $0xF7A, s1;
	s8 =	simm.s32 @!p0 $0x1BF5;
	p2 =	por !p2, p0  }
0x20: {  	[sflag:s8] =	ssyncset.s32 @!p0 $0xFFFFF086;
	s6 =	sadd.s32 @!p0 s3, s7;
	s7 =	simm.s32 @!p0 $0x108  }
0x21: {  	s3 =	sadd.s32 s3, s9;
	s6 =	sadd.s32 @!p0 $0x88, s6;
	s7 =	simm.s32 @p2 $0x1082  }
0x22: {  	[simem:s7], [sflag:s8] =	dma.local @!p0 [hbm:s6], $0xF7A  }
0x23: {  	s9 =	sor.u32 $0xD0000000, s2;
	s6 =	simm.s32 $0x108;
	_ =	swait.ge @!p0 [sflag:s8], $0x0  }
0x24: {  	s3 =	sadd.s32 $0x88, s3;
	s6 =	simm.s32 @!p1 $0x1082;
	[sflag:s4] =	ssyncset.s32 $0xFFFFF086  }
0x25: {  	[simem:s6], [sflag:s4] =	dma.local [hbm:s3], $0xF7A  }
0x26: {  	[smem:$0x3F9C] =	sst s1;
	(tag) =	ssettag s2;
	_ =	strace s9  }
0x27: {  	s1 =	sld [smem:$0x3FAC]  }
0x28: {  	s2 =	sld [smem:$0x3FAD]  }
0x29: {  	s4 =	sld [smem:$0x3FAF]  }
0x2a: {  	p0 =	seq.s32 s5, $0x0;
	s5 =	sld [smem:$0x3FB0]  }
0x2b: {  	s6 =	sld [smem:$0x3FB1]  }
0x2c: {  	s7 =	sld [smem:$0x3FB2]  }
0x2d: {  	s3 =	simm.s32 $0x108;
	s8 =	sld [smem:$0x3FB3]  }
0x2e: {  	s3 =	simm.s32 @!p0 $0x1082;
	s9 =	sld [smem:$0x3FB4]  }
0x2f: {  	lr =	sadd.s32 s0, s3;
	s0 =	sld [smem:$0x3FAB]  }
0x30: {  	s3 =	sld [smem:$0x3FAE]  }
0x31: {  	[smem:$0x3FB7] =	sst s10  }
0x32: {  	s10 =	sld [smem:$0x3FB5];
	_ =	sdelay $0x3  }
0x33: {  	p0 =	seq.s32 s10, $0x1;
	s10 =	sld [smem:$0x3FB7];
	_ =	sdelay $0x3  }
0x34: {  	[smem:$0x3FB7] =	sst s10  }
0x35: {  	s10 =	sld [smem:$0x3FB6];
	_ =	sdelay $0x3  }
0x36: {  	p1 =	seq.s32 s10, $0x1;
	s10 =	sld [smem:$0x3FB7];
	_ =	sdelay $0x3  }
0x37: {  	[smem:$0x3FB7] =	sst s10  }
0x38: {  	s10 =	sld [smem:$0x3FB8]  }
0x39: {  	_ = 	snop;
	(pc) =	sbr.ind lr, $3  }
0x3a: {  	_ = 	snop  }
0x3b: {  	_ = 	snop  }
0x3c: {  	p2 =	seq.s32 s10, $0x1;
	s10 =	sld [smem:$0x3FB7]  }
0x3d: {  	_ =	shalt  }
0x3e: {  	_ =	shalt  }
0x3f: {  	_ =	shalt  }
0x40: {  	_ =	shalt  }
0x41: {  	_ =	shalt  }
0x42: {  	_ =	shalt  }
0x43: {  	_ =	shalt  }
0x44: {  	_ =	shalt  }
0x45: {  	_ =	shalt  }
0x46: {  	_ =	shalt  }
0x47: {  	_ =	shalt  }
0x48: {  	_ =	shalt  }
0x49: {  	_ =	shalt  }
0x4a: {  	_ =	shalt  }
0x4b: {  	_ =	shalt  }
0x4c: {  	_ =	shalt  }
0x4d: {  	_ =	shalt  }
0x4e: {  	_ =	shalt  }
0x4f: {  	_ =	shalt  }
0x50: {  	_ =	shalt  }
0x51: {  	_ =	shalt  }
0x52: {  	_ =	shalt  }
0x53: {  	_ =	shalt  }
0x54: {  	_ =	shalt  }
0x55: {  	_ =	shalt  }
0x56: {  	_ =	shalt  }
0x57: {  	_ =	shalt  }
0x58: {  	_ =	shalt  }
0x59: {  	_ =	shalt  }
0x5a: {  	_ =	shalt  }
0x5b: {  	_ =	shalt  }
0x5c: {  	_ =	shalt  }
0x5d: {  	_ =	shalt  }
0x5e: {  	_ =	shalt  }
0x5f: {  	_ =	shalt  }
0x60: {  	_ =	shalt  }
0x61: {  	_ =	shalt  }
0x62: {  	_ =	shalt  }
0x63: {  	_ =	shalt  }
0x64: {  	_ =	shalt  }
0x65: {  	_ =	shalt  }
0x66: {  	_ =	shalt  }
0x67: {  	_ =	shalt  }
0x68: {  	_ =	shalt  }
0x69: {  	_ =	shalt  }
0x6a: {  	_ =	shalt  }
0x6b: {  	_ =	shalt  }
0x6c: {  	_ =	shalt  }
0x6d: {  	_ =	shalt  }
0x6e: {  	_ =	shalt  }
0x6f: {  	_ =	shalt  }
0x70: {  	_ =	shalt  }
0x71: {  	_ =	shalt  }
0x72: {  	_ =	shalt  }
0x73: {  	_ =	shalt  }
0x74: {  	_ =	shalt  }
0x75: {  	_ =	shalt  }
0x76: {  	_ =	shalt  }
0x77: {  	_ =	shalt  }
0x78: {  	_ =	shalt  }
0x79: {  	_ =	shalt  }
0x7a: {  	_ =	shalt  }
0x7b: {  	_ =	shalt  }
0x7c: {  	_ =	shalt  }
0x7d: {  	_ =	shalt  }
0x7e: {  	_ =	shalt  }
0x7f: {  	_ =	shalt  }
0x80: {  	_ =	shalt  }
0x81: {  	_ =	shalt  }
0x82: {  	_ =	shalt  }
0x83: {  	_ =	shalt  }
0x84: {  	_ =	shalt  }
0x85: {  	_ =	shalt  }
0x86: {  	_ =	shalt  }
0x87: {  	_ =	shalt  }
.Lfunc_end0:
.L_simem_size_0:
called_computation_lowered:
.L_overlay_start_0:
0x88: {  	s2 =	sld [smem:$0x3FD9]  }
0x89: {  	s3 =	sld [smem:$0x3FFE];
	_ =	sdelay $0x1  }
0x8a: {  	s1 =	srdreg.scid  }
0x8b: {  	s0 =	sand.u32 $0x1, s1  }
0x8c: {  	s17 =	sshll.u32 s0, $0xA;
	s2 =	sadd.s32 s3, s2  }
0x8d: {  	s2 =	sadd.s32 s2, s17  }
0x8e: {  	[smem:$0x3FC3] =	sst s2  }
0x8f: {  	_ = 	snop  }
0x90: {  	s2 =	sld [smem:$0x3FD0];
	(tm) =	ssettm $0x1  }
0x91: {  	s18 =	sld [smem:$0x3FFB];
	_ =	sdelay $0x3  }
0x92: {  	_ =	strace s18  }
0x93: {  	s3 =	sld [smem:$0x3FFC];
	_ =	sdelay $0x3  }
0x94: {  	_ =	strace s3  }
0x95: {  	s3 =	sld [smem:$0x3FFD];
	_ =	sdelay $0x3  }
0x96: {  	_ =	strace s3  }
0x97: {  	_ =	strace $0x8FFFFFFF  }
0x98: {  	s19 =	sld [smem:$0x3FDB];
	_ =	sdelay $0x1  }
0x99: {  	s4 =	simm.s32 $_scs_section_size  }
0x9a: {  	s5 =	simm.s32 $_size__tile_overlayer_lowered;
	s6 =	simm.s32 $_tile_overlayer_lowered  }
0x9b: {  	s22 =	simm.s32 $0x1BFF;
	s21 =	sshll.u32 s6, $0x1;
	s3 =	sadd.s32 s4, s19  }
0x9c: {  	s7 =	simm.s32 $0x0;
	s20 =	sshll.u32 s5, $0x1;
	s5 =	sadd.s32 s21, s3  }
0x9d: {  	[timem:s7], [sflag:s22] =	dma.local [hbm:s5], s20  }
0x9e: {  	_ =	swait.ge [sflag:s22], s20  }
0x9f: {  	s4 =	ssub.s32 $0x0, s20;
	[sflag:s22] =	ssyncset.done $0x0  }
0xa0: {  	[sflag:s22] =	ssyncadd.s32 s4;
	_ =	sdelay $0x1  }
0xa1: {  	s23 =	simm.s32 $0x1B8B  }
0xa2: {  	_ =	swait.ge [sflag:s23], $0x1  }
0xa3: {  	[sflag:s23] =	ssyncset.done $0x0  }
0xa4: {  	s25 =	simm.s32 $0x1B8E;
	s24 =	sld [smem:$0x3FFE];
	[sflag:s23] =	ssyncadd.s32 $0xFFFFFFFF  }
0xa5: {  	s26 =	simm.s32 $execute0_lowered;
	[smem:$0x3FD2] =	sst s25  }
0xa6: {  	s5 =	sshll.u32 s26, $0x1;
	_ =	strace $0x80000046;
	[dreg:$0x1] =	wrdreg $0xFFFFFFFF  }
0xa7: {  	s28 =	simm.s32 $_size_execute0_lowered;
	s3 =	sadd.s32 s3, s5;
	[dreg:$0x0] =	wrdreg $0x0  }
0xa8: {  	s5 =	sshll.u32 s28, $0x1;
	[dreg:$0x2] =	wrdreg s3  }
0xa9: {  	[dreg:$0x3] =	wrdreg s5  }
0xaa: {  	[dreg:$0x4] =	wrdreg $0xC0  }
0xab: {  	_ =	task [dreg:s7], $0x5FFFF  }
0xac: {  	[dreg:$0x1] =	wrdreg $0xFFFFFFFF  }
0xad: {  	[dreg:$0x0] =	wrdreg $0x60  }
0xae: {  	[dreg:$0x2] =	wrdreg s2  }
0xaf: {  	[dreg:$0x3] =	wrdreg s24  }
0xb0: {  	[dreg:$0x4] =	wrdreg $0x9  }
0xb1: {  	_ =	task.clear_ibuf [dreg:s7], $0x5FFFF;
	_ =	strace $0x90000046  }
0xb2: {  	s29 =	simm.s32 $0x9;
	_ =	strace $0x80000048  }
0xb3: {  	_ =	swait.ge [sflag:s29], $0x1  }
0xb4: {  	[sflag:s29] =	ssyncadd.s32 $0xFFFFFFFF  }
0xb5: {  	_ =	strace $0x90000048  }
0xb6: {  	_ =	sfence  }
0xb7: {  	s30 =	sld [smem:$0x0];
	_ =	sdelay $0x2  }
0xb8: {  	s31 =	sshll.u32 s1, $0xD;
	s1 =	sshrl.u32 s1, $0x2  }
0xb9: {  	s3 =	sand.u32 $0x4000, s31;
	s1 =	sadd.s32 s1, s30  }
0xba: {  	s0 =	sor.u32 s3, s0;
	s1 =	sshll.u32 s1, $0x11  }
0xbb: {  	s0 =	sor.u32 s1, s0  }
0xbc: {  	s0 =	sadd.s32 $0x8F2B, s0  }
0xbd: {  	[sflag:s0] =	ssyncadd.remote.s32 $0x1  }
0xbe: {  	_ =	sfence.sel $0xFFFF  }
0xbf: {  	[dreg:$0x0] =	wrdreg $0xFFFFFFFF;
	(pc) =	sbr.abs _section_cstart, $3  }
0xc0: {  	[dreg:$0x1] =	wrdreg $0xFFFFFFFF  }
0xc1: {  	_ =	task.clear_ibuf [dreg:s7], $0x2FFFF;
	_ =	strace $0x9FFFFFFF  }
0xc2: {  	(tm) =	ssettm $0x7FFFFFFF  }
0xc3: {  	_ =	shalt  }
tec
execute0_lowered:
.L_overlay_start_1:
0x0: {  	(tag) =	ssettag $0x1  }
0x1: {  	s0 =	srdreg.scid  }
0x2: {  	s4 =	sand.u32 $0x1, s0;
	s0 =	stileid.u32  }
0x3: {  	s5 =	sshll.u32 s0, $0x1;
	s6 =	ssub.s32 $0x0, s4  }
0x4: {  	p0 =	sne.s32 s5, s6  }
.Ltmp0:
0x5: {  	_ = 	snop;
	(pc) =	sbr.rel @p0 .LBB2_3-.Ltmp0, $4  }
0x6: {  	_ = 	snop  }
0x7: {  	s2 =	rddreg [dreg:$0x0]  }
0x8: {  	s3 =	rddreg [dreg:$0x1]  }
0x9: {  	s1 =	rddreg [dreg:$0x2];
	_ =	strace $0x80000047  }
0xa: {  	s4 =	ssub.s32 $0x2, s4  }
0xb: {  	s5 =	sshrl.u32 s4, $0x1  }
0xc: {  	s3 =	sadd.s32 $0xA00, s3;
	s6 =	simm.s32 $0x1;
	s4 =	ssub.s32 s4, s5  }
0xd: {  	v43 =	vimm.f32 $0.0e+00;
	s7 =	simm.s32 $0x400;
	s5 =	simm.s32 $0x0;
	s4 =	smax.u32 s4, $0x1  }
.LBB2_2:
0xe: {  	[tilespmem:s5], [sflag:$0x1] =	stream.linear.gather [hbm4b:s2+s5], $0x400, $0x38;
	[tilespmem:$0x800] =	vst v63  }
0xf: {  	_ =	swait.ge [sflag:s6], $0x400  }
0x10: {  	[sflag:s6] =	ssyncset.done $0x0  }
0x11: {  	[sflag:s6] =	ssyncadd.s32 $0xFFFFFC00  }
0x12: {  	v1 =	vld [tilespmem:$0x0]  }
0x13: {  	v2 =	vld [tilespmem:$0x80]  }
0x14: {  	v3 =	vld [tilespmem:$0x100]  }
0x15: {  	v4 =	vld [tilespmem:$0x180]  }
0x16: {  	v5 =	vld [tilespmem:$0x200]  }
0x17: {  	v6 =	vld [tilespmem:$0x280]  }
0x18: {  	v7 =	vld [tilespmem:$0x300];
	v8 =	vmax.f32 v1, v2  }
0x19: {  	v9 =	vld [tilespmem:$0x380];
	v8 =	vmax.f32 v8, v3  }
0x1a: {  	v8 =	vmax.f32 v8, v4  }
0x1b: {  	v8 =	vmax.f32 v8, v5  }
0x1c: {  	v8 =	vmax.f32 v8, v6  }
0x1d: {  	v8 =	vmax.f32 v8, v7  }
0x1e: {  	v8 =	vmax.f32 v8, v9  }
0x1f: {  	v1 =	vsub.f32 v1, v8  }
0x20: {  	v2 =	vsub.f32 v2, v8  }
0x21: {  	v3 =	vsub.f32 v3, v8;
	v1 =	vmul.f32 $1.442695020e+00, v1  }
0x22: {  	v4 =	vsub.f32 v4, v8;
	v2 =	vmul.f32 $1.442695020e+00, v2  }
0x23: {  	v52 =	vsub.f32 v5, v8;
	v51 =	vmul.f32 $1.442695020e+00, v3;
	(erf) = vpow2.f32 v1  }
0x24: {  	v54 =	vsub.f32 v6, v8;
	v53 =	vmul.f32 $1.442695020e+00, v4;
	(erf) = vpow2.f32 v2  }
0x25: {  	v56 =	vsub.f32 v7, v8;
	v55 =	vmul.f32 $1.442695020e+00, v52;
	(erf) = vpow2.f32 v51  }
0x26: {  	v58 =	vsub.f32 v9, v8;
	v57 =	vmul.f32 $1.442695020e+00, v54;
	(erf) = vpow2.f32 v53  }
0x27: {  	v59 =	vmul.f32 $1.442695020e+00, v56;
	(erf) = vpow2.f32 v55  }
0x28: {  	v60 =	vmul.f32 $1.442695020e+00, v58;
	(erf) = vpow2.f32 v57  }
0x29: {  	(erf) = vpow2.f32 v59  }
0x2a: {  	(erf) = vpow2.f32 v60;
	_ =	sdelay $0x1  }
0x2b: {  	v61 =	vpop (erf)  }
0x2c: {  	v62 =	vpop (erf)  }
0x2d: {  	v63 =	vpop (erf);
	v21 =	vmax.f32 v61, v62  }
0x2e: {  	v22 =	vpop (erf);
	v4 =	vmax.f32 v21, v63  }
0x2f: {  	v23 =	vpop (erf);
	v4 =	vmax.f32 v4, v22  }
0x30: {  	v28 =	vpop (erf);
	v4 =	vmax.f32 v4, v23  }
0x31: {  	v29 =	vpop (erf);
	v4 =	vmax.f32 v4, v28  }
0x32: {  	v30 =	vpop (erf);
	v4 =	vmax.f32 v4, v29  }
0x33: {  	v34 =	vmax.f32 v4, v30  }
0x34: {  	vm0 =	veq.f32 v61, v34  }
0x35: {  	v26 =	vsel vm0, $0x3F800000, v43  }
0x36: {  	vm11 =	veq.f32 v62, v34;
	v31 =	vsub.f32 $1.000000000e+00, v26  }
0x37: {  	v10 =	vsel vm11, $0x3F800000, v43  }
0x38: {  	v52 =	vmul.f32 v31, v10;
	_ =	sdelay $0x1  }
0x39: {  	v4 =	vadd.f32 v52, v26;
	_ =	sdelay $0x1  }
0x3a: {  	vm12 =	veq.f32 v63, v34;
	v32 =	vsub.f32 $1.000000000e+00, v4  }
0x3b: {  	v11 =	vsel vm12, $0x3F800000, v43  }
0x3c: {  	v12 =	vmul.f32 v32, v11;
	_ =	sdelay $0x1  }
0x3d: {  	v4 =	vadd.f32 v12, v4;
	_ =	sdelay $0x1  }
0x3e: {  	vm13 =	veq.f32 v22, v34;
	v33 =	vsub.f32 $1.000000000e+00, v4  }
0x3f: {  	v35 =	vsel vm13, $0x3F800000, v43  }
0x40: {  	v15 =	vmul.f32 v33, v35;
	_ =	sdelay $0x1  }
0x41: {  	v4 =	vadd.f32 v15, v4;
	_ =	sdelay $0x1  }
0x42: {  	vm14 =	veq.f32 v23, v34;
	v36 =	vsub.f32 $1.000000000e+00, v4  }
0x43: {  	v37 =	vsel vm14, $0x3F800000, v43  }
0x44: {  	v0 =	vmul.f32 v36, v37;
	_ =	sdelay $0x1  }
0x45: {  	v4 =	vadd.f32 v0, v4;
	_ =	sdelay $0x1  }
0x46: {  	vm15 =	veq.f32 v28, v34;
	v38 =	vsub.f32 $1.000000000e+00, v4  }
0x47: {  	v39 =	vsel vm15, $0x3F800000, v43  }
0x48: {  	v13 =	vld [tilespmem:$0x10];
	v56 =	vmul.f32 v38, v39  }
0x49: {  	v14 =	vld [tilespmem:$0x90]  }
0x4a: {  	v45 =	vld [tilespmem:$0x110];
	v4 =	vadd.f32 v56, v4  }
0x4b: {  	v47 =	vld [tilespmem:$0x190]  }
0x4c: {  	v16 =	vld [tilespmem:$0x210];
	vm4 =	veq.f32 v29, v34;
	v40 =	vsub.f32 $1.000000000e+00, v4  }
0x4d: {  	v41 =	vsel vm4, $0x3F800000, v43;
	v42 =	vadd.f32 v26, v26  }
0x4e: {  	v60 =	vmax.f32 v13, v14;
	v19 =	vmul.f32 v40, v41  }
0x4f: {  	v5 =	vmax.f32 v60, v45;
	v18 =	vsub.f32 v61, v42;
	v46 =	vadd.f32 v12, v12  }
0x50: {  	v5 =	vmax.f32 v5, v47;
	v44 =	vadd.f32 v52, v52;
	v4 =	vadd.f32 v19, v4  }
0x51: {  	v5 =	vmax.f32 v5, v16;
	v11 =	vsub.f32 v63, v46;
	v49 =	vadd.f32 v15, v15  }
0x52: {  	v54 =	vld [tilespmem:$0x290];
	vm5 =	veq.f32 v30, v34;
	v38 =	vsub.f32 v62, v44;
	v4 =	vsub.f32 $1.000000000e+00, v4  }
0x53: {  	v55 =	vld [tilespmem:$0x310];
	v48 =	vsel vm5, $0x3F800000, v43;
	v50 =	vadd.f32 v0, v0;
	v39 =	vsub.f32 v22, v49  }
0x54: {  	v63 =	vld [tilespmem:$0x390];
	v53 =	vadd.f32 v56, v56;
	v62 =	vmax.f32 v18, v38;
	v51 =	vmul.f32 v4, v48  }
0x55: {  	v17 =	vsub.f32 v23, v50;
	v2 =	vmax.f32 v62, v11;
	v20 =	vadd.f32 v19, v19  }
0x56: {  	v61 =	vsub.f32 v28, v53;
	v2 =	vmax.f32 v2, v39;
	v21 =	vadd.f32 v51, v51  }
0x57: {  	v5 =	vmax.f32 v5, v54;
	v2 =	vmax.f32 v2, v17;
	v22 =	vsub.f32 v29, v20  }
0x58: {  	v5 =	vmax.f32 v5, v55;
	v2 =	vmax.f32 v2, v61;
	v48 =	vsub.f32 v30, v21  }
0x59: {  	v5 =	vmax.f32 v5, v63;
	v2 =	vmax.f32 v2, v22  }
0x5a: {  	v23 =	vsub.f32 v13, v5;
	v57 =	vmax.f32 v2, v48  }
0x5b: {  	v25 =	vsub.f32 v14, v5;
	v24 =	vadd.f32 v57, v34  }
0x5c: {  	v1 =	vsub.f32 v45, v5;
	v2 =	vmul.f32 $1.442695020e+00, v23  }
0x5d: {  	v27 =	vmul.f32 $1.442695020e+00, v25;
	v28 =	vsub.f32 v47, v5;
	(erf) = vrcp.f32 v24  }
0x5e: {  	v1 =	vmul.f32 $1.442695020e+00, v1;
	v29 =	vsub.f32 v16, v5;
	(erf) = vpow2.f32 v2  }
0x5f: {  	v3 =	vsub.f32 v54, v5;
	v30 =	vmul.f32 $1.442695020e+00, v28;
	(erf) = vpow2.f32 v27  }
0x60: {  	v32 =	vsub.f32 v55, v5;
	v31 =	vmul.f32 $1.442695020e+00, v29;
	(erf) = vpow2.f32 v1  }
0x61: {  	v33 =	vsub.f32 v63, v5;
	v3 =	vmul.f32 $1.442695020e+00, v3;
	(erf) = vpow2.f32 v30  }
0x62: {  	v35 =	vmul.f32 $1.442695020e+00, v32;
	(erf) = vpow2.f32 v31  }
0x63: {  	v36 =	vmul.f32 $1.442695020e+00, v33;
	(erf) = vpow2.f32 v3  }
0x64: {  	(erf) = vpow2.f32 v35  }
0x65: {  	(erf) = vpow2.f32 v36  }
0x66: {  	v37 =	vpop (erf)  }
0x67: {  	v40 =	vpop (erf)  }
0x68: {  	v41 =	vpop (erf)  }
0x69: {  	v3 =	vpop (erf);
	v42 =	vmax.f32 v40, v41  }
0x6a: {  	v6 =	vpop (erf);
	v4 =	vmax.f32 v42, v3  }
0x6b: {  	v7 =	vpop (erf);
	v4 =	vmax.f32 v4, v6  }
0x6c: {  	v8 =	vpop (erf);
	v4 =	vmax.f32 v4, v7  }
0x6d: {  	v9 =	vpop (erf);
	v4 =	vmax.f32 v4, v8  }
0x6e: {  	v13 =	vpop (erf);
	v4 =	vmax.f32 v4, v9  }
0x6f: {  	v25 =	vmax.f32 v4, v13  }
0x70: {  	vm6 =	veq.f32 v40, v25  }
0x71: {  	[tilespmem:$0x1F9A0] =	vst v22;
	v22 =	vsel vm6, $0x3F800000, v43  }
0x72: {  	vm7 =	veq.f32 v41, v25;
	v44 =	vsub.f32 $1.000000000e+00, v22  }
0x73: {  	v45 =	vsel vm7, $0x3F800000, v43  }
0x74: {  	v46 =	vmul.f32 v44, v45;
	_ =	sdelay $0x1  }
0x75: {  	v4 =	vadd.f32 v46, v22;
	_ =	sdelay $0x1  }
0x76: {  	vm8 =	veq.f32 v3, v25;
	v47 =	vsub.f32 $1.000000000e+00, v4  }
0x77: {  	v49 =	vsel vm8, $0x3F800000, v43  }
0x78: {  	v50 =	vmul.f32 v47, v49;
	_ =	sdelay $0x1  }
0x79: {  	v4 =	vadd.f32 v50, v4;
	_ =	sdelay $0x1  }
0x7a: {  	[tilespmem:$0x1FA40] =	vst v51;
	vm9 =	veq.f32 v6, v25;
	v51 =	vsub.f32 $1.000000000e+00, v4  }
0x7b: {  	v53 =	vsel vm9, $0x3F800000, v43  }
0x7c: {  	v54 =	vmul.f32 v51, v53;
	_ =	sdelay $0x1  }
0x7d: {  	v4 =	vadd.f32 v54, v4;
	_ =	sdelay $0x1  }
0x7e: {  	vm10 =	veq.f32 v7, v25;
	v55 =	vsub.f32 $1.000000000e+00, v4  }
0x7f: {  	v58 =	vsel vm10, $0x3F800000, v43  }
0x80: {  	v59 =	vmul.f32 v55, v58;
	_ =	sdelay $0x1  }
0x81: {  	v4 =	vadd.f32 v59, v4;
	_ =	sdelay $0x1  }
0x82: {  	vm11 =	veq.f32 v8, v25;
	v24 =	vsub.f32 $1.000000000e+00, v4  }
0x83: {  	v27 =	vsel vm11, $0x3F800000, v43  }
0x84: {  	v24 =	vmul.f32 v24, v27;
	_ =	sdelay $0x1  }
0x85: {  	v4 =	vadd.f32 v24, v4;
	_ =	sdelay $0x1  }
0x86: {  	vm12 =	veq.f32 v9, v25;
	v28 =	vsub.f32 $1.000000000e+00, v4  }
0x87: {  	[tilespmem:$0x1F9F0] =	vst v15;
	v32 =	vld [tilespmem:$0x20];
	v29 =	vsel vm12, $0x3F800000, v43;
	v31 =	vadd.f32 v22, v22;
	v15 =	vadd.f32 v46, v46  }
0x88: {  	v33 =	vld [tilespmem:$0xA0];
	[tilespmem:$0x1F980] =	vst v17;
	v36 =	vadd.f32 v50, v50;
	v30 =	vmul.f32 v28, v29  }
0x89: {  	[tilespmem:$0x1F990] =	vst v61;
	v35 =	vld [tilespmem:$0x120];
	v61 =	vsub.f32 v40, v31;
	v17 =	vsub.f32 v41, v15  }
0x8a: {  	[tilespmem:$0x1F9B0] =	vst v37;
	v37 =	vld [tilespmem:$0x1A0];
	vm13 =	veq.f32 v13, v25;
	v44 =	vsub.f32 v3, v36;
	v4 =	vadd.f32 v30, v4  }
0x8b: {  	v23 =	vld [tilespmem:$0x220];
	v60 =	vmax.f32 v61, v17;
	v20 =	vadd.f32 v54, v54;
	v21 =	vadd.f32 v59, v59  }
0x8c: {  	v40 =	vsel vm13, $0x3F800000, v43;
	v49 =	vld [tilespmem:$0x2A0];
	v2 =	vmax.f32 v60, v44;
	v4 =	vsub.f32 $1.000000000e+00, v4  }
0x8d: {  	[tilespmem:$0x1FA90] =	vst v50;
	v51 =	vld [tilespmem:$0x320];
	v50 =	vsub.f32 v6, v20;
	v58 =	vmax.f32 v32, v33;
	v10 =	vsub.f32 v7, v21  }
0x8e: {  	v62 =	vld [tilespmem:$0x3A0];
	v7 =	vmax.f32 v58, v35;
	v47 =	vadd.f32 v24, v24;
	v41 =	vmul.f32 v4, v40  }
0x8f: {  	[tilespmem:$0x1F9E0] =	vst v12;
	v2 =	vmax.f32 v2, v50;
	v7 =	vmax.f32 v7, v37;
	v63 =	vadd.f32 v30, v30  }
0x90: {  	[tilespmem:$0x1FAC0] =	vst v59;
	v7 =	vmax.f32 v7, v23;
	v59 =	vsub.f32 v8, v47;
	v12 =	vadd.f32 v41, v41  }
0x91: {  	[tilespmem:$0x1FA30] =	vst v19;
	v2 =	vmax.f32 v2, v10;
	v7 =	vmax.f32 v7, v49;
	v19 =	vsub.f32 v9, v63  }
0x92: {  	[tilespmem:$0x1FA10] =	vst v0;
	v7 =	vmax.f32 v7, v51;
	v2 =	vmax.f32 v2, v59;
	v0 =	vsub.f32 v13, v12  }
0x93: {  	v7 =	vmax.f32 v7, v62;
	v2 =	vmax.f32 v2, v19  }
0x94: {  	v21 =	vsub.f32 v32, v7;
	v55 =	vmax.f32 v2, v0  }
0x95: {  	[tilespmem:$0x1FAD0] =	vst v24;
	v27 =	vsub.f32 v33, v7;
	v24 =	vadd.f32 v55, v25  }
0x96: {  	v1 =	vsub.f32 v35, v7;
	v2 =	vmul.f32 $1.442695020e+00, v21  }
0x97: {  	v28 =	vmul.f32 $1.442695020e+00, v27;
	v29 =	vsub.f32 v37, v7;
	(erf) = vrcp.f32 v24  }
0x98: {  	v1 =	vmul.f32 $1.442695020e+00, v1;
	[tilespmem:$0x1FAE0] =	vst v30;
	v30 =	vsub.f32 v23, v7;
	(erf) = vpow2.f32 v2  }
0x99: {  	v31 =	vmul.f32 $1.442695020e+00, v29;
	v4 =	vsub.f32 v49, v7;
	(erf) = vpow2.f32 v28  }
0x9a: {  	v33 =	vsub.f32 v51, v7;
	v32 =	vmul.f32 $1.442695020e+00, v30;
	(erf) = vpow2.f32 v1  }
0x9b: {  	v35 =	vsub.f32 v62, v7;
	v4 =	vmul.f32 $1.442695020e+00, v4;
	(erf) = vpow2.f32 v31  }
0x9c: {  	v36 =	vmul.f32 $1.442695020e+00, v33;
	(erf) = vpow2.f32 v32  }
0x9d: {  	v37 =	vmul.f32 $1.442695020e+00, v35;
	(erf) = vpow2.f32 v4  }
0x9e: {  	(erf) = vpow2.f32 v36  }
0x9f: {  	(erf) = vpow2.f32 v37  }
0xa0: {  	v40 =	vpop (erf)  }
0xa1: {  	[tilespmem:$0x1FAF0] =	vst v41;
	v41 =	vpop (erf)  }
0xa2: {  	v42 =	vpop (erf)  }
0xa3: {  	v60 =	vpop (erf);
	v21 =	vmax.f32 v41, v42  }
0xa4: {  	v7 =	vpop (erf);
	v4 =	vmax.f32 v21, v60  }
0xa5: {  	v8 =	vpop (erf);
	v4 =	vmax.f32 v4, v7  }
0xa6: {  	v9 =	vpop (erf);
	v4 =	vmax.f32 v4, v8  }
0xa7: {  	v13 =	vpop (erf);
	v4 =	vmax.f32 v4, v9  }
0xa8: {  	v14 =	vpop (erf);
	v4 =	vmax.f32 v4, v13  }
0xa9: {  	[tilespmem:$0x1FAB0] =	vst v54;
	v54 =	vmax.f32 v4, v14  }
0xaa: {  	vm14 =	veq.f32 v41, v54  }
0xab: {  	v35 =	vsel vm14, $0x3F800000, v43  }
0xac: {  	vm15 =	veq.f32 v42, v54;
	v23 =	vsub.f32 $1.000000000e+00, v35  }
0xad: {  	v24 =	vsel vm15, $0x3F800000, v43  }
0xae: {  	[tilespmem:$0x1FA80] =	vst v46;
	v46 =	vmul.f32 v23, v24;
	_ =	sdelay $0x1  }
0xaf: {  	v4 =	vadd.f32 v46, v35;
	_ =	sdelay $0x1  }
0xb0: {  	vm4 =	veq.f32 v60, v54;
	v27 =	vsub.f32 $1.000000000e+00, v4  }
0xb1: {  	v28 =	vsel vm4, $0x3F800000, v43  }
0xb2: {  	[tilespmem:$0x1FA00] =	vst v59;
	v59 =	vmul.f32 v27, v28;
	_ =	sdelay $0x1  }
0xb3: {  	v4 =	vadd.f32 v59, v4;
	_ =	sdelay $0x1  }
0xb4: {  	vm5 =	veq.f32 v7, v54;
	v29 =	vsub.f32 $1.000000000e+00, v4  }
0xb5: {  	v30 =	vsel vm5, $0x3F800000, v43  }
0xb6: {  	v31 =	vmul.f32 v29, v30;
	_ =	sdelay $0x1  }
0xb7: {  	v4 =	vadd.f32 v31, v4;
	_ =	sdelay $0x1  }
0xb8: {  	vm6 =	veq.f32 v8, v54;
	v33 =	vsub.f32 $1.000000000e+00, v4  }
0xb9: {  	v36 =	vsel vm6, $0x3F800000, v43  }
0xba: {  	v37 =	vmul.f32 v33, v36;
	_ =	sdelay $0x1  }
0xbb: {  	v4 =	vadd.f32 v37, v4;
	_ =	sdelay $0x1  }
0xbc: {  	vm7 =	veq.f32 v9, v54;
	v47 =	vsub.f32 $1.000000000e+00, v4  }
0xbd: {  	v49 =	vsel vm7, $0x3F800000, v43  }
0xbe: {  	[tilespmem:$0x1F9C0] =	vst v50;
	v50 =	vmul.f32 v47, v49;
	_ =	sdelay $0x1  }
0xbf: {  	v4 =	vadd.f32 v50, v4  }
0xc0: {  	v16 =	vld [tilespmem:$0x30]  }
0xc1: {  	v20 =	vld [tilespmem:$0xB0];
	vm8 =	veq.f32 v13, v54;
	v51 =	vsub.f32 $1.000000000e+00, v4  }
0xc2: {  	v53 =	vsel vm8, $0x3F800000, v43;
	v62 =	vadd.f32 v35, v35  }
0xc3: {  	v63 =	vadd.f32 v46, v46;
	v58 =	vmul.f32 v51, v53  }
0xc4: {  	v15 =	vld [tilespmem:$0x130];
	vm9 =	veq.f32 v14, v54;
	v45 =	vsub.f32 v41, v62;
	v23 =	vadd.f32 v59, v59  }
0xc5: {  	[tilespmem:$0x1FA20] =	vst v19;
	v19 =	vld [tilespmem:$0x1B0];
	v32 =	vsel vm9, $0x3F800000, v43;
	v41 =	vsub.f32 v42, v63;
	v4 =	vadd.f32 v58, v4  }
0xc6: {  	v42 =	vmax.f32 v16, v20;
	v63 =	vsub.f32 v60, v23;
	v29 =	vld [tilespmem:$0x230];
	v27 =	vadd.f32 v31, v31  }
0xc7: {  	[tilespmem:$0x1FB50] =	vst v37;
	v28 =	vadd.f32 v37, v37;
	v37 =	vld [tilespmem:$0x2B0];
	v47 =	vmax.f32 v45, v41;
	v4 =	vsub.f32 $1.000000000e+00, v4  }
0xc8: {  	[tilespmem:$0x1FA70] =	vst v40;
	v40 =	vld [tilespmem:$0x330];
	v1 =	vmax.f32 v47, v63;
	v36 =	vadd.f32 v50, v50;
	v51 =	vsub.f32 v7, v27  }
0xc9: {  	v49 =	vld [tilespmem:$0x3B0];
	v53 =	vsub.f32 v8, v28;
	v8 =	vmax.f32 v42, v15;
	v33 =	vmul.f32 v4, v32  }
0xca: {  	[tilespmem:$0x1FB70] =	vst v50;
	v3 =	vsub.f32 v9, v36;
	v8 =	vmax.f32 v8, v19;
	v50 =	vadd.f32 v58, v58  }
0xcb: {  	v1 =	vmax.f32 v1, v51;
	v8 =	vmax.f32 v8, v29;
	v24 =	vadd.f32 v33, v33  }
0xcc: {  	[tilespmem:$0x1FB80] =	vst v58;
	v1 =	vmax.f32 v1, v53;
	v8 =	vmax.f32 v8, v37;
	v58 =	vsub.f32 v13, v50  }
0xcd: {  	v1 =	vmax.f32 v1, v3;
	v8 =	vmax.f32 v8, v40;
	v60 =	vsub.f32 v14, v24  }
0xce: {  	v8 =	vmax.f32 v8, v49;
	v1 =	vmax.f32 v1, v58  }
0xcf: {  	v62 =	vsub.f32 v16, v8;
	v23 =	vmax.f32 v1, v60  }
0xd0: {  	[tilespmem:$0x1FA50] =	vst v0;
	v0 =	vsub.f32 v20, v8;
	v1 =	vadd.f32 v23, v54  }
0xd1: {  	v15 =	vsub.f32 v15, v8;
	v13 =	vmul.f32 $1.442695020e+00, v62  }
0xd2: {  	[tilespmem:$0x1F9D0] =	vst v10;
	v2 =	vsub.f32 v19, v8;
	v14 =	vmul.f32 $1.442695020e+00, v0;
	(erf) = vrcp.f32 v1  }
0xd3: {  	[tilespmem:$0x1FA60] =	vst v3;
	v10 =	vsub.f32 v29, v8;
	v3 =	vmul.f32 $1.442695020e+00, v15;
	(erf) = vpow2.f32 v13  }
0xd4: {  	v6 =	vsub.f32 v37, v8;
	v16 =	vmul.f32 $1.442695020e+00, v2;
	(erf) = vpow2.f32 v14  }
0xd5: {  	v7 =	vsub.f32 v40, v8;
	v19 =	vmul.f32 $1.442695020e+00, v10;
	(erf) = vpow2.f32 v3  }
0xd6: {  	v8 =	vsub.f32 v49, v8;
	v6 =	vmul.f32 $1.442695020e+00, v6;
	(erf) = vpow2.f32 v16  }
0xd7: {  	v7 =	vmul.f32 $1.442695020e+00, v7;
	(erf) = vpow2.f32 v19  }
0xd8: {  	v20 =	vmul.f32 $1.442695020e+00, v8;
	(erf) = vpow2.f32 v6  }
0xd9: {  	(erf) = vpow2.f32 v7  }
0xda: {  	(erf) = vpow2.f32 v20  }
0xdb: {  	v21 =	vpop (erf)  }
0xdc: {  	v24 =	vpop (erf)  }
0xdd: {  	v7 =	vpop (erf)  }
0xde: {  	v8 =	vpop (erf);
	v50 =	vmax.f32 v24, v7  }
0xdf: {  	v13 =	vpop (erf);
	v9 =	vmax.f32 v50, v8  }
0xe0: {  	v14 =	vpop (erf);
	v9 =	vmax.f32 v9, v13  }
0xe1: {  	v15 =	vpop (erf);
	v9 =	vmax.f32 v9, v14  }
0xe2: {  	v9 =	vmax.f32 v9, v15;
	v16 =	vpop (erf)  }
0xe3: {  	v9 =	vmax.f32 v9, v16;
	v19 =	vpop (erf)  }
0xe4: {  	v40 =	vmax.f32 v9, v19  }
0xe5: {  	vm10 =	veq.f32 v24, v40  }
0xe6: {  	v47 =	vsel vm10, $0x3F800000, v43  }
0xe7: {  	[tilespmem:$0x1FAA0] =	vst v58;
	vm11 =	veq.f32 v7, v40;
	v58 =	vsub.f32 $1.000000000e+00, v47  }
0xe8: {  	[tilespmem:$0x1FB00] =	vst v60;
	v60 =	vsel vm11, $0x3F800000, v43  }
0xe9: {  	v62 =	vmul.f32 v58, v60;
	_ =	sdelay $0x1  }
0xea: {  	v9 =	vadd.f32 v62, v47;
	_ =	sdelay $0x1  }
0xeb: {  	vm12 =	veq.f32 v8, v40;
	v5 =	vsub.f32 $1.000000000e+00, v9  }
0xec: {  	v10 =	vsel vm12, $0x3F800000, v43  }
0xed: {  	v12 =	vmul.f32 v5, v10;
	_ =	sdelay $0x1  }
0xee: {  	v9 =	vadd.f32 v12, v9;
	_ =	sdelay $0x1  }
0xef: {  	vm13 =	veq.f32 v13, v40;
	v37 =	vsub.f32 $1.000000000e+00, v9  }
0xf0: {  	v42 =	vsel vm13, $0x3F800000, v43  }
0xf1: {  	v5 =	vmul.f32 v37, v42;
	_ =	sdelay $0x1  }
0xf2: {  	v9 =	vadd.f32 v5, v9;
	_ =	sdelay $0x1  }
0xf3: {  	vm14 =	veq.f32 v14, v40;
	v49 =	vsub.f32 $1.000000000e+00, v9  }
0xf4: {  	v50 =	vsel vm14, $0x3F800000, v43  }
0xf5: {  	v58 =	vmul.f32 v49, v50;
	_ =	sdelay $0x1  }
0xf6: {  	v9 =	vadd.f32 v58, v9;
	_ =	sdelay $0x1  }
0xf7: {  	vm15 =	veq.f32 v15, v40;
	v30 =	vsub.f32 $1.000000000e+00, v9  }
0xf8: {  	[tilespmem:$0x1FB40] =	vst v31;
	v31 =	vsel vm15, $0x3F800000, v43  }
0xf9: {  	v4 =	vmul.f32 v30, v31;
	_ =	sdelay $0x1  }
0xfa: {  	v9 =	vadd.f32 v4, v9;
	_ =	sdelay $0x1  }
0xfb: {  	vm4 =	veq.f32 v16, v40;
	v32 =	vsub.f32 $1.000000000e+00, v9  }
0xfc: {  	[tilespmem:$0x1FB90] =	vst v33;
	v33 =	vsel vm4, $0x3F800000, v43;
	v37 =	vadd.f32 v47, v47  }
0xfd: {  	v28 =	vld [tilespmem:$0x40];
	v42 =	vadd.f32 v62, v62;
	v36 =	vmul.f32 v32, v33  }
0xfe: {  	v10 =	vadd.f32 v12, v12;
	v24 =	vsub.f32 v24, v37;
	v30 =	vld [tilespmem:$0xC0]  }
0xff: {  	v6 =	vld [tilespmem:$0x140];
	[tilespmem:$0x1FB10] =	vst v21;
	v60 =	vsub.f32 v7, v42;
	v49 =	vadd.f32 v36, v9  }
0x100: {  	v21 =	vld [tilespmem:$0x1C0];
	vm5 =	veq.f32 v19, v40;
	[tilespmem:$0x1FC10] =	vst v62;
	v31 =	vadd.f32 v5, v5;
	v32 =	vadd.f32 v58, v58  }
0x101: {  	[tilespmem:$0x1FC20] =	vst v12;
	v12 =	vsel vm5, $0x3F800000, v43;
	v62 =	vadd.f32 v4, v4;
	v33 =	vld [tilespmem:$0x240];
	v9 =	vsub.f32 $1.000000000e+00, v49  }
0x102: {  	v42 =	vmax.f32 v24, v60;
	[tilespmem:$0x1FC50] =	vst v58;
	v58 =	vsub.f32 v8, v10;
	v8 =	vld [tilespmem:$0x2C0];
	v10 =	vsub.f32 v14, v32  }
0x103: {  	v32 =	vmax.f32 v28, v30;
	v29 =	vmul.f32 v9, v12;
	v9 =	vsub.f32 v13, v31;
	v13 =	vld [tilespmem:$0x340]  }
0x104: {  	v50 =	vmov v36;
	[tilespmem:$0x1FC90] =	vst v36;
	v36 =	vsub.f32 v15, v62;
	v37 =	vmax.f32 v32, v6;
	v49 =	vld [tilespmem:$0x3C0]  }
0x105: {  	v14 =	vmax.f32 v42, v58;
	v50 =	vadd.f32 v50, v50;
	v7 =	vmax.f32 v37, v21  }
0x106: {  	v7 =	vmax.f32 v7, v33;
	[tilespmem:$0x1FCA0] =	vst v29;
	v14 =	vmax.f32 v14, v9;
	v29 =	vadd.f32 v29, v29  }
0x107: {  	[tilespmem:$0x1FB20] =	vst v58;
	v58 =	vsub.f32 v16, v50;
	v7 =	vmax.f32 v7, v8;
	v14 =	vmax.f32 v14, v10  }
0x108: {  	v62 =	vsub.f32 v19, v29;
	v14 =	vmax.f32 v14, v36;
	v7 =	vmax.f32 v7, v13  }
0x109: {  	[tilespmem:$0x1FB30] =	vst v9;
	v14 =	vmax.f32 v14, v58;
	v7 =	vmax.f32 v7, v49  }
0x10a: {  	[tilespmem:$0x1FBD0] =	vst v62;
	v62 =	vmax.f32 v14, v62;
	v9 =	vsub.f32 v28, v7  }
0x10b: {  	[tilespmem:$0x1FB60] =	vst v10;
	v10 =	vsub.f32 v30, v7;
	v27 =	vadd.f32 v62, v40  }
0x10c: {  	v6 =	vsub.f32 v6, v7;
	v14 =	vmul.f32 $1.442695020e+00, v9  }
0x10d: {  	v28 =	vsub.f32 v21, v7;
	(erf) = vrcp.f32 v27;
	v16 =	vmul.f32 $1.442695020e+00, v10  }
0x10e: {  	v29 =	vsub.f32 v33, v7;
	v6 =	vmul.f32 $1.442695020e+00, v6;
	(erf) = vpow2.f32 v14  }
0x10f: {  	v8 =	vsub.f32 v8, v7;
	v30 =	vmul.f32 $1.442695020e+00, v28;
	(erf) = vpow2.f32 v16  }
0x110: {  	v13 =	vsub.f32 v13, v7;
	v31 =	vmul.f32 $1.442695020e+00, v29;
	(erf) = vpow2.f32 v6  }
0x111: {  	v7 =	vsub.f32 v49, v7;
	v8 =	vmul.f32 $1.442695020e+00, v8;
	(erf) = vpow2.f32 v30  }
0x112: {  	v32 =	vmul.f32 $1.442695020e+00, v13;
	(erf) = vpow2.f32 v31  }
0x113: {  	v7 =	vmul.f32 $1.442695020e+00, v7;
	(erf) = vpow2.f32 v8  }
0x114: {  	(erf) = vpow2.f32 v32  }
0x115: {  	(erf) = vpow2.f32 v7  }
0x116: {  	v33 =	vpop (erf)  }
0x117: {  	v6 =	vpop (erf)  }
0x118: {  	v8 =	vpop (erf)  }
0x119: {  	[tilespmem:$0x1FBA0] =	vst v36;
	v14 =	vpop (erf);
	v36 =	vmax.f32 v6, v8  }
0x11a: {  	v7 =	vmax.f32 v36, v14;
	v15 =	vpop (erf)  }
0x11b: {  	v7 =	vmax.f32 v7, v15;
	v16 =	vpop (erf)  }
0x11c: {  	v7 =	vmax.f32 v7, v16;
	v20 =	vpop (erf)  }
0x11d: {  	v7 =	vmax.f32 v7, v20;
	v21 =	vpop (erf)  }
0x11e: {  	v7 =	vmax.f32 v7, v21;
	v28 =	vpop (erf)  }
0x11f: {  	v50 =	vmax.f32 v7, v28  }
0x120: {  	vm6 =	veq.f32 v6, v50  }
0x121: {  	v49 =	vsel vm6, $0x3F800000, v43  }
0x122: {  	vm7 =	veq.f32 v8, v50;
	v37 =	vsub.f32 $1.000000000e+00, v49  }
0x123: {  	v42 =	vsel vm7, $0x3F800000, v43  }
0x124: {  	[tilespmem:$0x1FBC0] =	vst v58;
	v58 =	vmul.f32 v37, v42;
	_ =	sdelay $0x1  }
0x125: {  	v7 =	vadd.f32 v58, v49;
	_ =	sdelay $0x1  }
0x126: {  	[tilespmem:$0x1FC30] =	vst v5;
	vm8 =	veq.f32 v14, v50;
	v5 =	vsub.f32 $1.000000000e+00, v7  }
0x127: {  	v9 =	vsel vm8, $0x3F800000, v43  }
0x128: {  	[tilespmem:$0x1FC60] =	vst v4;
	v4 =	vmul.f32 v5, v9;
	_ =	sdelay $0x1  }
0x129: {  	v7 =	vadd.f32 v4, v7;
	_ =	sdelay $0x1  }
0x12a: {  	vm9 =	veq.f32 v15, v50;
	v10 =	vsub.f32 $1.000000000e+00, v7  }
0x12b: {  	v12 =	vsel vm9, $0x3F800000, v43  }
0x12c: {  	v5 =	vmul.f32 v10, v12;
	_ =	sdelay $0x1  }
0x12d: {  	v7 =	vadd.f32 v5, v7;
	_ =	sdelay $0x1  }
0x12e: {  	vm10 =	veq.f32 v16, v50;
	v27 =	vsub.f32 $1.000000000e+00, v7  }
0x12f: {  	v29 =	vsel vm10, $0x3F800000, v43  }
0x130: {  	v2 =	vmul.f32 v27, v29;
	_ =	sdelay $0x1  }
0x131: {  	v7 =	vadd.f32 v2, v7;
	_ =	sdelay $0x1  }
0x132: {  	vm11 =	veq.f32 v20, v50;
	v30 =	vsub.f32 $1.000000000e+00, v7  }
0x133: {  	v31 =	vsel vm11, $0x3F800000, v43  }
0x134: {  	v0 =	vmul.f32 v30, v31;
	_ =	sdelay $0x1  }
0x135: {  	v7 =	vadd.f32 v0, v7;
	_ =	sdelay $0x1  }
0x136: {  	vm12 =	veq.f32 v21, v50;
	v32 =	vsub.f32 $1.000000000e+00, v7  }
0x137: {  	[tilespmem:$0x1FBE0] =	vst v33;
	v33 =	vsel vm12, $0x3F800000, v43;
	v37 =	vadd.f32 v58, v58  }
0x138: {  	v36 =	vadd.f32 v49, v49;
	v29 =	vld [tilespmem:$0x50];
	v1 =	vmul.f32 v32, v33  }
0x139: {  	[tilespmem:$0x1FCD0] =	vst v58;
	v58 =	vsub.f32 v8, v37;
	v10 =	vadd.f32 v4, v4;
	v31 =	vld [tilespmem:$0xD0]  }
0x13a: {  	v27 =	vsub.f32 v6, v36;
	v6 =	vld [tilespmem:$0x150];
	v42 =	vadd.f32 v1, v7  }
0x13b: {  	[tilespmem:$0x1FCF0] =	vst v5;
	v13 =	vadd.f32 v5, v5;
	v5 =	vsub.f32 v14, v10;
	v30 =	vld [tilespmem:$0x1D0]  }
0x13c: {  	vm13 =	veq.f32 v28, v50;
	v37 =	vadd.f32 v2, v2;
	v3 =	vsub.f32 $1.000000000e+00, v42;
	v42 =	vld [tilespmem:$0x250]  }
0x13d: {  	[tilespmem:$0x1FCE0] =	vst v4;
	v12 =	vsel vm13, $0x3F800000, v43;
	v4 =	vsub.f32 v15, v13;
	v19 =	vadd.f32 v0, v0;
	v32 =	vld [tilespmem:$0x2D0]  }
0x13e: {  	v15 =	vld [tilespmem:$0x350];
	[tilespmem:$0x1FDC0] =	vst v0;
	v0 =	vsub.f32 v16, v37;
	v37 =	vmax.f32 v27, v58;
	v33 =	vmax.f32 v29, v31  }
0x13f: {  	[tilespmem:$0x1FD20] =	vst v2;
	v16 =	vld [tilespmem:$0x3D0];
	v14 =	vmax.f32 v37, v5;
	v36 =	vmax.f32 v33, v6;
	v2 =	vmul.f32 v3, v12  }
0x140: {  	v14 =	vmax.f32 v14, v4;
	[tilespmem:$0x1FDE0] =	vst v1;
	v8 =	vmax.f32 v36, v30;
	v1 =	vadd.f32 v1, v1  }
0x141: {  	[tilespmem:$0x1FBF0] =	vst v4;
	v3 =	vsub.f32 v20, v19;
	v4 =	vadd.f32 v2, v2;
	v8 =	vmax.f32 v8, v42  }
0x142: {  	v14 =	vmax.f32 v14, v0;
	v1 =	vsub.f32 v21, v1;
	v8 =	vmax.f32 v8, v32  }
0x143: {  	[tilespmem:$0x1FBB0] =	vst v5;
	v14 =	vmax.f32 v14, v3;
	v5 =	vsub.f32 v28, v4;
	v8 =	vmax.f32 v8, v15  }
0x144: {  	v14 =	vmax.f32 v14, v1;
	v8 =	vmax.f32 v8, v16  }
0x145: {  	v36 =	vmax.f32 v14, v5;
	v13 =	vsub.f32 v29, v8  }
0x146: {  	v14 =	vsub.f32 v31, v8;
	v33 =	vadd.f32 v36, v50  }
0x147: {  	v6 =	vsub.f32 v6, v8;
	v20 =	vmul.f32 $1.442695020e+00, v13  }
0x148: {  	[tilespmem:$0x1FC00] =	vst v0;
	v37 =	vsub.f32 v30, v8;
	(erf) = vrcp.f32 v33;
	v21 =	vmul.f32 $1.442695020e+00, v14  }
0x149: {  	[tilespmem:$0x1FC80] =	vst v1;
	v0 =	vsub.f32 v42, v8;
	v6 =	vmul.f32 $1.442695020e+00, v6;
	(erf) = vpow2.f32 v20  }
0x14a: {  	[tilespmem:$0x1FE00] =	vst v2;
	v2 =	vsub.f32 v32, v8;
	v1 =	vmul.f32 $1.442695020e+00, v37;
	(erf) = vpow2.f32 v21  }
0x14b: {  	[tilespmem:$0x1FC40] =	vst v3;
	v15 =	vsub.f32 v15, v8;
	v3 =	vmul.f32 $1.442695020e+00, v0;
	(erf) = vpow2.f32 v6  }
0x14c: {  	v8 =	vsub.f32 v16, v8;
	v10 =	vmul.f32 $1.442695020e+00, v2;
	(erf) = vpow2.f32 v1  }
0x14d: {  	v12 =	vmul.f32 $1.442695020e+00, v15;
	(erf) = vpow2.f32 v3  }
0x14e: {  	v8 =	vmul.f32 $1.442695020e+00, v8;
	(erf) = vpow2.f32 v10  }
0x14f: {  	(erf) = vpow2.f32 v12  }
0x150: {  	(erf) = vpow2.f32 v8  }
0x151: {  	v13 =	vpop (erf)  }
0x152: {  	v6 =	vpop (erf)  }
0x153: {  	v8 =	vpop (erf)  }
0x154: {  	v15 =	vpop (erf);
	v14 =	vmax.f32 v6, v8  }
0x155: {  	v16 =	vmax.f32 v14, v15;
	v30 =	vpop (erf)  }
0x156: {  	v16 =	vmax.f32 v16, v30;
	v10 =	vpop (erf)  }
0x157: {  	v20 =	vmax.f32 v16, v10;
	v9 =	vpop (erf)  }
0x158: {  	v7 =	vmax.f32 v20, v9;
	v42 =	vpop (erf)  }
0x159: {  	v7 =	vmax.f32 v7, v42;
	v12 =	vpop (erf)  }
0x15a: {  	v4 =	vmax.f32 v7, v12  }
0x15b: {  	vm14 =	veq.f32 v6, v4  }
0x15c: {  	vm1 =	veq.f32 v18, v57;
	v3 =	vsel vm14, $0x3F800000, v43  }
0x15d: {  	v37 =	vsel vm1, $0x3F800000, v43;
	vm15 =	veq.f32 v8, v4;
	v21 =	vsub.f32 $1.000000000e+00, v3  }
0x15e: {  	vm4 =	veq.f32 v38, v57;
	v28 =	vsub.f32 $1.000000000e+00, v37;
	v29 =	vsel vm15, $0x3F800000, v43  }
0x15f: {  	v31 =	vsel vm4, $0x3F800000, v43;
	v1 =	vmul.f32 v21, v29  }
0x160: {  	v18 =	vmul.f32 v28, v31  }
0x161: {  	v32 =	vadd.f32 v1, v3  }
0x162: {  	v16 =	vadd.f32 v18, v37  }
0x163: {  	vm5 =	veq.f32 v15, v4;
	v33 =	vsub.f32 $1.000000000e+00, v32  }
0x164: {  	vm6 =	veq.f32 v11, v57;
	v38 =	vsub.f32 $1.000000000e+00, v16;
	v0 =	vsel vm5, $0x3F800000, v43  }
0x165: {  	v2 =	vsel vm6, $0x3F800000, v43;
	[tilespmem:$0x1FCC0] =	vst v13;
	v13 =	vmul.f32 v33, v0  }
0x166: {  	v11 =	vmul.f32 v38, v2  }
0x167: {  	v7 =	vadd.f32 v13, v32  }
0x168: {  	v16 =	vadd.f32 v11, v16  }
0x169: {  	[tilespmem:$0x1FCB0] =	vst v5;
	vm7 =	veq.f32 v30, v4;
	v5 =	vsub.f32 $1.000000000e+00, v7  }
0x16a: {  	vm8 =	veq.f32 v39, v57;
	v14 =	vsub.f32 $1.000000000e+00, v16;
	v32 =	vsel vm7, $0x3F800000, v43  }
0x16b: {  	v39 =	vld [tilespmem:$0x1F980];
	v33 =	vsel vm8, $0x3F800000, v43;
	v0 =	vmul.f32 v5, v32  }
0x16c: {  	v33 =	vmul.f32 v14, v33  }
0x16d: {  	v7 =	vadd.f32 v0, v7  }
0x16e: {  	v16 =	vadd.f32 v33, v16  }
0x16f: {  	vm9 =	veq.f32 v10, v4;
	v38 =	vsub.f32 $1.000000000e+00, v7  }
0x170: {  	vm10 =	veq.f32 v39, v57;
	v19 =	vsel vm9, $0x3F800000, v43;
	v5 =	vsub.f32 $1.000000000e+00, v16  }
0x171: {  	v32 =	vsel vm10, $0x3F800000, v43;
	v14 =	vmul.f32 v38, v19;
	v38 =	vld [tilespmem:$0x1F990]  }
0x172: {  	v21 =	vmul.f32 v5, v32  }
0x173: {  	v20 =	vadd.f32 v14, v7  }
0x174: {  	v16 =	vadd.f32 v21, v16  }
0x175: {  	vm11 =	veq.f32 v9, v4;
	v7 =	vsub.f32 $1.000000000e+00, v20  }
0x176: {  	v39 =	vsub.f32 $1.000000000e+00, v16;
	v19 =	vsel vm11, $0x3F800000, v43;
	vm12 =	veq.f32 v38, v57  }
0x177: {  	v38 =	vld [tilespmem:$0x1F9A0];
	v2 =	vmul.f32 v7, v19;
	v32 =	vsel vm12, $0x3F800000, v43  }
0x178: {  	vm4 =	veq.f32 v61, v55;
	v7 =	vmul.f32 v39, v32  }
0x179: {  	v28 =	vsel vm4, $0x3F800000, v43;
	vm13 =	veq.f32 v42, v4;
	v20 =	vadd.f32 v2, v20  }
0x17a: {  	vm5 =	veq.f32 v17, v55;
	v17 =	vsub.f32 $1.000000000e+00, v28;
	v31 =	vadd.f32 v7, v16  }
0x17b: {  	vm15 =	veq.f32 v48, v57;
	[tilespmem:$0x1FF20] =	vst v13;
	v13 =	vadd.f32 v13, v13;
	v16 =	vsub.f32 $1.000000000e+00, v20  }
0x17c: {  	v32 =	vsel vm13, $0x3F800000, v43;
	vm14 =	veq.f32 v38, v57;
	v5 =	vsub.f32 $1.000000000e+00, v31  }
0x17d: {  	v29 =	vsub.f32 v15, v13;
	v38 =	vsel vm14, $0x3F800000, v43;
	v19 =	vmul.f32 v16, v32  }
0x17e: {  	v39 =	vmovc v4;
	v4 =	vadd.f32 v3, v3;
	v32 =	vmul.f32 v5, v38;
	v5 =	vadd.f32 v1, v1  }
0x17f: {  	v61 =	vld [tilespmem:$0x60];
	[tilespmem:$0x1FEF0] =	vst v3;
	v13 =	vadd.f32 v14, v14;
	vm6 =	veq.f32 v12, v39;
	v38 =	vadd.f32 v19, v20  }
0x180: {  	[tilespmem:$0x1FF10] =	vst v1;
	v48 =	vsub.f32 v6, v4;
	v1 =	vsel vm5, $0x3F800000, v43;
	v3 =	vsub.f32 v8, v5;
	v8 =	vld [tilespmem:$0xE0]  }
0x181: {  	v15 =	vld [tilespmem:$0x160];
	[tilespmem:$0x1FF40] =	vst v14;
	v16 =	vmul.f32 v17, v1;
	v17 =	vadd.f32 v0, v0;
	v6 =	vsub.f32 $1.000000000e+00, v38  }
0x182: {  	[tilespmem:$0x1FEA0] =	vst v39;
	v14 =	vadd.f32 v2, v2;
	v20 =	vmovc v39;
	v39 =	vsel vm6, $0x3F800000, v43;
	v1 =	vadd.f32 v19, v19  }
0x183: {  	[tilespmem:$0x1FF50] =	vst v2;
	v4 =	vld [tilespmem:$0x1E0];
	v30 =	vsub.f32 v30, v17;
	v38 =	vsub.f32 v10, v13;
	v2 =	vmul.f32 v6, v39  }
0x184: {  	v5 =	vld [tilespmem:$0x260];
	v13 =	vsub.f32 v9, v14;
	v14 =	vsub.f32 v42, v1;
	v39 =	vmax.f32 v48, v3  }
0x185: {  	[tilespmem:$0x1FF70] =	vst v19;
	v17 =	vld [tilespmem:$0x2E0];
	v9 =	vmax.f32 v39, v29;
	v19 =	vmax.f32 v61, v8;
	v1 =	vadd.f32 v2, v2  }
0x186: {  	[tilespmem:$0x1FF30] =	vst v0;
	v6 =	vld [tilespmem:$0x360];
	v0 =	vmax.f32 v19, v15;
	v19 =	vadd.f32 v32, v31;
	v31 =	vmax.f32 v9, v30  }
0x187: {  	v42 =	vld [tilespmem:$0x3E0];
	v10 =	vsub.f32 v12, v1;
	v1 =	vmax.f32 v31, v38  }
0x188: {  	v0 =	vmax.f32 v0, v4;
	v39 =	vmax.f32 v1, v13  }
0x189: {  	[tilespmem:$0x1FF80] =	vst v2;
	v0 =	vmax.f32 v0, v5;
	v2 =	vsub.f32 $1.000000000e+00, v19;
	v31 =	vmax.f32 v39, v14;
	v39 =	vld [tilespmem:$0x1F9B0]  }
0x18a: {  	vm7 =	veq.f32 v44, v55;
	v19 =	vsel vm15, $0x3F800000, v43;
	v0 =	vmax.f32 v0, v17  }
0x18b: {  	vm10 =	veq.f32 v45, v23;
	[tilespmem:$0x1FD00] =	vst v13;
	v0 =	vmax.f32 v0, v6;
	v13 =	vmul.f32 v2, v19  }
0x18c: {  	v19 =	vmax.f32 v31, v10;
	v2 =	vadd.f32 v16, v28;
	v9 =	vmax.f32 v0, v42  }
0x18d: {  	v31 =	vsel vm7, $0x3F800000, v43;
	v0 =	vsub.f32 v61, v9;
	v8 =	vsub.f32 v8, v9  }
0x18e: {  	[tilespmem:$0x1FE60] =	vst v10;
	v15 =	vsub.f32 v15, v9;
	v4 =	vsub.f32 v4, v9;
	v10 =	vmul.f32 v39, v34  }
0x18f: {  	v1 =	vmul.f32 v39, v57;
	v57 =	vadd.f32 v19, v20;
	v61 =	vmul.f32 $1.442695020e+00, v0  }
0x190: {  	v45 =	vld [tilespmem:$0x1F9F0];
	v20 =	vsub.f32 $1.000000000e+00, v2;
	v8 =	vmul.f32 $1.442695020e+00, v8;
	v15 =	vmul.f32 $1.442695020e+00, v15  }
0x191: {  	v39 =	vsub.f32 v5, v9;
	v4 =	vmul.f32 $1.442695020e+00, v4;
	(erf) = vrcp.f32 v57  }
0x192: {  	[tilespmem:$0x1FDA0] =	vst v14;
	v14 =	vmul.f32 v20, v31;
	v26 =	vmul.f32 v10, v26  }
0x193: {  	vm2 =	veq.f32 v41, v23;
	[tilespmem:$0x1FC70] =	vst v3;
	v37 =	vmul.f32 v1, v37;
	v3 =	vmul.f32 $1.442695020e+00, v39  }
0x194: {  	v12 =	vsub.f32 v6, v9;
	v57 =	vld [tilespmem:$0x1F9C0];
	v20 =	vmul.f32 v18, v1;
	(erf) = vpow2.f32 v61  }
0x195: {  	v61 =	vsub.f32 v17, v9;
	v17 =	vmul.f32 v10, v52;
	v52 =	vmul.f32 v10, v45  }
0x196: {  	(erf) = vpow2.f32 v8;
	v44 =	vadd.f32 v37, v26;
	v2 =	vadd.f32 v14, v2  }
0x197: {  	(erf) = vpow2.f32 v15;
	v15 =	vsub.f32 v42, v9;
	v37 =	vadd.f32 v20, v17  }
0x198: {  	v41 =	vld [tilespmem:$0x1F9E0];
	(erf) = vpow2.f32 v4;
	v4 =	vmul.f32 $1.442695020e+00, v61;
	v26 =	vsub.f32 $1.000000000e+00, v2  }
0x199: {  	[tilespmem:$0x1FD10] =	vst v44;
	v44 =	vmul.f32 v11, v1;
	vm8 =	veq.f32 v57, v55;
	(erf) = vpow2.f32 v3  }
0x19a: {  	v39 =	vld [tilespmem:$0x1F9D0];
	v3 =	vmul.f32 $1.442695020e+00, v12;
	v31 =	vmul.f32 $1.442695020e+00, v15;
	v34 =	vsel vm8, $0x3F800000, v43  }
0x19b: {  	vm12 =	veq.f32 v63, v23;
	(erf) = vpow2.f32 v4;
	v9 =	vmul.f32 v26, v34  }
0x19c: {  	[tilespmem:$0x1FD30] =	vst v37;
	v37 =	vsel vm10, $0x3F800000, v43;
	v57 =	vmul.f32 v33, v1;
	(erf) = vpow2.f32 v3  }
0x19d: {  	v33 =	vld [tilespmem:$0x1FA10];
	v3 =	vmul.f32 v10, v41;
	(erf) = vpow2.f32 v31;
	v4 =	vadd.f32 v9, v2  }
0x19e: {  	vm5 =	veq.f32 v53, v23;
	v61 =	vsub.f32 $1.000000000e+00, v37;
	v45 =	vadd.f32 v57, v52;
	v57 =	vld [tilespmem:$0x1FA00];
	v42 =	vpop (erf)  }
0x19f: {  	vm9 =	veq.f32 v39, v55;
	v44 =	vadd.f32 v44, v3;
	v5 =	vpop (erf);
	v2 =	vsub.f32 $1.000000000e+00, v4  }
0x1a0: {  	vm15 =	veq.f32 v51, v23;
	v20 =	vsel vm2, $0x3F800000, v43;
	v0 =	vsel vm9, $0x3F800000, v43;
	v34 =	vpop (erf)  }
0x1a1: {  	v12 =	vpop (erf);
	v31 =	vmax.f32 v5, v34;
	v41 =	vmul.f32 v2, v0;
	v2 =	vmul.f32 v61, v20  }
0x1a2: {  	v51 =	vsel vm15, $0x3F800000, v43;
	[tilespmem:$0x1FEB0] =	vst v42;
	v39 =	vmul.f32 v10, v33;
	v42 =	vmax.f32 v31, v12;
	v26 =	vpop (erf)  }
0x1a3: {  	[tilespmem:$0x1FD40] =	vst v44;
	vm11 =	veq.f32 v57, v55;
	v52 =	vmax.f32 v42, v26;
	v44 =	vpop (erf);
	v6 =	vadd.f32 v2, v37  }
0x1a4: {  	[tilespmem:$0x1FD50] =	vst v45;
	v4 =	vadd.f32 v41, v4;
	v3 =	vmax.f32 v52, v44;
	v45 =	vpop (erf);
	v52 =	vmul.f32 v21, v1  }
0x1a5: {  	v31 =	vsel vm12, $0x3F800000, v43;
	v3 =	vmax.f32 v3, v45;
	v63 =	vpop (erf);
	v11 =	vsub.f32 $1.000000000e+00, v6  }
0x1a6: {  	v3 =	vmax.f32 v3, v63;
	v61 =	vsub.f32 $1.000000000e+00, v4;
	v18 =	vpop (erf);
	v0 =	vadd.f32 v52, v39;
	v52 =	vld [tilespmem:$0x1FA20]  }
0x1a7: {  	v20 =	vsel vm11, $0x3F800000, v43;
	v17 =	vmax.f32 v3, v18;
	v3 =	vmul.f32 v11, v31  }
0x1a8: {  	vm15 =	veq.f32 v24, v62;
	v42 =	vmul.f32 v61, v20;
	vm13 =	veq.f32 v5, v17  }
0x1a9: {  	v33 =	vmul.f32 v10, v56;
	v61 =	vsel vm13, $0x3F800000, v43;
	v6 =	vadd.f32 v3, v6  }
0x1aa: {  	vm14 =	veq.f32 v34, v17;
	v57 =	vsub.f32 $1.000000000e+00, v61;
	v4 =	vadd.f32 v42, v4  }
0x1ab: {  	v39 =	vmul.f32 v7, v1;
	v20 =	vsel vm14, $0x3F800000, v43;
	vm4 =	veq.f32 v52, v55  }
0x1ac: {  	v11 =	vld [tilespmem:$0x1FA30];
	v20 =	vmul.f32 v57, v20;
	v31 =	vsub.f32 $1.000000000e+00, v6;
	v56 =	vsub.f32 $1.000000000e+00, v4  }
0x1ad: {  	v32 =	vmul.f32 v32, v1;
	[tilespmem:$0x1FD60] =	vst v0;
	v57 =	vadd.f32 v39, v33;
	v0 =	vsel vm4, $0x3F800000, v43;
	v39 =	vld [tilespmem:$0x1FA40]  }
0x1ae: {  	v7 =	vmul.f32 v31, v51;
	v21 =	vadd.f32 v20, v61;
	v15 =	vmul.f32 v56, v0;
	v56 =	vld [tilespmem:$0x1FA50]  }
0x1af: {  	v1 =	vmul.f32 v13, v1;
	vm6 =	veq.f32 v12, v17;
	vm9 =	veq.f32 v26, v17  }
0x1b0: {  	vm10 =	veq.f32 v44, v17;
	v8 =	vadd.f32 v7, v6;
	v6 =	vsub.f32 $1.000000000e+00, v21  }
0x1b1: {  	vm13 =	veq.f32 v45, v17;
	v33 =	vsel vm6, $0x3F800000, v43;
	v51 =	vmul.f32 v10, v11  }
0x1b2: {  	v11 =	vld [tilespmem:$0x1FA60];
	v10 =	vmul.f32 v10, v39;
	v31 =	vsub.f32 $1.000000000e+00, v8;
	v39 =	vmul.f32 v6, v33  }
0x1b3: {  	v52 =	vsel vm5, $0x3F800000, v43;
	v4 =	vadd.f32 v15, v4;
	vm7 =	veq.f32 v56, v55;
	v56 =	vld [tilespmem:$0x1FA70]  }
0x1b4: {  	vm14 =	veq.f32 v63, v17;
	v6 =	vmul.f32 v31, v52;
	v21 =	vadd.f32 v39, v21  }
0x1b5: {  	vm5 =	veq.f32 v18, v17;
	v53 =	vadd.f32 v32, v51;
	v4 =	vsub.f32 $1.000000000e+00, v4  }
0x1b6: {  	[tilespmem:$0x1FD70] =	vst v57;
	v57 =	vsel vm7, $0x3F800000, v43;
	v13 =	vadd.f32 v6, v8;
	v31 =	vsub.f32 $1.000000000e+00, v21  }
0x1b7: {  	v33 =	vsel vm9, $0x3F800000, v43;
	[tilespmem:$0x1FD80] =	vst v53;
	v53 =	vld [tilespmem:$0x1FA90];
	vm8 =	veq.f32 v11, v23;
	v4 =	vmul.f32 v4, v57  }
0x1b8: {  	v25 =	vmul.f32 v56, v25;
	v57 =	vsub.f32 $1.000000000e+00, v13;
	v31 =	vmul.f32 v31, v33;
	v33 =	vld [tilespmem:$0x1FA80]  }
0x1b9: {  	vm4 =	veq.f32 v60, v62;
	v52 =	vsel vm8, $0x3F800000, v43;
	v55 =	vmul.f32 v56, v55  }
0x1ba: {  	vm9 =	veq.f32 v58, v36;
	v8 =	vmul.f32 v57, v52;
	v56 =	vmul.f32 v25, v22  }
0x1bb: {  	v57 =	vmul.f32 v55, v28;
	v32 =	vadd.f32 v31, v21;
	v11 =	vmov v31;
	[tilespmem:$0x1FFD0] =	vst v31;
	v31 =	vld [tilespmem:$0x1FAC0]  }
0x1bc: {  	v1 =	vadd.f32 v1, v10;
	v52 =	vmul.f32 v16, v55;
	v10 =	vmul.f32 v25, v53;
	v28 =	vld [tilespmem:$0x1FAB0]  }
0x1bd: {  	v60 =	vadd.f32 v39, v39;
	v14 =	vmul.f32 v14, v55;
	v51 =	vmul.f32 v25, v33  }
0x1be: {  	vm8 =	veq.f32 v27, v36;
	v22 =	vld [tilespmem:$0x1FAA0];
	v9 =	vmul.f32 v9, v55;
	v41 =	vmul.f32 v41, v55  }
0x1bf: {  	v4 =	vmul.f32 v4, v55;
	v0 =	vadd.f32 v57, v56;
	v56 =	vadd.f32 v52, v51;
	v52 =	vld [tilespmem:$0x1FAD0]  }
0x1c0: {  	[tilespmem:$0x1FD90] =	vst v1;
	v21 =	vsub.f32 $1.000000000e+00, v32;
	v16 =	vadd.f32 v14, v10;
	v33 =	vmul.f32 v25, v31  }
0x1c1: {  	v57 =	vsel vm10, $0x3F800000, v43;
	v1 =	vadd.f32 v8, v13;
	[tilespmem:$0x1FDB0] =	vst v0;
	v10 =	vmul.f32 v25, v28;
	v31 =	vld [tilespmem:$0x1FAE0]  }
0x1c2: {  	[tilespmem:$0x1FDF0] =	vst v16;
	v16 =	vmul.f32 v21, v57;
	v0 =	vadd.f32 v11, v11;
	v14 =	vadd.f32 v41, v33;
	v33 =	vld [tilespmem:$0x1FAF0]  }
0x1c3: {  	[tilespmem:$0x1FFC0] =	vst v39;
	vm11 =	veq.f32 v22, v23;
	v51 =	vsub.f32 $1.000000000e+00, v1;
	v10 =	vadd.f32 v9, v10  }
0x1c4: {  	v57 =	vsel vm11, $0x3F800000, v43;
	[tilespmem:$0x1FDD0] =	vst v56;
	v56 =	vmul.f32 v42, v55;
	v53 =	vmul.f32 v25, v52  }
0x1c5: {  	v39 =	vadd.f32 v16, v16;
	v21 =	vmul.f32 v51, v57;
	v42 =	vld [tilespmem:$0x1FB00];
	[tilespmem:$0x1FE10] =	vst v10;
	v10 =	vadd.f32 v16, v32  }
0x1c6: {  	v51 =	vmul.f32 v15, v55;
	v9 =	vmul.f32 v25, v31;
	v28 =	vadd.f32 v56, v53;
	v56 =	vld [tilespmem:$0x1FB10]  }
0x1c7: {  	v57 =	vsel vm13, $0x3F800000, v43;
	v52 =	vsub.f32 $1.000000000e+00, v10;
	v41 =	vmul.f32 v25, v33  }
0x1c8: {  	v15 =	vsel vm15, $0x3F800000, v43;
	v1 =	vadd.f32 v21, v1;
	[tilespmem:$0x1FE30] =	vst v28;
	v28 =	vadd.f32 v51, v9  }
0x1c9: {  	v57 =	vmul.f32 v52, v57;
	v33 =	vadd.f32 v4, v41;
	v51 =	vadd.f32 v61, v61  }
0x1ca: {  	vm12 =	veq.f32 v42, v23;
	v53 =	vsub.f32 $1.000000000e+00, v1;
	v52 =	vsub.f32 $1.000000000e+00, v15  }
0x1cb: {  	v10 =	vadd.f32 v57, v10;
	[tilespmem:$0x1FE50] =	vst v33;
	v33 =	vsub.f32 v5, v51;
	v22 =	vmul.f32 v56, v54  }
0x1cc: {  	[tilespmem:$0x1FFB0] =	vst v20;
	v1 =	vmul.f32 v56, v23;
	v23 =	vsel vm12, $0x3F800000, v43;
	v56 =	vsel vm4, $0x3F800000, v43  }
0x1cd: {  	v13 =	vld [tilespmem:$0x70];
	[tilespmem:$0x1FE20] =	vst v14;
	v14 =	vmul.f32 v53, v23;
	v53 =	vadd.f32 v20, v20;
	v20 =	vmul.f32 v52, v56  }
0x1ce: {  	[tilespmem:$0x1FE40] =	vst v28;
	v5 =	vld [tilespmem:$0xF0];
	v28 =	vsel vm5, $0x3F800000, v43;
	v31 =	vmul.f32 v22, v35;
	v32 =	vmul.f32 v1, v37  }
0x1cf: {  	v25 =	vld [tilespmem:$0x170];
	v41 =	vsub.f32 $1.000000000e+00, v10;
	v35 =	vmul.f32 v22, v46;
	v2 =	vmul.f32 v2, v1  }
0x1d0: {  	v46 =	vsel vm14, $0x3F800000, v43;
	v59 =	vmul.f32 v22, v59;
	v3 =	vmul.f32 v3, v1  }
0x1d1: {  	v54 =	vmul.f32 v41, v46;
	v23 =	vsub.f32 v34, v53;
	v53 =	vsub.f32 v26, v0  }
0x1d2: {  	v4 =	vld [tilespmem:$0x270];
	v7 =	vmul.f32 v7, v1;
	v37 =	vadd.f32 v32, v31;
	v42 =	vadd.f32 v2, v35  }
0x1d3: {  	v32 =	vld [tilespmem:$0x1F0];
	v31 =	vmax.f32 v13, v5;
	v55 =	vadd.f32 v54, v10;
	v51 =	vadd.f32 v54, v54  }
0x1d4: {  	v46 =	vld [tilespmem:$0x1FB20];
	v35 =	vmax.f32 v31, v25;
	v31 =	vadd.f32 v3, v59;
	[tilespmem:$0x1FE70] =	vst v37;
	v37 =	vsub.f32 v12, v60  }
0x1d5: {  	v6 =	vmul.f32 v6, v1;
	[tilespmem:$0x1FE80] =	vst v42;
	v42 =	vadd.f32 v57, v57;
	v12 =	vld [tilespmem:$0x2F0];
	v60 =	vadd.f32 v20, v15  }
0x1d6: {  	v26 =	vld [tilespmem:$0x370];
	v2 =	vsub.f32 $1.000000000e+00, v55;
	v55 =	vsub.f32 v44, v39;
	v39 =	vmax.f32 v33, v23  }
0x1d7: {  	v34 =	vsub.f32 v63, v51;
	v52 =	vsub.f32 v45, v42;
	v42 =	vld [tilespmem:$0x3F0];
	v56 =	vmax.f32 v39, v37  }
0x1d8: {  	v41 =	vmul.f32 v2, v28;
	v9 =	vmax.f32 v35, v32;
	v2 =	vmax.f32 v56, v53  }
0x1d9: {  	vm6 =	veq.f32 v46, v62;
	v35 =	vld [tilespmem:$0x1FB30];
	v9 =	vmax.f32 v9, v4;
	v2 =	vmax.f32 v2, v55  }
0x1da: {  	v28 =	vadd.f32 v41, v41;
	v9 =	vmax.f32 v9, v12;
	v2 =	vmax.f32 v2, v52  }
0x1db: {  	v63 =	vsub.f32 $1.000000000e+00, v60;
	v9 =	vmax.f32 v9, v26;
	v2 =	vmax.f32 v2, v34  }
0x1dc: {  	[tilespmem:$0x1FFF0] =	vst v41;
	v41 =	vsub.f32 v18, v28;
	v51 =	vmax.f32 v9, v42;
	v28 =	vsel vm6, $0x3F800000, v43  }
0x1dd: {  	v58 =	vld [tilespmem:$0x1FB40];
	[tilespmem:$0x1FFE0] =	vst v16;
	v16 =	vsub.f32 v13, v51;
	v59 =	vmul.f32 v63, v28;
	v5 =	vsub.f32 v5, v51  }
0x1de: {  	vm7 =	veq.f32 v35, v62;
	v56 =	vsub.f32 v32, v51;
	v4 =	vsub.f32 v4, v51  }
0x1df: {  	[tilespmem:$0x1FF90] =	vst v34;
	v12 =	vsub.f32 v12, v51;
	v10 =	vsub.f32 v26, v51;
	v24 =	vmax.f32 v2, v41  }
0x1e0: {  	[tilespmem:$0x1FFA0] =	vst v41;
	v41 =	vsub.f32 v25, v51;
	v45 =	vsel vm7, $0x3F800000, v43;
	v34 =	vadd.f32 v24, v17  }
0x1e1: {  	v2 =	vmul.f32 $1.442695020e+00, v16;
	v39 =	vadd.f32 v59, v60;
	v5 =	vmul.f32 $1.442695020e+00, v5  }
0x1e2: {  	v63 =	vld [tilespmem:$0x1FB50];
	v16 =	vsel vm8, $0x3F800000, v43;
	v60 =	vmul.f32 v22, v58;
	v4 =	vmul.f32 $1.442695020e+00, v4  }
0x1e3: {  	v35 =	vld [tilespmem:$0x1FB70];
	v26 =	vmul.f32 $1.442695020e+00, v12;
	(erf) = vrcp.f32 v34;
	v44 =	vsub.f32 $1.000000000e+00, v39  }
0x1e4: {  	v25 =	vld [tilespmem:$0x1FBB0];
	v46 =	vsub.f32 $1.000000000e+00, v16;
	(erf) = vpow2.f32 v2;
	v2 =	vmul.f32 $1.442695020e+00, v41  }
0x1e5: {  	v11 =	vadd.f32 v7, v60;
	v60 =	vld [tilespmem:$0x1FB90];
	v27 =	vmul.f32 v44, v45;
	(erf) = vpow2.f32 v5  }
0x1e6: {  	[tilespmem:$0x1FF60] =	vst v52;
	v52 =	vsel vm9, $0x3F800000, v43;
	v44 =	vld [tilespmem:$0x1FB80];
	(erf) = vpow2.f32 v2;
	v2 =	vmul.f32 $1.442695020e+00, v56  }
0x1e7: {  	[tilespmem:$0x1FE90] =	vst v31;
	v31 =	vmul.f32 $1.442695020e+00, v10;
	v34 =	vld [tilespmem:$0x1FB60];
	v18 =	vmul.f32 v46, v52  }
0x1e8: {  	v32 =	vsub.f32 v42, v51;
	v9 =	vmul.f32 v22, v63;
	(erf) = vpow2.f32 v2  }
0x1e9: {  	v41 =	vmul.f32 v8, v1;
	v46 =	vmul.f32 v21, v1;
	vm12 =	veq.f32 v25, v36  }
0x1ea: {  	v28 =	vadd.f32 v6, v9;
	v3 =	vadd.f32 v27, v39;
	v39 =	vmul.f32 v22, v35  }
0x1eb: {  	v58 =	vadd.f32 v18, v16;
	v21 =	vmul.f32 v22, v60;
	v45 =	vmul.f32 v22, v44;
	v22 =	vld [tilespmem:$0x1FBA0]  }
0x1ec: {  	vm10 =	veq.f32 v34, v62;
	v2 =	vmul.f32 $1.442695020e+00, v32;
	(erf) = vpow2.f32 v4  }
0x1ed: {  	[tilespmem:$0x1FEC0] =	vst v11;
	v42 =	vsub.f32 $1.000000000e+00, v3;
	v52 =	vadd.f32 v41, v39;
	(erf) = vpow2.f32 v26;
	v41 =	vpop (erf)  }
0x1ee: {  	v35 =	vld [tilespmem:$0x1FBC0];
	[tilespmem:$0x1FED0] =	vst v28;
	v51 =	vsel vm10, $0x3F800000, v43;
	v26 =	vsub.f32 $1.000000000e+00, v58;
	(erf) = vpow2.f32 v31;
	v11 =	vpop (erf)  }
0x1ef: {  	v28 =	vsel vm12, $0x3F800000, v43;
	[tilespmem:$0x1FEE0] =	vst v52;
	v12 =	vmul.f32 v42, v51;
	v52 =	vld [tilespmem:$0x1FBF0];
	(erf) = vpow2.f32 v2;
	v10 =	vpop (erf)  }
0x1f0: {  	v39 =	vld [tilespmem:$0x1FBD0];
	vm11 =	veq.f32 v22, v62;
	v9 =	vpop (erf);
	v31 =	vmax.f32 v11, v10;
	v22 =	vmul.f32 v26, v28  }
0x1f1: {  	v42 =	vld [tilespmem:$0x1FBE0];
	v63 =	vadd.f32 v12, v3;
	v32 =	vmax.f32 v31, v9;
	v6 =	vpop (erf)  }
0x1f2: {  	v14 =	vmul.f32 v14, v1;
	v1 =	vmax.f32 v32, v6;
	v32 =	vadd.f32 v22, v58  }
0x1f3: {  	v56 =	vadd.f32 v46, v45;
	v3 =	vsub.f32 $1.000000000e+00, v63  }
0x1f4: {  	vm13 =	veq.f32 v35, v62;
	vm15 =	veq.f32 v52, v36;
	v58 =	vsub.f32 $1.000000000e+00, v32  }
0x1f5: {  	vm14 =	veq.f32 v39, v62;
	v34 =	vsel vm11, $0x3F800000, v43;
	v60 =	vsel vm15, $0x3F800000, v43;
	v8 =	vpop (erf)  }
0x1f6: {  	v39 =	vld [tilespmem:$0x1FC20];
	v46 =	vmul.f32 v42, v40;
	v1 =	vmax.f32 v1, v8;
	v5 =	vpop (erf);
	v4 =	vmul.f32 v58, v60  }
0x1f7: {  	v35 =	vld [tilespmem:$0x1FC10];
	v0 =	vmul.f32 v42, v62;
	v26 =	vmul.f32 v3, v34;
	v51 =	vmax.f32 v1, v5;
	v3 =	vpop (erf)  }
0x1f8: {  	v44 =	vadd.f32 v14, v21;
	[tilespmem:$0x1FF00] =	vst v56;
	v56 =	vmax.f32 v51, v3;
	v7 =	vpop (erf);
	v14 =	vadd.f32 v4, v32;
	v32 =	vld [tilespmem:$0x1FC00]  }
0x1f9: {  	v62 =	vmul.f32 v46, v47;
	v15 =	vmul.f32 v0, v15;
	v13 =	vmax.f32 v56, v7  }
0x1fa: {  	vm9 =	veq.f32 v48, v19;
	v20 =	vmul.f32 v20, v0;
	vm4 =	veq.f32 v11, v13  }
0x1fb: {  	v21 =	vmul.f32 v46, v39;
	v45 =	vadd.f32 v15, v62;
	v42 =	vsel vm4, $0x3F800000, v43  }
0x1fc: {  	v47 =	vld [tilespmem:$0x1FC50];
	v15 =	vmul.f32 v46, v35;
	vm5 =	veq.f32 v10, v13;
	v28 =	vsub.f32 $1.000000000e+00, v42  }
0x1fd: {  	v58 =	vld [tilespmem:$0x1FC60];
	v31 =	vsel vm5, $0x3F800000, v43;
	v40 =	vsub.f32 $1.000000000e+00, v14;
	vm6 =	veq.f32 v32, v36  }
0x1fe: {  	v1 =	vadd.f32 v26, v63;
	v34 =	vmul.f32 v28, v31;
	v31 =	vld [tilespmem:$0x1FC30];
	v39 =	vsel vm6, $0x3F800000, v43  }
0x1ff: {  	v27 =	vmul.f32 v27, v0;
	v62 =	vadd.f32 v20, v15;
	v15 =	vmul.f32 v40, v39;
	v40 =	vld [tilespmem:$0x1FC40]  }
0x200: {  	v12 =	vmul.f32 v12, v0;
	v26 =	vmul.f32 v26, v0;
	v63 =	vsub.f32 $1.000000000e+00, v1  }
0x201: {  	v2 =	vsel vm13, $0x3F800000, v43;
	v20 =	vmul.f32 v46, v47;
	v32 =	vmul.f32 v59, v0  }
0x202: {  	vm8 =	veq.f32 v9, v13;
	v2 =	vmul.f32 v63, v2;
	v52 =	vadd.f32 v15, v14  }
0x203: {  	v48 =	vld [tilespmem:$0x1FC70];
	v59 =	vadd.f32 v32, v21;
	v21 =	vadd.f32 v34, v42;
	v35 =	vmul.f32 v46, v31  }
0x204: {  	v14 =	vmul.f32 v46, v58;
	v63 =	vsub.f32 $1.000000000e+00, v52;
	vm7 =	veq.f32 v40, v36  }
0x205: {  	v60 =	vsub.f32 $1.000000000e+00, v21;
	v51 =	vadd.f32 v27, v35;
	v39 =	vsel vm7, $0x3F800000, v43  }
0x206: {  	v35 =	vsel vm8, $0x3F800000, v43;
	v40 =	vadd.f32 v12, v20;
	v20 =	vmul.f32 v63, v39  }
0x207: {  	v31 =	vmul.f32 v60, v35;
	v58 =	vadd.f32 v26, v14;
	v14 =	vsel vm9, $0x3F800000, v43  }
0x208: {  	vm10 =	veq.f32 v48, v19;
	v48 =	vadd.f32 v20, v52;
	v52 =	vsub.f32 $1.000000000e+00, v14  }
0x209: {  	v56 =	vsel vm10, $0x3F800000, v43;
	v21 =	vadd.f32 v31, v21;
	v63 =	vld [tilespmem:$0x1FC80]  }
0x20a: {  	v47 =	vmul.f32 v52, v56;
	v52 =	vld [tilespmem:$0x1FC90]  }
0x20b: {  	vm11 =	veq.f32 v6, v13;
	v60 =	vsub.f32 $1.000000000e+00, v21  }
0x20c: {  	vm13 =	veq.f32 v29, v19;
	v32 =	vsel vm11, $0x3F800000, v43  }
0x20d: {  	v1 =	vadd.f32 v2, v1;
	v2 =	vmul.f32 v2, v0;
	v28 =	vmul.f32 v60, v32  }
0x20e: {  	v35 =	vsub.f32 $1.000000000e+00, v48;
	vm12 =	veq.f32 v63, v36;
	v60 =	vadd.f32 v47, v14  }
0x20f: {  	v1 =	vsub.f32 $1.000000000e+00, v1;
	v32 =	vsel vm12, $0x3F800000, v43;
	v56 =	vmul.f32 v46, v52  }
0x210: {  	v12 =	vmul.f32 v35, v32;
	v35 =	vsel vm14, $0x3F800000, v43;
	v52 =	vsub.f32 $1.000000000e+00, v60  }
0x211: {  	v1 =	vmul.f32 v1, v35;
	v35 =	vadd.f32 v2, v56;
	v2 =	vadd.f32 v28, v21  }
0x212: {  	v29 =	vsel vm13, $0x3F800000, v43;
	v63 =	vld [tilespmem:$0x1FCA0]  }
0x213: {  	vm14 =	veq.f32 v8, v13;
	v29 =	vmul.f32 v52, v29;
	v52 =	vld [tilespmem:$0x1FCB0];
	v56 =	vsub.f32 $1.000000000e+00, v2  }
0x214: {  	v32 =	vsel vm14, $0x3F800000, v43  }
0x215: {  	v27 =	vmul.f32 v56, v32;
	v56 =	vld [tilespmem:$0x1FCC0]  }
0x216: {  	vm5 =	veq.f32 v5, v13;
	v39 =	vadd.f32 v12, v48  }
0x217: {  	vm4 =	veq.f32 v30, v19;
	v26 =	vsel vm5, $0x3F800000, v43;
	v2 =	vadd.f32 v27, v2  }
0x218: {  	v46 =	vmul.f32 v46, v63;
	v39 =	vsub.f32 $1.000000000e+00, v39;
	vm15 =	veq.f32 v52, v36  }
0x219: {  	v0 =	vmul.f32 v1, v0;
	v63 =	vsel vm15, $0x3F800000, v43;
	v48 =	vsub.f32 $1.000000000e+00, v2  }
0x21a: {  	v52 =	vld [tilespmem:$0x1FCE0];
	v1 =	vmul.f32 v56, v50;
	v50 =	vmul.f32 v39, v63;
	v39 =	vadd.f32 v29, v60  }
0x21b: {  	v25 =	vsel vm4, $0x3F800000, v43;
	v56 =	vmul.f32 v56, v36;
	v26 =	vmul.f32 v48, v26;
	v48 =	vld [tilespmem:$0x1FCD0]  }
0x21c: {  	vm6 =	veq.f32 v3, v13;
	vm7 =	veq.f32 v38, v19;
	v30 =	vsub.f32 $1.000000000e+00, v39  }
0x21d: {  	v60 =	vadd.f32 v0, v46;
	v36 =	vmul.f32 v1, v49;
	v21 =	vmul.f32 v56, v16  }
0x21e: {  	v18 =	vmul.f32 v18, v56;
	v2 =	vadd.f32 v26, v2;
	v30 =	vmul.f32 v30, v25;
	v25 =	vld [tilespmem:$0x1FCF0]  }
0x21f: {  	v63 =	vmul.f32 v1, v52;
	v22 =	vmul.f32 v22, v56;
	v16 =	vadd.f32 v28, v28  }
0x220: {  	v49 =	vadd.f32 v21, v36;
	v32 =	vsub.f32 $1.000000000e+00, v2;
	v0 =	vmul.f32 v1, v48  }
0x221: {  	v4 =	vmul.f32 v4, v56;
	v48 =	vadd.f32 v22, v63;
	v22 =	vadd.f32 v42, v42  }
0x222: {  	v52 =	vsel vm6, $0x3F800000, v43;
	v39 =	vadd.f32 v30, v39;
	v36 =	vadd.f32 v18, v0  }
0x223: {  	v11 =	vsub.f32 v11, v22;
	v22 =	vadd.f32 v26, v26;
	v0 =	vmul.f32 v1, v25  }
0x224: {  	v6 =	vsub.f32 v6, v16;
	v63 =	vsub.f32 $1.000000000e+00, v39;
	v25 =	vmul.f32 v32, v52  }
0x225: {  	v16 =	vsub.f32 v5, v22;
	v22 =	vld [tilespmem:$0x1FD10];
	v46 =	vadd.f32 v4, v0;
	v0 =	vsel vm7, $0x3F800000, v43  }
0x226: {  	v32 =	vadd.f32 v34, v34;
	v2 =	vadd.f32 v25, v2;
	v18 =	vmul.f32 v63, v0;
	v63 =	vld [tilespmem:$0x1FD00]  }
0x227: {  	v21 =	vadd.f32 v27, v27;
	v52 =	vadd.f32 v31, v31  }
0x228: {  	vm9 =	veq.f32 v7, v13;
	v10 =	vsub.f32 v10, v32;
	v2 =	vsub.f32 $1.000000000e+00, v2  }
0x229: {  	v38 =	vld [tilespmem:$0x1FD20];
	v9 =	vsub.f32 v9, v52;
	v0 =	vsel vm9, $0x3F800000, v43  }
0x22a: {  	v52 =	vsub.f32 v8, v21;
	v32 =	vmul.f32 v2, v0;
	v0 =	vmax.f32 v11, v10  }
0x22b: {  	[tilespmem:$0x400] =	vst v22;
	v22 =	vld [tilespmem:$0x1FD40];
	v8 =	vmax.f32 v0, v9;
	vm8 =	veq.f32 v63, v19;
	v63 =	vadd.f32 v25, v25  }
0x22c: {  	v39 =	vadd.f32 v18, v39;
	v2 =	vmax.f32 v8, v6;
	v8 =	vld [tilespmem:$0x1FD30]  }
0x22d: {  	vm10 =	veq.f32 v33, v24;
	v21 =	vsub.f32 v3, v63;
	v3 =	vadd.f32 v32, v32  }
0x22e: {  	v4 =	vmul.f32 v1, v38;
	v2 =	vmax.f32 v2, v52;
	v63 =	vmul.f32 v15, v56  }
0x22f: {  	v2 =	vmax.f32 v2, v16;
	v15 =	vsub.f32 $1.000000000e+00, v39;
	v38 =	vsub.f32 v7, v3  }
0x230: {  	[tilespmem:$0x500] =	vst v22;
	v22 =	vadd.f32 v63, v4;
	v2 =	vmax.f32 v2, v21;
	v63 =	vsel vm8, $0x3F800000, v43  }
0x231: {  	v5 =	vsel vm10, $0x3F800000, v43;
	[tilespmem:$0x480] =	vst v8;
	v15 =	vmul.f32 v15, v63;
	v8 =	vld [tilespmem:$0x1FD60];
	v3 =	vmax.f32 v2, v38  }
0x232: {  	vm11 =	veq.f32 v23, v24;
	v23 =	vsub.f32 $1.000000000e+00, v5;
	v7 =	vld [tilespmem:$0x1FD50];
	vm12 =	veq.f32 v11, v3  }
0x233: {  	v11 =	vld [tilespmem:$0x1FD70];
	vm13 =	veq.f32 v10, v3;
	v10 =	vadd.f32 v15, v39;
	v39 =	vsel vm11, $0x3F800000, v43  }
0x234: {  	v23 =	vmul.f32 v23, v39;
	v39 =	vld [tilespmem:$0x1FDB0];
	_ =	sdelay $0x1  }
0x235: {  	[tilespmem:$0x600] =	vst v8;
	v8 =	vsel vm12, $0x3F800000, v43  }
0x236: {  	[tilespmem:$0x580] =	vst v7;
	v63 =	vsub.f32 $1.000000000e+00, v8  }
0x237: {  	v7 =	vld [tilespmem:$0x1FDA0];
	[tilespmem:$0x680] =	vst v11;
	v11 =	vsel vm13, $0x3F800000, v43  }
0x238: {  	[tilespmem:$0x410] =	vst v39;
	v39 =	vmul.f32 v63, v11;
	v63 =	vld [tilespmem:$0x1FDC0];
	_ =	sdelay $0x3  }
0x239: {  	v4 =	vld [tilespmem:$0x1FD90]  }
0x23a: {  	vm14 =	veq.f32 v7, v19;
	v7 =	vmul.f32 v1, v63;
	v63 =	vld [tilespmem:$0x1FDF0];
	_ =	sdelay $0x3  }
0x23b: {  	[tilespmem:$0x780] =	vst v4;
	v4 =	vld [tilespmem:$0x1FDD0]  }
0x23c: {  	[tilespmem:$0x510] =	vst v63;
	v63 =	vld [tilespmem:$0x1FE00];
	_ =	sdelay $0x4  }
0x23d: {  	[tilespmem:$0x490] =	vst v4;
	v4 =	vmul.f32 v1, v63;
	v63 =	vld [tilespmem:$0x1FE10];
	_ =	sdelay $0x4  }
0x23e: {  	[tilespmem:$0x590] =	vst v63;
	v63 =	vld [tilespmem:$0x1FE20];
	_ =	sdelay $0x3  }
0x23f: {  	v33 =	vld [tilespmem:$0x1FD80]  }
0x240: {  	[tilespmem:$0x610] =	vst v63;
	v63 =	vld [tilespmem:$0x1FE30];
	_ =	sdelay $0x3  }
0x241: {  	[tilespmem:$0x700] =	vst v33;
	v33 =	vld [tilespmem:$0x1FDE0]  }
0x242: {  	v11 =	vsub.f32 $1.000000000e+00, v10;
	[tilespmem:$0x690] =	vst v63;
	v63 =	vld [tilespmem:$0x1FE40]  }
0x243: {  	v2 =	vadd.f32 v23, v5;
	v0 =	vsel vm14, $0x3F800000, v43  }
0x244: {  	vm15 =	veq.f32 v37, v24;
	v11 =	vmul.f32 v11, v0;
	v0 =	vadd.f32 v39, v8  }
0x245: {  	vm6 =	veq.f32 v53, v24;
	v53 =	vld [tilespmem:$0x1FE90];
	vm4 =	veq.f32 v9, v3;
	v9 =	vsub.f32 $1.000000000e+00, v2  }
0x246: {  	v37 =	vsel vm15, $0x3F800000, v43;
	v33 =	vmul.f32 v1, v33;
	v1 =	vsub.f32 $1.000000000e+00, v0  }
0x247: {  	v37 =	vmul.f32 v9, v37;
	v9 =	vsel vm4, $0x3F800000, v43;
	[tilespmem:$0x710] =	vst v63;
	v63 =	vld [tilespmem:$0x1FE60]  }
0x248: {  	v9 =	vmul.f32 v1, v9;
	v1 =	vmul.f32 v12, v56;
	v12 =	vld [tilespmem:$0x1FE50];
	_ =	sdelay $0x1  }
0x249: {  	v20 =	vmul.f32 v20, v56;
	[tilespmem:$0x520] =	vst v53;
	v10 =	vadd.f32 v11, v10  }
0x24a: {  	v53 =	vld [tilespmem:$0x1FEB0];
	[tilespmem:$0x4C0] =	vst v36;
	v36 =	vadd.f32 v3, v13  }
0x24b: {  	v20 =	vadd.f32 v20, v7;
	v7 =	vsub.f32 $1.000000000e+00, v10;
	vm5 =	veq.f32 v63, v19;
	v63 =	vld [tilespmem:$0x1FE80]  }
0x24c: {  	[tilespmem:$0x790] =	vst v12;
	v12 =	vmul.f32 v50, v56;
	v50 =	vld [tilespmem:$0x1FE70];
	v56 =	vsel vm5, $0x3F800000, v43  }
0x24d: {  	(erf) = vrcp.f32 v36;
	v10 =	vmul.f32 v7, v56;
	v56 =	vld [tilespmem:$0x1FEA0];
	_ =	sdelay $0x1  }
0x24e: {  	v2 =	vadd.f32 v37, v2;
	v0 =	vadd.f32 v9, v0  }
0x24f: {  	vm7 =	veq.f32 v6, v3;
	[tilespmem:$0x4A0] =	vst v63;
	v63 =	vld [tilespmem:$0x1FEC0]  }
0x250: {  	[tilespmem:$0x420] =	vst v50;
	v50 =	vsub.f32 $1.000000000e+00, v0;
	v19 =	vmul.f32 v53, v19;
	v7 =	vsub.f32 $1.000000000e+00, v2  }
0x251: {  	v6 =	vmul.f32 v53, v56;
	v53 =	vsel vm6, $0x3F800000, v43;
	v56 =	vsel vm7, $0x3F800000, v43  }
0x252: {  	v1 =	vadd.f32 v1, v33;
	v33 =	vmul.f32 v7, v53;
	v7 =	vmul.f32 v50, v56;
	v56 =	vld [tilespmem:$0x1FEF0]  }
0x253: {  	v53 =	vld [tilespmem:$0x1FEE0]  }
0x254: {  	[tilespmem:$0x5A0] =	vst v63;
	v63 =	vld [tilespmem:$0x1FED0]  }
0x255: {  	[tilespmem:$0x5C0] =	vst v46;
	v46 =	vmul.f32 v41, v17;
	vm8 =	veq.f32 v55, v24;
	v36 =	vpop (erf)  }
0x256: {  	[tilespmem:$0x7A0] =	vst v44;
	vm9 =	veq.f32 v52, v3;
	vm11 =	veq.f32 v16, v3;
	v13 =	vmul.f32 v36, v13  }
0x257: {  	[tilespmem:$0x430] =	vst v45;
	vm15 =	veq.f32 v38, v3;
	v4 =	vadd.f32 v12, v4;
	v12 =	vmul.f32 v6, v56;
	v56 =	vld [tilespmem:$0x1FF20]  }
0x258: {  	vm13 =	veq.f32 v21, v3;
	v3 =	vmul.f32 v36, v3;
	v42 =	vmul.f32 v13, v42;
	[tilespmem:$0x6A0] =	vst v53;
	v53 =	vld [tilespmem:$0x1FF10]  }
0x259: {  	v14 =	vmul.f32 v19, v14;
	v47 =	vmul.f32 v47, v19;
	v0 =	vadd.f32 v7, v0;
	[tilespmem:$0x620] =	vst v63;
	v63 =	vld [tilespmem:$0x1FF00]  }
0x25a: {  	[tilespmem:$0x530] =	vst v59;
	v59 =	vsel vm9, $0x3F800000, v43;
	v29 =	vmul.f32 v29, v19;
	v30 =	vmul.f32 v30, v19  }
0x25b: {  	[tilespmem:$0x4B0] =	vst v62;
	v62 =	vld [tilespmem:$0x1FF40];
	v18 =	vmul.f32 v18, v19;
	v15 =	vmul.f32 v15, v19;
	v55 =	vsub.f32 $1.000000000e+00, v0  }
0x25c: {  	[tilespmem:$0x6B0] =	vst v58;
	v2 =	vadd.f32 v33, v2;
	v12 =	vadd.f32 v14, v12;
	v14 =	vmul.f32 v6, v56;
	v56 =	vld [tilespmem:$0x1FF30]  }
0x25d: {  	[tilespmem:$0x630] =	vst v40;
	v58 =	vsel vm11, $0x3F800000, v43;
	v40 =	vmul.f32 v55, v59;
	v59 =	vld [tilespmem:$0x1FF90];
	v50 =	vmul.f32 v6, v53  }
0x25e: {  	v11 =	vmul.f32 v11, v19;
	v10 =	vmul.f32 v10, v19;
	v55 =	vld [tilespmem:$0x1FF80];
	[tilespmem:$0x720] =	vst v63;
	v63 =	vsub.f32 $1.000000000e+00, v2  }
0x25f: {  	[tilespmem:$0x5B0] =	vst v51;
	v0 =	vadd.f32 v40, v0;
	v53 =	vsel vm8, $0x3F800000, v43;
	v45 =	vadd.f32 v47, v50;
	v50 =	vld [tilespmem:$0x1FF60]  }
0x260: {  	[tilespmem:$0x730] =	vst v35;
	v44 =	vmul.f32 v6, v62;
	v14 =	vadd.f32 v29, v14;
	v29 =	vmul.f32 v63, v53;
	v63 =	vld [tilespmem:$0x1FF50]  }
0x261: {  	[tilespmem:$0x7B0] =	vst v60;
	v62 =	vsel vm13, $0x3F800000, v43;
	v53 =	vld [tilespmem:$0x1FF70];
	v47 =	vmul.f32 v6, v56;
	v56 =	vsub.f32 $1.000000000e+00, v0  }
0x262: {  	[tilespmem:$0x440] =	vst v49;
	v7 =	vmul.f32 v7, v3;
	v18 =	vadd.f32 v18, v44;
	vm12 =	veq.f32 v59, v24  }
0x263: {  	[tilespmem:$0x540] =	vst v48;
	v19 =	vsel vm12, $0x3F800000, v43;
	v2 =	vadd.f32 v29, v2;
	v16 =	vmul.f32 v56, v58;
	v58 =	vld [tilespmem:$0x1FFD0]  }
0x264: {  	[tilespmem:$0x4D0] =	vst v45;
	v45 =	vmul.f32 v13, v34;
	vm10 =	veq.f32 v50, v24;
	v50 =	vmul.f32 v46, v61;
	v61 =	vld [tilespmem:$0x1FFE0]  }
0x265: {  	[tilespmem:$0x640] =	vst v22;
	v30 =	vadd.f32 v30, v47;
	v51 =	vsub.f32 $1.000000000e+00, v2;
	v47 =	vmul.f32 v6, v63  }
0x266: {  	[tilespmem:$0x6C0] =	vst v20;
	v52 =	vsel vm10, $0x3F800000, v43;
	v44 =	vmul.f32 v6, v53;
	v6 =	vmul.f32 v6, v55  }
0x267: {  	v0 =	vadd.f32 v16, v0;
	[tilespmem:$0x5D0] =	vst v30;
	v30 =	vmul.f32 v46, v54;
	v54 =	vmul.f32 v40, v3  }
0x268: {  	[tilespmem:$0x740] =	vst v1;
	v35 =	vmul.f32 v51, v52;
	v15 =	vadd.f32 v15, v47;
	v47 =	vmul.f32 v41, v24  }
0x269: {  	[tilespmem:$0x650] =	vst v18;
	v51 =	vsub.f32 $1.000000000e+00, v0;
	v18 =	vmul.f32 v46, v58;
	v21 =	vmul.f32 v46, v61  }
0x26a: {  	[tilespmem:$0x7C0] =	vst v4;
	v63 =	vld [tilespmem:$0x1FFA0];
	v48 =	vadd.f32 v11, v44;
	v5 =	vmul.f32 v47, v5;
	v53 =	vmul.f32 v23, v47  }
0x26b: {  	[tilespmem:$0x450] =	vst v12;
	v55 =	vld [tilespmem:$0x1FFC0];
	v6 =	vadd.f32 v10, v6;
	v12 =	vmul.f32 v51, v62;
	v56 =	vmul.f32 v37, v47  }
0x26c: {  	[tilespmem:$0x550] =	vst v14;
	v52 =	vld [tilespmem:$0x1FFB0];
	v41 =	vsel vm15, $0x3F800000, v43;
	v59 =	vmul.f32 v33, v47;
	v62 =	vmul.f32 v29, v47  }
0x26d: {  	v2 =	vadd.f32 v35, v2;
	[tilespmem:$0x6D0] =	vst v15;
	v29 =	vmul.f32 v46, v57;
	v37 =	vmul.f32 v35, v47  }
0x26e: {  	[tilespmem:$0x750] =	vst v48;
	v48 =	vmul.f32 v13, v31;
	v51 =	vmul.f32 v13, v28;
	v5 =	vadd.f32 v5, v50  }
0x26f: {  	[tilespmem:$0x7D0] =	vst v6;
	v57 =	vmul.f32 v16, v3;
	v60 =	vsub.f32 $1.000000000e+00, v2;
	v23 =	vadd.f32 v59, v18  }
0x270: {  	v33 =	vld [tilespmem:$0x1FFF0];
	vm14 =	veq.f32 v63, v24;
	v14 =	vmul.f32 v46, v55;
	v24 =	vadd.f32 v62, v21;
	[tilespmem:$0x460] =	vst v5  }
0x271: {  	v10 =	vmul.f32 v46, v52;
	v0 =	vadd.f32 v12, v0;
	v55 =	vadd.f32 v7, v51;
	[tilespmem:$0x5E0] =	vst v23  }
0x272: {  	v49 =	vmul.f32 v60, v19;
	v63 =	vadd.f32 v56, v14;
	v56 =	vmul.f32 v13, v26;
	[tilespmem:$0x660] =	vst v24  }
0x273: {  	v62 =	vmul.f32 v13, v32;
	v10 =	vadd.f32 v53, v10;
	v0 =	vsub.f32 $1.000000000e+00, v0;
	[tilespmem:$0x5F0] =	vst v55  }
0x274: {  	v53 =	vmul.f32 v13, v27;
	v2 =	vadd.f32 v49, v2;
	[tilespmem:$0x560] =	vst v63;
	v61 =	vadd.f32 v57, v56  }
0x275: {  	v1 =	vmul.f32 v46, v33;
	v38 =	vmul.f32 v49, v47;
	[tilespmem:$0x4E0] =	vst v10;
	v10 =	vadd.f32 v37, v29  }
0x276: {  	v46 =	vmul.f32 v39, v3;
	v0 =	vmul.f32 v0, v41;
	v58 =	vadd.f32 v54, v53;
	[tilespmem:$0x6F0] =	vst v61  }
0x277: {  	v49 =	vmul.f32 v9, v3;
	v2 =	vsub.f32 $1.000000000e+00, v2;
	v4 =	vadd.f32 v38, v30;
	[tilespmem:$0x6E0] =	vst v10  }
0x278: {  	v60 =	vsel vm14, $0x3F800000, v43;
	v50 =	vadd.f32 v46, v45;
	v0 =	vmul.f32 v0, v3;
	[tilespmem:$0x670] =	vst v58  }
0x279: {  	v44 =	vmul.f32 v3, v8;
	v52 =	vadd.f32 v49, v48;
	v2 =	vmul.f32 v2, v60;
	[tilespmem:$0x760] =	vst v4  }
0x27a: {  	v59 =	vmul.f32 v13, v25;
	[tilespmem:$0x4F0] =	vst v50;
	v60 =	vmul.f32 v12, v3;
	v0 =	vadd.f32 v0, v62  }
0x27b: {  	[tilespmem:$0x570] =	vst v52;
	v2 =	vmul.f32 v2, v47;
	v47 =	vadd.f32 v44, v42  }
0x27c: {  	v63 =	vadd.f32 v60, v59;
	[tilespmem:$0x7F0] =	vst v0  }
0x27d: {  	v1 =	vadd.f32 v2, v1;
	[tilespmem:$0x470] =	vst v47  }
0x27e: {  	p0 =	sne.s32 s4, $0x1;
	[tilespmem:$0x770] =	vst v63  }
.Ltmp1:
0x27f: {  	[tilespmem:$0x7E0] =	vst v1;
	(pc) =	sbr.rel @p0 .LBB2_2-.Ltmp1, $4  }
0x280: {  	[hbm4b:s3+s5] =	stream.linear.scatter [tilespmem:s7], [sflag:$0x1], $0x400, $0x38;
	[tilespmem:$0x800] =	vst v63  }
0x281: {  	_ =	swait.ge [sflag:s6], $0x400  }
0x282: {  	[sflag:s6] =	ssyncset.done $0x0  }
0x283: {  	s4 =	sadd.s32 $0xFFFFFFFF, s4;
	[sflag:s6] =	ssyncadd.s32 $0xFFFFFC00  }
.LBB2_3:
0x284: {  	_ =	sfence.sel $0x180000  }
0x285: {  	[bflag:$0x0] =	sbarrier.arrive $0xFFFF  }
0x286: {  	p0 =	sne.s32 s0, $0x0;
	_ =	strace $0x90000047  }
0x287: {  	s0 =	sadd.s32 @!p0 $0x100000, s1;
	[bflag:$0x2] =	sbarrier.arrive $0xFFFF  }
0x288: {  	[sflag:s0] =	ssyncadd.tile.s32 @!p0 $0x1;
	_ =	shalt  }
.Lfunc_end2:
_tile_overlayer_lowered:
.L_overlay_start_2:
0x289: {  	(tag) =	ssettag $0x2  }
0x28a: {  	s0 =	rddreg [dreg:$0x0];
	s2 =	stileid.u32  }
0x28b: {  	s1 =	rddreg [dreg:$0x1];
	p0 =	sne.s32 s2, $0x0  }
0x28c: {  	s3 =	rddreg [dreg:$0x2];
	[bflag:$0x3] =	sbarrier.arrive $0xFFFF;
	s2 =	simm.s32 @!p0 $0x1C01  }
0x28d: {  	[timem:s3], [sflag:s2] =	dma.local @!p0 [hbm:s0], s1  }
0x28e: {  	s0 =	simm.s32 @!p0 $0x1  }
0x28f: {  	_ =	swait.ge @!p0 [sflag:s0], s1  }
0x290: {  	s1 =	ssub.s32 @!p0 $0x0, s1;
	[sflag:s0] =	ssyncset.done @!p0 $0x0  }
0x291: {  	[sflag:s0] =	ssyncadd.s32 @!p0 s1  }
0x292: {  	[bflag:$0x3] =	sbarrier.arrive $0xFFFF  }
0x293: {  	_ =	shalt  }

</sc_bundles>
